<compile_context>
chip_gen: v7x
topology: tpu7x:2x2x1
jax: 0.10.2.dev20260603
libtpu: 0.0.44.dev20260713+nightly
codegen_flags: <defaults>
</compile_context>

<pallas_src>
import functools

import jax
import jax.numpy as jnp
from jax import lax
from jax.experimental import pallas as pl
from jax.experimental.pallas import tpu as pltpu
from jax.experimental.pallas import tpu_sc as plsc

_BN = 1000
_CH = 128
_NTILE = 16
_NCORE = 2
_EPS = 1e-6



def _layer_norm_in_kernel(h, g, b):
    mu = jnp.mean(h, axis=-1, keepdims=True)
    var = jnp.mean((h - mu) * (h - mu), axis=-1, keepdims=True)
    return (h - mu) / jnp.sqrt(var + _EPS) * g + b


def _embed_ln_msgsrc_body(vocab, hs, n, x_ref, emb_ref, g_ref, b_ref,
                          wcat_ref, col_ref, attr_ref, hn_ref, xws_ref,
                          gidx_ref):
    xb = x_ref[0, 0, :]
    oh = (xb[:, None] == lax.broadcasted_iota(jnp.int32, (xb.shape[0], vocab), 1)
          ).astype(jnp.float32)
    h = jnp.dot(oh, emb_ref[...], preferred_element_type=jnp.float32)
    hn = _layer_norm_in_kernel(h, g_ref[0, :], b_ref[0, :])
    hn_ref[...] = hn
    xw = jnp.dot(hn, wcat_ref[...], preferred_element_type=jnp.float32)
    for t in range(4):
        xws_ref[t] = xw[:, t * hs:(t + 1) * hs]
    gidx_ref[0] = attr_ref[0] * n + col_ref[0]


def _mid_body(hs, hn_ref, parts_ref, w1_ref, b1_ref, w2_ref, b2_ref,
              g_ref, b_ref, wcat_ref, hn2_ref, xws_ref):
    h = hn_ref[...] + parts_ref[0] + parts_ref[1]
    inter = jnp.dot(h, w1_ref[...], preferred_element_type=jnp.float32) + b1_ref[0, :]
    inter = jnp.where(inter >= 0, inter, 0.01 * inter)
    h = h + jnp.dot(inter, w2_ref[...], preferred_element_type=jnp.float32) + b2_ref[0, :]
    hn = _layer_norm_in_kernel(h, g_ref[0, :], b_ref[0, :])
    hn2_ref[...] = hn
    xw = jnp.dot(hn, wcat_ref[...], preferred_element_type=jnp.float32)
    for t in range(4):
        xws_ref[t] = xw[:, t * hs:(t + 1) * hs]


def _final_body(nblocks, ngraphs, hn_ref, parts_ref, w1_ref, b1_ref, w2_ref,
                b2_ref, batch_ref, hw_ref, hb_ref, hf_ref, vec_ref, prop_ref,
                cnt_ref):
    i = pl.program_id(0)
    h = hn_ref[...] + parts_ref[0] + parts_ref[1]
    inter = jnp.dot(h, w1_ref[...], preferred_element_type=jnp.float32) + b1_ref[0, :]
    inter = jnp.where(inter >= 0, inter, 0.01 * inter)
    hf = h + jnp.dot(inter, w2_ref[...], preferred_element_type=jnp.float32) + b2_ref[0, :]
    hf_ref[...] = hf

    bb = batch_ref[0, 0, :]
    oh = (bb[:, None] == lax.broadcasted_iota(jnp.int32, (bb.shape[0], ngraphs), 1)
          ).astype(jnp.float32)
    psum = lax.dot_general(oh, hf, (((0,), (0,)), ((), ())),
                           preferred_element_type=jnp.float32)
    pcnt = jnp.sum(oh, axis=0)

    @pl.when(i == 0)
    def _():
        vec_ref[...] = psum
        cnt_ref[0, :] = pcnt

    @pl.when(i > 0)
    def _():
        vec_ref[...] += psum
        cnt_ref[0, :] += pcnt

    @pl.when(i == nblocks - 1)
    def _():
        cnt = jnp.maximum(cnt_ref[0, :], 1.0)
        v = vec_ref[...] / cnt[:, None]
        vec_ref[...] = v
        prop_ref[...] = (jnp.sum(v * hw_ref[...], axis=1, keepdims=True)
                         + hb_ref[0, 0])



_SB = 8


def _sc_edge_scatter(xwflat, gidx2, row2, n_nodes, hs):
    nch = gidx2.shape[0]
    nworkers = _NCORE * _NTILE
    assert nch % (nworkers * _SB) == 0
    nsuper = nch // (nworkers * _SB)
    per_w = nsuper * _SB

    n_acc = n_nodes + _CH
    unit = (n_nodes // _NTILE) // 8 * 8
    tail = n_nodes - _NTILE * unit
    nfull = unit // _CH
    rem = unit - nfull * _CH

    mesh = plsc.VectorSubcoreMesh(core_axis_name="c", subcore_axis_name="s")

    @functools.partial(
        pl.kernel,
        out_type=jax.ShapeDtypeStruct((_NCORE, n_nodes, hs), jnp.float32),
        mesh=mesh,
        scratch_types=[
            pltpu.VMEM_SHARED((n_acc, hs), jnp.float32),
            pltpu.VMEM((_SB, _CH), jnp.int32),
            pltpu.VMEM((_SB, _CH), jnp.int32),
            pltpu.VMEM((_CH, hs), jnp.float32),
            pltpu.VMEM((_CH, hs), jnp.float32),
            pltpu.SemaphoreType.DMA,
            pltpu.SemaphoreType.DMA,
            pltpu.SemaphoreType.DMA,
            pltpu.SemaphoreType.DMA,
        ],
    )
    def k(xw_hbm, gidx_hbm, rowi_hbm, out_hbm,
          acc_sh, gidx_sb, row_sb, rows0, rows1, gsem0, gsem1, ssem0, ssem1):
        cid = lax.axis_index("c")
        sid = lax.axis_index("s")
        wid = cid * _NTILE + sid

        zeros16 = jnp.zeros((16,), jnp.float32)

        def zrow(r, _):
            for j in range(hs // 16):
                rows0[r, pl.ds(j * 16, 16)] = zeros16
            return 0

        lax.fori_loop(0, _CH, zrow, 0)
        r0 = sid * unit
        for kk in range(nfull):
            pltpu.sync_copy(rows0, acc_sh.at[pl.ds(r0 + kk * _CH, _CH)])
        if rem > 0:
            pltpu.sync_copy(rows0.at[pl.ds(0, rem)],
                            acc_sh.at[pl.ds(r0 + nfull * _CH, rem)])

        @pl.when(sid == _NTILE - 1)
        def _():
            if tail > 0:
                pltpu.sync_copy(rows0.at[pl.ds(0, tail)],
                                acc_sh.at[pl.ds(_NTILE * unit, tail)])

        plsc.subcore_barrier()

        c_base = wid * per_w

        def super_chunk(s, _):
            c0 = c_base + s * _SB
            pltpu.sync_copy(gidx_hbm.at[pl.ds(c0, _SB)], gidx_sb)
            pltpu.sync_copy(rowi_hbm.at[pl.ds(c0, _SB)], row_sb)
            bufs = (rows0, rows1)
            gsems = (gsem0, gsem1)
            ssems = (ssem0, ssem1)
            gd = [None] * _SB
            sd = [None] * _SB
            for kk in range(_SB):
                b = kk % 2
                if kk >= 2:
                    sd[kk - 2].wait()
                gd[kk] = pltpu.async_copy(xw_hbm.at[gidx_sb.at[kk]],
                                          bufs[b], gsems[b])
                if kk >= 1:
                    pb = (kk - 1) % 2
                    gd[kk - 1].wait()
                    sd[kk - 1] = pltpu.async_copy(
                        bufs[pb], acc_sh.at[row_sb.at[kk - 1]], ssems[pb],
                        add=True)
            last = _SB - 1
            gd[last].wait()
            sd[last] = pltpu.async_copy(
                bufs[last % 2], acc_sh.at[row_sb.at[last]], ssems[last % 2],
                add=True)
            sd[last - 1].wait()
            sd[last].wait()
            return 0

        lax.fori_loop(0, nsuper, super_chunk, 0)
        plsc.subcore_barrier()

        for kk in range(nfull):
            pltpu.sync_copy(acc_sh.at[pl.ds(r0 + kk * _CH, _CH)],
                            out_hbm.at[cid, pl.ds(r0 + kk * _CH, _CH)])
        if rem > 0:
            pltpu.sync_copy(acc_sh.at[pl.ds(r0 + nfull * _CH, rem)],
                            out_hbm.at[cid, pl.ds(r0 + nfull * _CH, rem)])

        @pl.when(sid == _NTILE - 1)
        def _():
            if tail > 0:
                pltpu.sync_copy(acc_sh.at[pl.ds(_NTILE * unit, tail)],
                                out_hbm.at[cid, pl.ds(_NTILE * unit, tail)])

    return k(xwflat, gidx2, row2)



def kernel(x, edge_index, edge_attr, batch, params):
    n = x.shape[0]
    hs = params['emb'].shape[1]
    vocab = params['emb'].shape[0]
    nint = params['ff_w1_0'].shape[1]
    ngraphs = 64
    nb = n // _BN
    assert n % _BN == 0

    row = edge_index[0].astype(jnp.int32)
    col = edge_index[1].astype(jnp.int32)
    attr = edge_attr.astype(jnp.int32)
    x3 = x.astype(jnp.int32).reshape(nb, 1, _BN)
    batch3 = batch.astype(jnp.int32).reshape(nb, 1, _BN)

    ne = row.shape[0]
    assert ne % _CH == 0
    nch = ne // _CH
    gran = _NCORE * _NTILE * _SB
    nch_pad = -(-nch // gran) * gran
    trash = n + jnp.arange(_CH, dtype=jnp.int32)
    row2 = jnp.concatenate(
        [row.reshape(nch, _CH),
         jnp.broadcast_to(trash, (nch_pad - nch, _CH))], axis=0)

    f32 = jnp.float32
    row_spec = pl.BlockSpec((_BN, hs), lambda i: (i, 0))
    idx_spec = pl.BlockSpec((1, 1, _BN), lambda i: (i, 0, 0))
    parts_spec = pl.BlockSpec((_NCORE, _BN, hs), lambda i: (0, i, 0))
    xws_spec = pl.BlockSpec((4, _BN, hs), lambda i: (0, i, 0))
    full = lambda shape: pl.BlockSpec(shape, lambda i: tuple(0 for _ in shape))

    def wcat(l):
        names = ['i', 'ii', 'iii', 'a']
        return jnp.concatenate([params[f'W_{nm}_{l}'] for nm in names], axis=1)

    ech = nch // nb
    assert nch % nb == 0
    ech_spec = pl.BlockSpec((1, ech, _CH), lambda i: (i, 0, 0))
    hn0, xws0, gidx3 = pl.pallas_call(
        functools.partial(_embed_ln_msgsrc_body, vocab, hs, n),
        grid=(nb,),
        in_specs=[idx_spec, full((vocab, hs)), full((1, hs)), full((1, hs)),
                  full((hs, 4 * hs)), ech_spec, ech_spec],
        out_specs=[row_spec, xws_spec, ech_spec],
        out_shape=[jax.ShapeDtypeStruct((n, hs), f32),
                   jax.ShapeDtypeStruct((4, n, hs), f32),
                   jax.ShapeDtypeStruct((nb, ech, _CH), jnp.int32)],
    )(x3, params['emb'], params['ln_g_0'].reshape(1, hs),
      params['ln_b_0'].reshape(1, hs), wcat(0),
      col.reshape(nb, ech, _CH), attr.reshape(nb, ech, _CH))

    gidx2 = jnp.concatenate(
        [gidx3.reshape(nch, _CH),
         jnp.broadcast_to(jnp.arange(_CH, dtype=jnp.int32),
                          (nch_pad - nch, _CH))], axis=0)

    parts0 = _sc_edge_scatter(xws0.reshape(4 * n, hs), gidx2, row2, n, hs)

    hn1, xws1 = pl.pallas_call(
        functools.partial(_mid_body, hs),
        grid=(nb,),
        in_specs=[row_spec, parts_spec, full((hs, nint)), full((1, nint)),
                  full((nint, hs)), full((1, hs)), full((1, hs)),
                  full((1, hs)), full((hs, 4 * hs))],
        out_specs=[row_spec, xws_spec],
        out_shape=[jax.ShapeDtypeStruct((n, hs), f32),
                   jax.ShapeDtypeStruct((4, n, hs), f32)],
    )(hn0, parts0, params['ff_w1_0'], params['ff_b1_0'].reshape(1, -1),
      params['ff_w2_0'], params['ff_b2_0'].reshape(1, hs),
      params['ln_g_1'].reshape(1, hs), params['ln_b_1'].reshape(1, hs),
      wcat(1))

    parts1 = _sc_edge_scatter(xws1.reshape(4 * n, hs), gidx2, row2, n, hs)

    hw_row = params['head_w'].reshape(hs)[None, :]
    hf, vec, prop = pl.pallas_call(
        functools.partial(_final_body, nb, ngraphs),
        grid=(nb,),
        in_specs=[row_spec, parts_spec, full((hs, nint)), full((1, nint)),
                  full((nint, hs)), full((1, hs)), idx_spec,
                  full((1, hs)), full((1, 1))],
        out_specs=[row_spec,
                   pl.BlockSpec((ngraphs, hs), lambda i: (0, 0)),
                   pl.BlockSpec((ngraphs, 1), lambda i: (0, 0))],
        out_shape=[jax.ShapeDtypeStruct((n, hs), f32),
                   jax.ShapeDtypeStruct((ngraphs, hs), f32),
                   jax.ShapeDtypeStruct((ngraphs, 1), f32)],
        scratch_shapes=[pltpu.VMEM((1, ngraphs), f32)],
    )(hn1, parts1, params['ff_w1_1'], params['ff_b1_1'].reshape(1, -1),
      params['ff_w2_1'], params['ff_b2_1'].reshape(1, hs), batch3,
      hw_row, params['head_b'].reshape(1, 1))

    return prop, vec, hf

# --- scband reference (transcript-rebuilt; emitter-appended) ---
"""Pipeline reference for scband-gcnmodel-59605556134264 (READ-ONLY COPY).

The authoritative reference and input builder live on the scoring server;
editing this copy changes nothing except your own understanding.
"""

import jax, jax.numpy as jnp
import numpy as np

N = 10000
E = 320000
HS = 128
INTER = 512
LAYERS = 2
VOCAB = 64
G = 64
BOND_NAMES = ['i', 'ii', 'iii', 'a']  # bond types 0=SINGLE,1=DOUBLE,2=TRIPLE,3=AROMATIC


def setup_inputs(seed: int = 0) -> dict:
    key = jax.random.key(seed)
    ks = jax.random.split(key, 16)
    x = jax.random.randint(ks[0], (N,), 0, VOCAB)
    edge_index = jax.random.randint(ks[1], (2, E), 0, N)
    edge_attr = jax.random.randint(ks[2], (E,), 0, 4)
    batch = jnp.sort(jax.random.randint(ks[3], (N,), 0, G))
    params = {}
    emb = jax.random.normal(ks[4], (VOCAB, HS), dtype=jnp.float32) * 0.02
    params['emb'] = emb.at[0].set(0.0)  # padding_idx=0
    for l in range(LAYERS):
        kk = jax.random.split(ks[5 + l], 8)
        params[f'ln_g_{l}'] = jnp.ones((HS,), jnp.float32)
        params[f'ln_b_{l}'] = jnp.zeros((HS,), jnp.float32)
        for t, name in enumerate(BOND_NAMES):
            params[f'W_{name}_{l}'] = jax.random.normal(kk[t], (HS, HS), dtype=jnp.float32) / np.sqrt(HS)
        params[f'ff_w1_{l}'] = jax.random.normal(kk[4], (HS, INTER), dtype=jnp.float32) / np.sqrt(HS)
        params[f'ff_b1_{l}'] = jnp.zeros((INTER,), jnp.float32)
        params[f'ff_w2_{l}'] = jax.random.normal(kk[5], (INTER, HS), dtype=jnp.float32) / np.sqrt(INTER)
        params[f'ff_b2_{l}'] = jnp.zeros((HS,), jnp.float32)
    params['head_w'] = jax.random.normal(ks[10], (HS, 1), dtype=jnp.float32) / np.sqrt(HS)
    params['head_b'] = jnp.zeros((1,), jnp.float32)
    return {'x': x, 'edge_index': edge_index, 'edge_attr': edge_attr, 'batch': batch, 'params': params}


def _layer_norm(h, g, b, eps=1e-06):
    mu = jnp.mean(h, axis=-1, keepdims=True)
    var = jnp.var(h, axis=-1, keepdims=True)
    return (h - mu) / jnp.sqrt(var + eps) * g + b


def _gcn_conv(h, W, row, col, mask):
    # GCNConv(add_self_loops=False, normalize=False, bias=False) with SparseTensor(row, col, value=1):
    # out[row] += (h @ W)[col], restricted to edges of this bond type (mask).
    xw = h @ W
    msg = jnp.take(xw, col, axis=0) * mask[:, None]
    return jnp.zeros_like(h).at[row].add(msg)


def _forward(x, edge_index, edge_attr, batch, params):
    row, col = edge_index[0], edge_index[1]
    h = jnp.take(params['emb'], x, axis=0)  # embedding lookup
    for l in range(LAYERS):
        hn = _layer_norm(h, params[f'ln_g_{l}'], params[f'ln_b_{l}'])
        out = jnp.zeros_like(hn)
        for t, name in enumerate(BOND_NAMES):
            mask = (edge_attr == t).astype(hn.dtype)
            out = out + _gcn_conv(hn, params[f'W_{name}_{l}'], row, col, mask)
        h = hn + out  # residual over normalized states (matches EncoderLayer)
        inter = h @ params[f'ff_w1_{l}'] + params[f'ff_b1_{l}']
        inter = jnp.where(inter >= 0, inter, 0.01 * inter)  # LeakyReLU(0.01); variational dropout = identity at eval
        h = h + (inter @ params[f'ff_w2_{l}'] + params[f'ff_b2_{l}'])
    sums = jax.ops.segment_sum(h, batch, num_segments=G)
    counts = jax.ops.segment_sum(jnp.ones((h.shape[0], 1), h.dtype), batch, num_segments=G)
    vec = sums / jnp.maximum(counts, 1.0)  # global_mean_pool
    prop = vec @ params['head_w'] + params['head_b']
    return prop, vec, h


def reference(x, edge_index, edge_attr, batch, params):
    return _forward(x, edge_index, edge_attr, batch, params)

if __name__ == "__main__":
    import jax
    _d = setup_inputs()
    print(jax.jit(kernel)(*tuple(_d.values())))

</pallas_src>

<mosaic_0001>
#map = affine_map<(d0, d1) -> (0, 0)>
#map1 = affine_map<(d0, d1) -> (0, 0, 0)>
module attributes {stable_mosaic.version = 14 : i64} {
  func.func @k(%arg0: i32, %arg1: i32, %arg2: memref<40000x128xf32, #tpu.memory_space<hbm>>, %arg3: memref<2560x128xi32, #tpu.memory_space<hbm>>, %arg4: memref<2560x128xi32, #tpu.memory_space<hbm>>, %arg5: memref<2x10000x128xf32, #tpu.memory_space<hbm>>, %arg6: memref<10128x128xf32, #tpu.memory_space<vmem_shared>>, %arg7: memref<8x128xi32, #tpu.memory_space<vmem>>, %arg8: memref<8x128xi32, #tpu.memory_space<vmem>>, %arg9: memref<128x128xf32, #tpu.memory_space<vmem>>, %arg10: memref<128x128xf32, #tpu.memory_space<vmem>>, %arg11: memref<!tpu.dma_semaphore, #tpu.memory_space<semaphore_mem>>, %arg12: memref<!tpu.dma_semaphore, #tpu.memory_space<semaphore_mem>>, %arg13: memref<!tpu.dma_semaphore, #tpu.memory_space<semaphore_mem>>, %arg14: memref<!tpu.dma_semaphore, #tpu.memory_space<semaphore_mem>>) attributes {dimension_semantics = [#tpu.dimension_semantics<core_parallel>, #tpu.dimension_semantics<subcore_parallel>], iteration_bounds = array<i64: 2, 16>, scalar_prefetch = 0 : i64, scratch_operands = 9 : i64, tpu.core_type = #tpu.core_type<sc_vector_subcore>, window_params = [{transform_indices = #map}, {transform_indices = #map}, {transform_indices = #map}, {transform_indices = #map1}]} {
    %mul3A = arith.constant 16 : i32
    %mul3A_0 = arith.muli %arg0, %mul3A : i32
    %add3A = arith.addi %mul3A_0, %arg1 : i32
    %broadcast_in_dim3A = arith.constant 0.000000e+00 : f32
    %broadcast_in_dim3A_1 = vector.broadcast %broadcast_in_dim3A : f32 to vector<16xf32>
    %scan3A = arith.constant 0 : i32
    %scan3A_2 = arith.constant 0 : i32
    %scan3A_3 = arith.constant 128 : i32
    %scan3A_4 = arith.addi %scan3A_2, %scan3A_3 : i32
    %scan3A_5 = arith.constant 1 : i32
    %scan3A_6 = scf.for %scan3A_57 = %scan3A_2 to %scan3A_4 step %scan3A_5 iter_args(%scan3A_58 = %scan3A) -> (i32)  : i32 {
      %swap3A = arith.index_cast %scan3A_57 : i32 to index
      %swap3A_59 = arith.constant 0 : index
      %swap3A_60 = tpu.vector_load %arg9[%swap3A, %swap3A_59] {strides = array<i32>} : memref<128x128xf32, #tpu.memory_space<vmem>>, vector<1x16xf32>,
      %swap3A_61 = vector.shape_cast %swap3A_60 : vector<1x16xf32> to vector<16xf32>
      %swap3A_62 = vector.shape_cast %broadcast_in_dim3A_1 : vector<16xf32> to vector<1x16xf32>
      tpu.vector_store %arg9[%swap3A, %swap3A_59], %swap3A_62 {strides = array<i32>} : memref<128x128xf32, #tpu.memory_space<vmem>>, vector<1x16xf32>,
      %swap3A_63 = arith.index_cast %scan3A_57 : i32 to index
      %swap3A_64 = arith.constant 16 : index
      %swap3A_65 = tpu.vector_load %arg9[%swap3A_63, %swap3A_64] {strides = array<i32>} : memref<128x128xf32, #tpu.memory_space<vmem>>, vector<1x16xf32>,
      %swap3A_66 = vector.shape_cast %swap3A_65 : vector<1x16xf32> to vector<16xf32>
      %swap3A_67 = vector.shape_cast %broadcast_in_dim3A_1 : vector<16xf32> to vector<1x16xf32>
      tpu.vector_store %arg9[%swap3A_63, %swap3A_64], %swap3A_67 {strides = array<i32>} : memref<128x128xf32, #tpu.memory_space<vmem>>, vector<1x16xf32>,
      %swap3A_68 = arith.index_cast %scan3A_57 : i32 to index
      %swap3A_69 = arith.constant 32 : index
      %swap3A_70 = tpu.vector_load %arg9[%swap3A_68, %swap3A_69] {strides = array<i32>} : memref<128x128xf32, #tpu.memory_space<vmem>>, vector<1x16xf32>,
      %swap3A_71 = vector.shape_cast %swap3A_70 : vector<1x16xf32> to vector<16xf32>
      %swap3A_72 = vector.shape_cast %broadcast_in_dim3A_1 : vector<16xf32> to vector<1x16xf32>
      tpu.vector_store %arg9[%swap3A_68, %swap3A_69], %swap3A_72 {strides = array<i32>} : memref<128x128xf32, #tpu.memory_space<vmem>>, vector<1x16xf32>,
      %swap3A_73 = arith.index_cast %scan3A_57 : i32 to index
      %swap3A_74 = arith.constant 48 : index
      %swap3A_75 = tpu.vector_load %arg9[%swap3A_73, %swap3A_74] {strides = array<i32>} : memref<128x128xf32, #tpu.memory_space<vmem>>, vector<1x16xf32>,
      %swap3A_76 = vector.shape_cast %swap3A_75 : vector<1x16xf32> to vector<16xf32>
      %swap3A_77 = vector.shape_cast %broadcast_in_dim3A_1 : vector<16xf32> to vector<1x16xf32>
      tpu.vector_store %arg9[%swap3A_73, %swap3A_74], %swap3A_77 {strides = array<i32>} : memref<128x128xf32, #tpu.memory_space<vmem>>, vector<1x16xf32>,
      %swap3A_78 = arith.index_cast %scan3A_57 : i32 to index
      %swap3A_79 = arith.constant 64 : index
      %swap3A_80 = tpu.vector_load %arg9[%swap3A_78, %swap3A_79] {strides = array<i32>} : memref<128x128xf32, #tpu.memory_space<vmem>>, vector<1x16xf32>,
      %swap3A_81 = vector.shape_cast %swap3A_80 : vector<1x16xf32> to vector<16xf32>
      %swap3A_82 = vector.shape_cast %broadcast_in_dim3A_1 : vector<16xf32> to vector<1x16xf32>
      tpu.vector_store %arg9[%swap3A_78, %swap3A_79], %swap3A_82 {strides = array<i32>} : memref<128x128xf32, #tpu.memory_space<vmem>>, vector<1x16xf32>,
      %swap3A_83 = arith.index_cast %scan3A_57 : i32 to index
      %swap3A_84 = arith.constant 80 : index
      %swap3A_85 = tpu.vector_load %arg9[%swap3A_83, %swap3A_84] {strides = array<i32>} : memref<128x128xf32, #tpu.memory_space<vmem>>, vector<1x16xf32>,
      %swap3A_86 = vector.shape_cast %swap3A_85 : vector<1x16xf32> to vector<16xf32>
      %swap3A_87 = vector.shape_cast %broadcast_in_dim3A_1 : vector<16xf32> to vector<1x16xf32>
      tpu.vector_store %arg9[%swap3A_83, %swap3A_84], %swap3A_87 {strides = array<i32>} : memref<128x128xf32, #tpu.memory_space<vmem>>, vector<1x16xf32>,
      %swap3A_88 = arith.index_cast %scan3A_57 : i32 to index
      %swap3A_89 = arith.constant 96 : index
      %swap3A_90 = tpu.vector_load %arg9[%swap3A_88, %swap3A_89] {strides = array<i32>} : memref<128x128xf32, #tpu.memory_space<vmem>>, vector<1x16xf32>,
      %swap3A_91 = vector.shape_cast %swap3A_90 : vector<1x16xf32> to vector<16xf32>
      %swap3A_92 = vector.shape_cast %broadcast_in_dim3A_1 : vector<16xf32> to vector<1x16xf32>
      tpu.vector_store %arg9[%swap3A_88, %swap3A_89], %swap3A_92 {strides = array<i32>} : memref<128x128xf32, #tpu.memory_space<vmem>>, vector<1x16xf32>,
      %swap3A_93 = arith.index_cast %scan3A_57 : i32 to index
      %swap3A_94 = arith.constant 112 : index
      %swap3A_95 = tpu.vector_load %arg9[%swap3A_93, %swap3A_94] {strides = array<i32>} : memref<128x128xf32, #tpu.memory_space<vmem>>, vector<1x16xf32>,
      %swap3A_96 = vector.shape_cast %swap3A_95 : vector<1x16xf32> to vector<16xf32>
      %swap3A_97 = vector.shape_cast %broadcast_in_dim3A_1 : vector<16xf32> to vector<1x16xf32>
      tpu.vector_store %arg9[%swap3A_93, %swap3A_94], %swap3A_97 {strides = array<i32>} : memref<128x128xf32, #tpu.memory_space<vmem>>, vector<1x16xf32>,
      %scan3A_98 = arith.constant 0 : i32
      scf.yield %scan3A_98 : i32
    }
    %scan3A_7 = arith.constant 128 : i32
    %mul3A_8 = arith.constant 624 : i32
    %mul3A_9 = arith.muli %arg1, %mul3A_8 : i32
    %add3A_10 = arith.constant 0 : i32
    %add3A_11 = arith.addi %mul3A_9, %add3A_10 : i32
    "tpu.region"() ({
      %run_scoped3A = tpu.sem_alloc : memref<!tpu.dma_semaphore, #tpu.memory_space<semaphore_mem>>
      %dma_start3A = arith.constant 0 : i32
      %dma_start3A_57 = tpu.memref_slice %arg6[%add3A_11, %dma_start3A] : memref<10128x128xf32, #tpu.memory_space<vmem_shared>> -> memref<128x128xf32, #tpu.memory_space<vmem_shared>>
      %dma_start3A_58 = arith.constant 0 : i32
      %dma_start3A_59 = tpu.memref_slice %arg6[%add3A_11, %dma_start3A_58] : memref<10128x128xf32, #tpu.memory_space<vmem_shared>> -> memref<128x128xf32, #tpu.memory_space<vmem_shared>>
      tpu.enqueue_dma source(%arg9 : memref<128x128xf32, #tpu.memory_space<vmem>>) target(%dma_start3A_59 : memref<128x128xf32, #tpu.memory_space<vmem_shared>>) target_semaphore(%run_scoped3A : memref<!tpu.dma_semaphore, #tpu.memory_space<semaphore_mem>>)
      %dma_wait3A = arith.constant 0 : i32
      %dma_wait3A_60 = tpu.memref_slice %arg6[%add3A_11, %dma_wait3A] : memref<10128x128xf32, #tpu.memory_space<vmem_shared>> -> memref<128x128xf32, #tpu.memory_space<vmem_shared>>
      %dma_wait3A_61 = arith.constant 0 : i32
      %dma_wait3A_62 = tpu.memref_slice %arg6[%add3A_11, %dma_wait3A_61] : memref<10128x128xf32, #tpu.memory_space<vmem_shared>> -> memref<128x128xf32, #tpu.memory_space<vmem_shared>>
      tpu.wait_dma2 semaphore(%run_scoped3A : memref<!tpu.dma_semaphore, #tpu.memory_space<semaphore_mem>>) src(%arg9 : memref<128x128xf32, #tpu.memory_space<vmem>>) dst(%dma_wait3A_62 : memref<128x128xf32, #tpu.memory_space<vmem_shared>>)
      tpu.yield
    }) : () -> ()
    %add3A_12 = arith.constant 128 : i32
    %add3A_13 = arith.addi %mul3A_9, %add3A_12 : i32
    "tpu.region"() ({
      %run_scoped3A = tpu.sem_alloc : memref<!tpu.dma_semaphore, #tpu.memory_space<semaphore_mem>>
      %dma_start3A = arith.constant 0 : i32
      %dma_start3A_57 = tpu.memref_slice %arg6[%add3A_13, %dma_start3A] : memref<10128x128xf32, #tpu.memory_space<vmem_shared>> -> memref<128x128xf32, #tpu.memory_space<vmem_shared>>
      %dma_start3A_58 = arith.constant 0 : i32
      %dma_start3A_59 = tpu.memref_slice %arg6[%add3A_13, %dma_start3A_58] : memref<10128x128xf32, #tpu.memory_space<vmem_shared>> -> memref<128x128xf32, #tpu.memory_space<vmem_shared>>
      tpu.enqueue_dma source(%arg9 : memref<128x128xf32, #tpu.memory_space<vmem>>) target(%dma_start3A_59 : memref<128x128xf32, #tpu.memory_space<vmem_shared>>) target_semaphore(%run_scoped3A : memref<!tpu.dma_semaphore, #tpu.memory_space<semaphore_mem>>)
      %dma_wait3A = arith.constant 0 : i32
      %dma_wait3A_60 = tpu.memref_slice %arg6[%add3A_13, %dma_wait3A] : memref<10128x128xf32, #tpu.memory_space<vmem_shared>> -> memref<128x128xf32, #tpu.memory_space<vmem_shared>>
      %dma_wait3A_61 = arith.constant 0 : i32
      %dma_wait3A_62 = tpu.memref_slice %arg6[%add3A_13, %dma_wait3A_61] : memref<10128x128xf32, #tpu.memory_space<vmem_shared>> -> memref<128x128xf32, #tpu.memory_space<vmem_shared>>
      tpu.wait_dma2 semaphore(%run_scoped3A : memref<!tpu.dma_semaphore, #tpu.memory_space<semaphore_mem>>) src(%arg9 : memref<128x128xf32, #tpu.memory_space<vmem>>) dst(%dma_wait3A_62 : memref<128x128xf32, #tpu.memory_space<vmem_shared>>)
      tpu.yield
    }) : () -> ()
    %add3A_14 = arith.constant 256 : i32
    %add3A_15 = arith.addi %mul3A_9, %add3A_14 : i32
    "tpu.region"() ({
      %run_scoped3A = tpu.sem_alloc : memref<!tpu.dma_semaphore, #tpu.memory_space<semaphore_mem>>
      %dma_start3A = arith.constant 0 : i32
      %dma_start3A_57 = tpu.memref_slice %arg6[%add3A_15, %dma_start3A] : memref<10128x128xf32, #tpu.memory_space<vmem_shared>> -> memref<128x128xf32, #tpu.memory_space<vmem_shared>>
      %dma_start3A_58 = arith.constant 0 : i32
      %dma_start3A_59 = tpu.memref_slice %arg6[%add3A_15, %dma_start3A_58] : memref<10128x128xf32, #tpu.memory_space<vmem_shared>> -> memref<128x128xf32, #tpu.memory_space<vmem_shared>>
      tpu.enqueue_dma source(%arg9 : memref<128x128xf32, #tpu.memory_space<vmem>>) target(%dma_start3A_59 : memref<128x128xf32, #tpu.memory_space<vmem_shared>>) target_semaphore(%run_scoped3A : memref<!tpu.dma_semaphore, #tpu.memory_space<semaphore_mem>>)
      %dma_wait3A = arith.constant 0 : i32
      %dma_wait3A_60 = tpu.memref_slice %arg6[%add3A_15, %dma_wait3A] : memref<10128x128xf32, #tpu.memory_space<vmem_shared>> -> memref<128x128xf32, #tpu.memory_space<vmem_shared>>
      %dma_wait3A_61 = arith.constant 0 : i32
      %dma_wait3A_62 = tpu.memref_slice %arg6[%add3A_15, %dma_wait3A_61] : memref<10128x128xf32, #tpu.memory_space<vmem_shared>> -> memref<128x128xf32, #tpu.memory_space<vmem_shared>>
      tpu.wait_dma2 semaphore(%run_scoped3A : memref<!tpu.dma_semaphore, #tpu.memory_space<semaphore_mem>>) src(%arg9 : memref<128x128xf32, #tpu.memory_space<vmem>>) dst(%dma_wait3A_62 : memref<128x128xf32, #tpu.memory_space<vmem_shared>>)
      tpu.yield
    }) : () -> ()
    %add3A_16 = arith.constant 384 : i32
    %add3A_17 = arith.addi %mul3A_9, %add3A_16 : i32
    "tpu.region"() ({
      %run_scoped3A = tpu.sem_alloc : memref<!tpu.dma_semaphore, #tpu.memory_space<semaphore_mem>>
      %dma_start3A = arith.constant 0 : i32
      %dma_start3A_57 = tpu.memref_slice %arg6[%add3A_17, %dma_start3A] : memref<10128x128xf32, #tpu.memory_space<vmem_shared>> -> memref<128x128xf32, #tpu.memory_space<vmem_shared>>
      %dma_start3A_58 = arith.constant 0 : i32
      %dma_start3A_59 = tpu.memref_slice %arg6[%add3A_17, %dma_start3A_58] : memref<10128x128xf32, #tpu.memory_space<vmem_shared>> -> memref<128x128xf32, #tpu.memory_space<vmem_shared>>
      tpu.enqueue_dma source(%arg9 : memref<128x128xf32, #tpu.memory_space<vmem>>) target(%dma_start3A_59 : memref<128x128xf32, #tpu.memory_space<vmem_shared>>) target_semaphore(%run_scoped3A : memref<!tpu.dma_semaphore, #tpu.memory_space<semaphore_mem>>)
      %dma_wait3A = arith.constant 0 : i32
      %dma_wait3A_60 = tpu.memref_slice %arg6[%add3A_17, %dma_wait3A] : memref<10128x128xf32, #tpu.memory_space<vmem_shared>> -> memref<128x128xf32, #tpu.memory_space<vmem_shared>>
      %dma_wait3A_61 = arith.constant 0 : i32
      %dma_wait3A_62 = tpu.memref_slice %arg6[%add3A_17, %dma_wait3A_61] : memref<10128x128xf32, #tpu.memory_space<vmem_shared>> -> memref<128x128xf32, #tpu.memory_space<vmem_shared>>
      tpu.wait_dma2 semaphore(%run_scoped3A : memref<!tpu.dma_semaphore, #tpu.memory_space<semaphore_mem>>) src(%arg9 : memref<128x128xf32, #tpu.memory_space<vmem>>) dst(%dma_wait3A_62 : memref<128x128xf32, #tpu.memory_space<vmem_shared>>)
      tpu.yield
    }) : () -> ()
    %add3A_18 = arith.constant 512 : i32
    %add3A_19 = arith.addi %mul3A_9, %add3A_18 : i32
    "tpu.region"() ({
      %run_scoped3A = tpu.sem_alloc : memref<!tpu.dma_semaphore, #tpu.memory_space<semaphore_mem>>
      %dma_start3A = arith.constant 0 : i32
      %dma_start3A_57 = arith.constant 0 : i32
      %dma_start3A_58 = tpu.memref_slice %arg9[%dma_start3A, %dma_start3A_57] : memref<128x128xf32, #tpu.memory_space<vmem>> -> memref<112x128xf32, #tpu.memory_space<vmem>>
      %dma_start3A_59 = arith.constant 0 : i32
      %dma_start3A_60 = tpu.memref_slice %arg6[%add3A_19, %dma_start3A_59] : memref<10128x128xf32, #tpu.memory_space<vmem_shared>> -> memref<112x128xf32, #tpu.memory_space<vmem_shared>>
      %dma_start3A_61 = arith.constant 0 : i32
      %dma_start3A_62 = tpu.memref_slice %arg6[%add3A_19, %dma_start3A_61] : memref<10128x128xf32, #tpu.memory_space<vmem_shared>> -> memref<112x128xf32, #tpu.memory_space<vmem_shared>>
      %dma_start3A_63 = arith.constant 0 : i32
      %dma_start3A_64 = arith.constant 0 : i32
      %dma_start3A_65 = tpu.memref_slice %arg9[%dma_start3A_63, %dma_start3A_64] : memref<128x128xf32, #tpu.memory_space<vmem>> -> memref<112x128xf32, #tpu.memory_space<vmem>>
      tpu.enqueue_dma source(%dma_start3A_65 : memref<112x128xf32, #tpu.memory_space<vmem>>) target(%dma_start3A_62 : memref<112x128xf32, #tpu.memory_space<vmem_shared>>) target_semaphore(%run_scoped3A : memref<!tpu.dma_semaphore, #tpu.memory_space<semaphore_mem>>)
      %dma_wait3A = arith.constant 0 : i32
      %dma_wait3A_66 = arith.constant 0 : i32
      %dma_wait3A_67 = tpu.memref_slice %arg9[%dma_wait3A, %dma_wait3A_66] : memref<128x128xf32, #tpu.memory_space<vmem>> -> memref<112x128xf32, #tpu.memory_space<vmem>>
      %dma_wait3A_68 = arith.constant 0 : i32
      %dma_wait3A_69 = tpu.memref_slice %arg6[%add3A_19, %dma_wait3A_68] : memref<10128x128xf32, #tpu.memory_space<vmem_shared>> -> memref<112x128xf32, #tpu.memory_space<vmem_shared>>
      %dma_wait3A_70 = arith.constant 0 : i32
      %dma_wait3A_71 = tpu.memref_slice %arg6[%add3A_19, %dma_wait3A_70] : memref<10128x128xf32, #tpu.memory_space<vmem_shared>> -> memref<112x128xf32, #tpu.memory_space<vmem_shared>>
      %dma_wait3A_72 = arith.constant 0 : i32
      %dma_wait3A_73 = arith.constant 0 : i32
      %dma_wait3A_74 = tpu.memref_slice %arg9[%dma_wait3A_72, %dma_wait3A_73] : memref<128x128xf32, #tpu.memory_space<vmem>> -> memref<112x128xf32, #tpu.memory_space<vmem>>
      tpu.wait_dma2 semaphore(%run_scoped3A : memref<!tpu.dma_semaphore, #tpu.memory_space<semaphore_mem>>) src(%dma_wait3A_74 : memref<112x128xf32, #tpu.memory_space<vmem>>) dst(%dma_wait3A_71 : memref<112x128xf32, #tpu.memory_space<vmem_shared>>)
      tpu.yield
    }) : () -> ()
    %eq3A = arith.constant 15 : i32
    %eq3A_20 = arith.cmpi eq, %arg1, %eq3A : i32
    %convert_element_type3A = arith.extui %eq3A_20 : i1 to i32
    %cond3A = arith.constant 0 : i32
    %cond3A_21 = arith.cmpi ne, %convert_element_type3A, %cond3A : i32
    scf.if %cond3A_21 {
      "tpu.region"() ({
        %run_scoped3A = tpu.sem_alloc : memref<!tpu.dma_semaphore, #tpu.memory_space<semaphore_mem>>
        %dma_start3A = arith.constant 0 : i32
        %dma_start3A_57 = arith.constant 0 : i32
        %dma_start3A_58 = tpu.memref_slice %arg9[%dma_start3A, %dma_start3A_57] : memref<128x128xf32, #tpu.memory_space<vmem>> -> memref<16x128xf32, #tpu.memory_space<vmem>>
        %dma_start3A_59 = arith.constant 9984 : i32
        %dma_start3A_60 = arith.constant 0 : i32
        %dma_start3A_61 = tpu.memref_slice %arg6[%dma_start3A_59, %dma_start3A_60] : memref<10128x128xf32, #tpu.memory_space<vmem_shared>> -> memref<16x128xf32, #tpu.memory_space<vmem_shared>>
        %dma_start3A_62 = arith.constant 9984 : i32
        %dma_start3A_63 = arith.constant 0 : i32
        %dma_start3A_64 = tpu.memref_slice %arg6[%dma_start3A_62, %dma_start3A_63] : memref<10128x128xf32, #tpu.memory_space<vmem_shared>> -> memref<16x128xf32, #tpu.memory_space<vmem_shared>>
        %dma_start3A_65 = arith.constant 0 : i32
        %dma_start3A_66 = arith.constant 0 : i32
        %dma_start3A_67 = tpu.memref_slice %arg9[%dma_start3A_65, %dma_start3A_66] : memref<128x128xf32, #tpu.memory_space<vmem>> -> memref<16x128xf32, #tpu.memory_space<vmem>>
        tpu.enqueue_dma source(%dma_start3A_67 : memref<16x128xf32, #tpu.memory_space<vmem>>) target(%dma_start3A_64 : memref<16x128xf32, #tpu.memory_space<vmem_shared>>) target_semaphore(%run_scoped3A : memref<!tpu.dma_semaphore, #tpu.memory_space<semaphore_mem>>)
        %dma_wait3A = arith.constant 0 : i32
        %dma_wait3A_68 = arith.constant 0 : i32
        %dma_wait3A_69 = tpu.memref_slice %arg9[%dma_wait3A, %dma_wait3A_68] : memref<128x128xf32, #tpu.memory_space<vmem>> -> memref<16x128xf32, #tpu.memory_space<vmem>>
        %dma_wait3A_70 = arith.constant 9984 : i32
        %dma_wait3A_71 = arith.constant 0 : i32
        %dma_wait3A_72 = tpu.memref_slice %arg6[%dma_wait3A_70, %dma_wait3A_71] : memref<10128x128xf32, #tpu.memory_space<vmem_shared>> -> memref<16x128xf32, #tpu.memory_space<vmem_shared>>
        %dma_wait3A_73 = arith.constant 9984 : i32
        %dma_wait3A_74 = arith.constant 0 : i32
        %dma_wait3A_75 = tpu.memref_slice %arg6[%dma_wait3A_73, %dma_wait3A_74] : memref<10128x128xf32, #tpu.memory_space<vmem_shared>> -> memref<16x128xf32, #tpu.memory_space<vmem_shared>>
        %dma_wait3A_76 = arith.constant 0 : i32
        %dma_wait3A_77 = arith.constant 0 : i32
        %dma_wait3A_78 = tpu.memref_slice %arg9[%dma_wait3A_76, %dma_wait3A_77] : memref<128x128xf32, #tpu.memory_space<vmem>> -> memref<16x128xf32, #tpu.memory_space<vmem>>
        tpu.wait_dma2 semaphore(%run_scoped3A : memref<!tpu.dma_semaphore, #tpu.memory_space<semaphore_mem>>) src(%dma_wait3A_78 : memref<16x128xf32, #tpu.memory_space<vmem>>) dst(%dma_wait3A_75 : memref<16x128xf32, #tpu.memory_space<vmem_shared>>)
        tpu.yield
      }) : () -> ()
    } else {
    }
    %barrier3A = arith.constant 0 : index
    tpu.barrier barrier_id(%barrier3A)
    %mul3A_22 = arith.constant 80 : i32
    %mul3A_23 = arith.muli %add3A, %mul3A_22 : i32
    %scan3A_24 = arith.constant 0 : i32
    %scan3A_25 = arith.constant 0 : i32
    %scan3A_26 = arith.constant 10 : i32
    %scan3A_27 = arith.addi %scan3A_25, %scan3A_26 : i32
    %scan3A_28 = arith.constant 1 : i32
    %scan3A_29 = scf.for %scan3A_57 = %scan3A_25 to %scan3A_27 step %scan3A_28 iter_args(%scan3A_58 = %scan3A_24) -> (i32)  : i32 {
      %mul3A_59 = arith.constant 8 : i32
      %mul3A_60 = arith.muli %scan3A_57, %mul3A_59 : i32
      %add3A_61 = arith.addi %mul3A_23, %mul3A_60 : i32
      "tpu.region"() ({
        %run_scoped3A = tpu.sem_alloc : memref<!tpu.dma_semaphore, #tpu.memory_space<semaphore_mem>>
        %dma_start3A_285 = arith.constant 0 : i32
        %dma_start3A_286 = tpu.memref_slice %arg3[%add3A_61, %dma_start3A_285] : memref<2560x128xi32, #tpu.memory_space<hbm>> -> memref<8x128xi32, #tpu.memory_space<hbm>>
        %dma_start3A_287 = arith.constant 0 : i32
        %dma_start3A_288 = tpu.memref_slice %arg3[%add3A_61, %dma_start3A_287] : memref<2560x128xi32, #tpu.memory_space<hbm>> -> memref<8x128xi32, #tpu.memory_space<hbm>>
        tpu.enqueue_dma source(%dma_start3A_288 : memref<8x128xi32, #tpu.memory_space<hbm>>) target(%arg7 : memref<8x128xi32, #tpu.memory_space<vmem>>) target_semaphore(%run_scoped3A : memref<!tpu.dma_semaphore, #tpu.memory_space<semaphore_mem>>)
        %dma_wait3A_289 = arith.constant 0 : i32
        %dma_wait3A_290 = tpu.memref_slice %arg3[%add3A_61, %dma_wait3A_289] : memref<2560x128xi32, #tpu.memory_space<hbm>> -> memref<8x128xi32, #tpu.memory_space<hbm>>
        %dma_wait3A_291 = arith.constant 0 : i32
        %dma_wait3A_292 = tpu.memref_slice %arg3[%add3A_61, %dma_wait3A_291] : memref<2560x128xi32, #tpu.memory_space<hbm>> -> memref<8x128xi32, #tpu.memory_space<hbm>>
        tpu.wait_dma2 semaphore(%run_scoped3A : memref<!tpu.dma_semaphore, #tpu.memory_space<semaphore_mem>>) src(%dma_wait3A_292 : memref<8x128xi32, #tpu.memory_space<hbm>>) dst(%arg7 : memref<8x128xi32, #tpu.memory_space<vmem>>)
        tpu.yield
      }) : () -> ()
      "tpu.region"() ({
        %run_scoped3A = tpu.sem_alloc : memref<!tpu.dma_semaphore, #tpu.memory_space<semaphore_mem>>
        %dma_start3A_285 = arith.constant 0 : i32
        %dma_start3A_286 = tpu.memref_slice %arg4[%add3A_61, %dma_start3A_285] : memref<2560x128xi32, #tpu.memory_space<hbm>> -> memref<8x128xi32, #tpu.memory_space<hbm>>
        %dma_start3A_287 = arith.constant 0 : i32
        %dma_start3A_288 = tpu.memref_slice %arg4[%add3A_61, %dma_start3A_287] : memref<2560x128xi32, #tpu.memory_space<hbm>> -> memref<8x128xi32, #tpu.memory_space<hbm>>
        tpu.enqueue_dma source(%dma_start3A_288 : memref<8x128xi32, #tpu.memory_space<hbm>>) target(%arg8 : memref<8x128xi32, #tpu.memory_space<vmem>>) target_semaphore(%run_scoped3A : memref<!tpu.dma_semaphore, #tpu.memory_space<semaphore_mem>>)
        %dma_wait3A_289 = arith.constant 0 : i32
        %dma_wait3A_290 = tpu.memref_slice %arg4[%add3A_61, %dma_wait3A_289] : memref<2560x128xi32, #tpu.memory_space<hbm>> -> memref<8x128xi32, #tpu.memory_space<hbm>>
        %dma_wait3A_291 = arith.constant 0 : i32
        %dma_wait3A_292 = tpu.memref_slice %arg4[%add3A_61, %dma_wait3A_291] : memref<2560x128xi32, #tpu.memory_space<hbm>> -> memref<8x128xi32, #tpu.memory_space<hbm>>
        tpu.wait_dma2 semaphore(%run_scoped3A : memref<!tpu.dma_semaphore, #tpu.memory_space<semaphore_mem>>) src(%dma_wait3A_292 : memref<8x128xi32, #tpu.memory_space<hbm>>) dst(%arg8 : memref<8x128xi32, #tpu.memory_space<vmem>>)
        tpu.yield
      }) : () -> ()
      %dma_start3A = arith.constant 0 : i32
      %dma_start3A_62 = arith.constant 0 : i32
      %dma_start3A_63 = tpu.memref_slice %arg7[%dma_start3A, %dma_start3A_62] : memref<8x128xi32, #tpu.memory_space<vmem>> -> memref<1x128xi32, #tpu.memory_space<vmem>>
      %dma_start3A_64 = tpu.memref_squeeze %dma_start3A_63 : memref<1x128xi32, #tpu.memory_space<vmem>> -> memref<128xi32, #tpu.memory_space<vmem>>
      %dma_start3A_65 = arith.constant 0 : i32
      %dma_start3A_66 = arith.constant 0 : i32
      %dma_start3A_67 = tpu.memref_slice %arg2[%dma_start3A_65, %dma_start3A_66] : memref<40000x128xf32, #tpu.memory_space<hbm>> -> memref<40000x128xf32, #tpu.memory_space<hbm>>
      tpu.enqueue_indirect_dma source(%dma_start3A_67 : memref<40000x128xf32, #tpu.memory_space<hbm>>) target(%arg9 : memref<128x128xf32, #tpu.memory_space<vmem>>) offsets(%dma_start3A_64 : memref<128xi32, #tpu.memory_space<vmem>>) semaphore(%arg11 : memref<!tpu.dma_semaphore, #tpu.memory_space<semaphore_mem>>)
      %dma_start3A_68 = arith.constant 1 : i32
      %dma_start3A_69 = arith.constant 0 : i32
      %dma_start3A_70 = tpu.memref_slice %arg7[%dma_start3A_68, %dma_start3A_69] : memref<8x128xi32, #tpu.memory_space<vmem>> -> memref<1x128xi32, #tpu.memory_space<vmem>>
      %dma_start3A_71 = tpu.memref_squeeze %dma_start3A_70 : memref<1x128xi32, #tpu.memory_space<vmem>> -> memref<128xi32, #tpu.memory_space<vmem>>
      %dma_start3A_72 = arith.constant 0 : i32
      %dma_start3A_73 = arith.constant 0 : i32
      %dma_start3A_74 = tpu.memref_slice %arg2[%dma_start3A_72, %dma_start3A_73] : memref<40000x128xf32, #tpu.memory_space<hbm>> -> memref<40000x128xf32, #tpu.memory_space<hbm>>
      tpu.enqueue_indirect_dma source(%dma_start3A_74 : memref<40000x128xf32, #tpu.memory_space<hbm>>) target(%arg10 : memref<128x128xf32, #tpu.memory_space<vmem>>) offsets(%dma_start3A_71 : memref<128xi32, #tpu.memory_space<vmem>>) semaphore(%arg12 : memref<!tpu.dma_semaphore, #tpu.memory_space<semaphore_mem>>)
      %dma_wait3A = arith.constant 0 : i32
      %dma_wait3A_75 = arith.constant 0 : i32
      %dma_wait3A_76 = tpu.memref_slice %arg7[%dma_wait3A, %dma_wait3A_75] : memref<8x128xi32, #tpu.memory_space<vmem>> -> memref<1x128xi32, #tpu.memory_space<vmem>>
      %dma_wait3A_77 = tpu.memref_squeeze %dma_wait3A_76 : memref<1x128xi32, #tpu.memory_space<vmem>> -> memref<128xi32, #tpu.memory_space<vmem>>
      %dma_wait3A_78 = arith.constant 0 : i32
      %dma_wait3A_79 = arith.constant 0 : i32
      %dma_wait3A_80 = tpu.memref_slice %arg2[%dma_wait3A_78, %dma_wait3A_79] : memref<40000x128xf32, #tpu.memory_space<hbm>> -> memref<40000x128xf32, #tpu.memory_space<hbm>>
      tpu.wait_indirect_dma semaphore(%arg11 : memref<!tpu.dma_semaphore, #tpu.memory_space<semaphore_mem>>) src(%dma_wait3A_80 : memref<40000x128xf32, #tpu.memory_space<hbm>>) dst(%arg9 : memref<128x128xf32, #tpu.memory_space<vmem>>)
      %dma_start3A_81 = arith.constant 0 : i32
      %dma_start3A_82 = arith.constant 0 : i32
      %dma_start3A_83 = tpu.memref_slice %arg8[%dma_start3A_81, %dma_start3A_82] : memref<8x128xi32, #tpu.memory_space<vmem>> -> memref<1x128xi32, #tpu.memory_space<vmem>>
      %dma_start3A_84 = tpu.memref_squeeze %dma_start3A_83 : memref<1x128xi32, #tpu.memory_space<vmem>> -> memref<128xi32, #tpu.memory_space<vmem>>
      %dma_start3A_85 = arith.constant 0 : i32
      %dma_start3A_86 = arith.constant 0 : i32
      %dma_start3A_87 = tpu.memref_slice %arg6[%dma_start3A_85, %dma_start3A_86] : memref<10128x128xf32, #tpu.memory_space<vmem_shared>> -> memref<10128x128xf32, #tpu.memory_space<vmem_shared>>
      tpu.enqueue_indirect_dma source(%arg9 : memref<128x128xf32, #tpu.memory_space<vmem>>) target(%dma_start3A_87 : memref<10128x128xf32, #tpu.memory_space<vmem_shared>>) offsets(%dma_start3A_84 : memref<128xi32, #tpu.memory_space<vmem>>) semaphore(%arg13 : memref<!tpu.dma_semaphore, #tpu.memory_space<semaphore_mem>>) {add = true}
      %dma_wait3A_88 = arith.constant 0 : i32
      %dma_wait3A_89 = arith.constant 0 : i32
      %dma_wait3A_90 = tpu.memref_slice %arg8[%dma_wait3A_88, %dma_wait3A_89] : memref<8x128xi32, #tpu.memory_space<vmem>> -> memref<1x128xi32, #tpu.memory_space<vmem>>
      %dma_wait3A_91 = tpu.memref_squeeze %dma_wait3A_90 : memref<1x128xi32, #tpu.memory_space<vmem>> -> memref<128xi32, #tpu.memory_space<vmem>>
      %dma_wait3A_92 = arith.constant 0 : i32
      %dma_wait3A_93 = arith.constant 0 : i32
      %dma_wait3A_94 = tpu.memref_slice %arg6[%dma_wait3A_92, %dma_wait3A_93] : memref<10128x128xf32, #tpu.memory_space<vmem_shared>> -> memref<10128x128xf32, #tpu.memory_space<vmem_shared>>
      tpu.wait_indirect_dma semaphore(%arg13 : memref<!tpu.dma_semaphore, #tpu.memory_space<semaphore_mem>>) src(%arg9 : memref<128x128xf32, #tpu.memory_space<vmem>>) dst(%dma_wait3A_94 : memref<10128x128xf32, #tpu.memory_space<vmem_shared>>)
      %dma_start3A_95 = arith.constant 2 : i32
      %dma_start3A_96 = arith.constant 0 : i32
      %dma_start3A_97 = tpu.memref_slice %arg7[%dma_start3A_95, %dma_start3A_96] : memref<8x128xi32, #tpu.memory_space<vmem>> -> memref<1x128xi32, #tpu.memory_space<vmem>>
      %dma_start3A_98 = tpu.memref_squeeze %dma_start3A_97 : memref<1x128xi32, #tpu.memory_space<vmem>> -> memref<128xi32, #tpu.memory_space<vmem>>
      %dma_start3A_99 = arith.constant 0 : i32
      %dma_start3A_100 = arith.constant 0 : i32
      %dma_start3A_101 = tpu.memref_slice %arg2[%dma_start3A_99, %dma_start3A_100] : memref<40000x128xf32, #tpu.memory_space<hbm>> -> memref<40000x128xf32, #tpu.memory_space<hbm>>
      tpu.enqueue_indirect_dma source(%dma_start3A_101 : memref<40000x128xf32, #tpu.memory_space<hbm>>) target(%arg9 : memref<128x128xf32, #tpu.memory_space<vmem>>) offsets(%dma_start3A_98 : memref<128xi32, #tpu.memory_space<vmem>>) semaphore(%arg11 : memref<!tpu.dma_semaphore, #tpu.memory_space<semaphore_mem>>)
      %dma_wait3A_102 = arith.constant 1 : i32
      %dma_wait3A_103 = arith.constant 0 : i32
      %dma_wait3A_104 = tpu.memref_slice %arg7[%dma_wait3A_102, %dma_wait3A_103] : memref<8x128xi32, #tpu.memory_space<vmem>> -> memref<1x128xi32, #tpu.memory_space<vmem>>
      %dma_wait3A_105 = tpu.memref_squeeze %dma_wait3A_104 : memref<1x128xi32, #tpu.memory_space<vmem>> -> memref<128xi32, #tpu.memory_space<vmem>>
      %dma_wait3A_106 = arith.constant 0 : i32
      %dma_wait3A_107 = arith.constant 0 : i32
      %dma_wait3A_108 = tpu.memref_slice %arg2[%dma_wait3A_106, %dma_wait3A_107] : memref<40000x128xf32, #tpu.memory_space<hbm>> -> memref<40000x128xf32, #tpu.memory_space<hbm>>
      tpu.wait_indirect_dma semaphore(%arg12 : memref<!tpu.dma_semaphore, #tpu.memory_space<semaphore_mem>>) src(%dma_wait3A_108 : memref<40000x128xf32, #tpu.memory_space<hbm>>) dst(%arg10 : memref<128x128xf32, #tpu.memory_space<vmem>>)
      %dma_start3A_109 = arith.constant 1 : i32
      %dma_start3A_110 = arith.constant 0 : i32
      %dma_start3A_111 = tpu.memref_slice %arg8[%dma_start3A_109, %dma_start3A_110] : memref<8x128xi32, #tpu.memory_space<vmem>> -> memref<1x128xi32, #tpu.memory_space<vmem>>
      %dma_start3A_112 = tpu.memref_squeeze %dma_start3A_111 : memref<1x128xi32, #tpu.memory_space<vmem>> -> memref<128xi32, #tpu.memory_space<vmem>>
      %dma_start3A_113 = arith.constant 0 : i32
      %dma_start3A_114 = arith.constant 0 : i32
      %dma_start3A_115 = tpu.memref_slice %arg6[%dma_start3A_113, %dma_start3A_114] : memref<10128x128xf32, #tpu.memory_space<vmem_shared>> -> memref<10128x128xf32, #tpu.memory_space<vmem_shared>>
      tpu.enqueue_indirect_dma source(%arg10 : memref<128x128xf32, #tpu.memory_space<vmem>>) target(%dma_start3A_115 : memref<10128x128xf32, #tpu.memory_space<vmem_shared>>) offsets(%dma_start3A_112 : memref<128xi32, #tpu.memory_space<vmem>>) semaphore(%arg14 : memref<!tpu.dma_semaphore, #tpu.memory_space<semaphore_mem>>) {add = true}
      %dma_wait3A_116 = arith.constant 1 : i32
      %dma_wait3A_117 = arith.constant 0 : i32
      %dma_wait3A_118 = tpu.memref_slice %arg8[%dma_wait3A_116, %dma_wait3A_117] : memref<8x128xi32, #tpu.memory_space<vmem>> -> memref<1x128xi32, #tpu.memory_space<vmem>>
      %dma_wait3A_119 = tpu.memref_squeeze %dma_wait3A_118 : memref<1x128xi32, #tpu.memory_space<vmem>> -> memref<128xi32, #tpu.memory_space<vmem>>
      %dma_wait3A_120 = arith.constant 0 : i32
      %dma_wait3A_121 = arith.constant 0 : i32
      %dma_wait3A_122 = tpu.memref_slice %arg6[%dma_wait3A_120, %dma_wait3A_121] : memref<10128x128xf32, #tpu.memory_space<vmem_shared>> -> memref<10128x128xf32, #tpu.memory_space<vmem_shared>>
      tpu.wait_indirect_dma semaphore(%arg14 : memref<!tpu.dma_semaphore, #tpu.memory_space<semaphore_mem>>) src(%arg10 : memref<128x128xf32, #tpu.memory_space<vmem>>) dst(%dma_wait3A_122 : memref<10128x128xf32, #tpu.memory_space<vmem_shared>>)
      %dma_start3A_123 = arith.constant 3 : i32
      %dma_start3A_124 = arith.constant 0 : i32
      %dma_start3A_125 = tpu.memref_slice %arg7[%dma_start3A_123, %dma_start3A_124] : memref<8x128xi32, #tpu.memory_space<vmem>> -> memref<1x128xi32, #tpu.memory_space<vmem>>
      %dma_start3A_126 = tpu.memref_squeeze %dma_start3A_125 : memref<1x128xi32, #tpu.memory_space<vmem>> -> memref<128xi32, #tpu.memory_space<vmem>>
      %dma_start3A_127 = arith.constant 0 : i32
      %dma_start3A_128 = arith.constant 0 : i32
      %dma_start3A_129 = tpu.memref_slice %arg2[%dma_start3A_127, %dma_start3A_128] : memref<40000x128xf32, #tpu.memory_space<hbm>> -> memref<40000x128xf32, #tpu.memory_space<hbm>>
      tpu.enqueue_indirect_dma source(%dma_start3A_129 : memref<40000x128xf32, #tpu.memory_space<hbm>>) target(%arg10 : memref<128x128xf32, #tpu.memory_space<vmem>>) offsets(%dma_start3A_126 : memref<128xi32, #tpu.memory_space<vmem>>) semaphore(%arg12 : memref<!tpu.dma_semaphore, #tpu.memory_space<semaphore_mem>>)
      %dma_wait3A_130 = arith.constant 2 : i32
      %dma_wait3A_131 = arith.constant 0 : i32
      %dma_wait3A_132 = tpu.memref_slice %arg7[%dma_wait3A_130, %dma_wait3A_131] : memref<8x128xi32, #tpu.memory_space<vmem>> -> memref<1x128xi32, #tpu.memory_space<vmem>>
      %dma_wait3A_133 = tpu.memref_squeeze %dma_wait3A_132 : memref<1x128xi32, #tpu.memory_space<vmem>> -> memref<128xi32, #tpu.memory_space<vmem>>
      %dma_wait3A_134 = arith.constant 0 : i32
      %dma_wait3A_135 = arith.constant 0 : i32
      %dma_wait3A_136 = tpu.memref_slice %arg2[%dma_wait3A_134, %dma_wait3A_135] : memref<40000x128xf32, #tpu.memory_space<hbm>> -> memref<40000x128xf32, #tpu.memory_space<hbm>>
      tpu.wait_indirect_dma semaphore(%arg11 : memref<!tpu.dma_semaphore, #tpu.memory_space<semaphore_mem>>) src(%dma_wait3A_136 : memref<40000x128xf32, #tpu.memory_space<hbm>>) dst(%arg9 : memref<128x128xf32, #tpu.memory_space<vmem>>)
      %dma_start3A_137 = arith.constant 2 : i32
      %dma_start3A_138 = arith.constant 0 : i32
      %dma_start3A_139 = tpu.memref_slice %arg8[%dma_start3A_137, %dma_start3A_138] : memref<8x128xi32, #tpu.memory_space<vmem>> -> memref<1x128xi32, #tpu.memory_space<vmem>>
      %dma_start3A_140 = tpu.memref_squeeze %dma_start3A_139 : memref<1x128xi32, #tpu.memory_space<vmem>> -> memref<128xi32, #tpu.memory_space<vmem>>
      %dma_start3A_141 = arith.constant 0 : i32
      %dma_start3A_142 = arith.constant 0 : i32
      %dma_start3A_143 = tpu.memref_slice %arg6[%dma_start3A_141, %dma_start3A_142] : memref<10128x128xf32, #tpu.memory_space<vmem_shared>> -> memref<10128x128xf32, #tpu.memory_space<vmem_shared>>
      tpu.enqueue_indirect_dma source(%arg9 : memref<128x128xf32, #tpu.memory_space<vmem>>) target(%dma_start3A_143 : memref<10128x128xf32, #tpu.memory_space<vmem_shared>>) offsets(%dma_start3A_140 : memref<128xi32, #tpu.memory_space<vmem>>) semaphore(%arg13 : memref<!tpu.dma_semaphore, #tpu.memory_space<semaphore_mem>>) {add = true}
      %dma_wait3A_144 = arith.constant 2 : i32
      %dma_wait3A_145 = arith.constant 0 : i32
      %dma_wait3A_146 = tpu.memref_slice %arg8[%dma_wait3A_144, %dma_wait3A_145] : memref<8x128xi32, #tpu.memory_space<vmem>> -> memref<1x128xi32, #tpu.memory_space<vmem>>
      %dma_wait3A_147 = tpu.memref_squeeze %dma_wait3A_146 : memref<1x128xi32, #tpu.memory_space<vmem>> -> memref<128xi32, #tpu.memory_space<vmem>>
      %dma_wait3A_148 = arith.constant 0 : i32
      %dma_wait3A_149 = arith.constant 0 : i32
      %dma_wait3A_150 = tpu.memref_slice %arg6[%dma_wait3A_148, %dma_wait3A_149] : memref<10128x128xf32, #tpu.memory_space<vmem_shared>> -> memref<10128x128xf32, #tpu.memory_space<vmem_shared>>
      tpu.wait_indirect_dma semaphore(%arg13 : memref<!tpu.dma_semaphore, #tpu.memory_space<semaphore_mem>>) src(%arg9 : memref<128x128xf32, #tpu.memory_space<vmem>>) dst(%dma_wait3A_150 : memref<10128x128xf32, #tpu.memory_space<vmem_shared>>)
      %dma_start3A_151 = arith.constant 4 : i32
      %dma_start3A_152 = arith.constant 0 : i32
      %dma_start3A_153 = tpu.memref_slice %arg7[%dma_start3A_151, %dma_start3A_152] : memref<8x128xi32, #tpu.memory_space<vmem>> -> memref<1x128xi32, #tpu.memory_space<vmem>>
      %dma_start3A_154 = tpu.memref_squeeze %dma_start3A_153 : memref<1x128xi32, #tpu.memory_space<vmem>> -> memref<128xi32, #tpu.memory_space<vmem>>
      %dma_start3A_155 = arith.constant 0 : i32
      %dma_start3A_156 = arith.constant 0 : i32
      %dma_start3A_157 = tpu.memref_slice %arg2[%dma_start3A_155, %dma_start3A_156] : memref<40000x128xf32, #tpu.memory_space<hbm>> -> memref<40000x128xf32, #tpu.memory_space<hbm>>
      tpu.enqueue_indirect_dma source(%dma_start3A_157 : memref<40000x128xf32, #tpu.memory_space<hbm>>) target(%arg9 : memref<128x128xf32, #tpu.memory_space<vmem>>) offsets(%dma_start3A_154 : memref<128xi32, #tpu.memory_space<vmem>>) semaphore(%arg11 : memref<!tpu.dma_semaphore, #tpu.memory_space<semaphore_mem>>)
      %dma_wait3A_158 = arith.constant 3 : i32
      %dma_wait3A_159 = arith.constant 0 : i32
      %dma_wait3A_160 = tpu.memref_slice %arg7[%dma_wait3A_158, %dma_wait3A_159] : memref<8x128xi32, #tpu.memory_space<vmem>> -> memref<1x128xi32, #tpu.memory_space<vmem>>
      %dma_wait3A_161 = tpu.memref_squeeze %dma_wait3A_160 : memref<1x128xi32, #tpu.memory_space<vmem>> -> memref<128xi32, #tpu.memory_space<vmem>>
      %dma_wait3A_162 = arith.constant 0 : i32
      %dma_wait3A_163 = arith.constant 0 : i32
      %dma_wait3A_164 = tpu.memref_slice %arg2[%dma_wait3A_162, %dma_wait3A_163] : memref<40000x128xf32, #tpu.memory_space<hbm>> -> memref<40000x128xf32, #tpu.memory_space<hbm>>
      tpu.wait_indirect_dma semaphore(%arg12 : memref<!tpu.dma_semaphore, #tpu.memory_space<semaphore_mem>>) src(%dma_wait3A_164 : memref<40000x128xf32, #tpu.memory_space<hbm>>) dst(%arg10 : memref<128x128xf32, #tpu.memory_space<vmem>>)
      %dma_start3A_165 = arith.constant 3 : i32
      %dma_start3A_166 = arith.constant 0 : i32
      %dma_start3A_167 = tpu.memref_slice %arg8[%dma_start3A_165, %dma_start3A_166] : memref<8x128xi32, #tpu.memory_space<vmem>> -> memref<1x128xi32, #tpu.memory_space<vmem>>
      %dma_start3A_168 = tpu.memref_squeeze %dma_start3A_167 : memref<1x128xi32, #tpu.memory_space<vmem>> -> memref<128xi32, #tpu.memory_space<vmem>>
      %dma_start3A_169 = arith.constant 0 : i32
      %dma_start3A_170 = arith.constant 0 : i32
      %dma_start3A_171 = tpu.memref_slice %arg6[%dma_start3A_169, %dma_start3A_170] : memref<10128x128xf32, #tpu.memory_space<vmem_shared>> -> memref<10128x128xf32, #tpu.memory_space<vmem_shared>>
      tpu.enqueue_indirect_dma source(%arg10 : memref<128x128xf32, #tpu.memory_space<vmem>>) target(%dma_start3A_171 : memref<10128x128xf32, #tpu.memory_space<vmem_shared>>) offsets(%dma_start3A_168 : memref<128xi32, #tpu.memory_space<vmem>>) semaphore(%arg14 : memref<!tpu.dma_semaphore, #tpu.memory_space<semaphore_mem>>) {add = true}
      %dma_wait3A_172 = arith.constant 3 : i32
      %dma_wait3A_173 = arith.constant 0 : i32
      %dma_wait3A_174 = tpu.memref_slice %arg8[%dma_wait3A_172, %dma_wait3A_173] : memref<8x128xi32, #tpu.memory_space<vmem>> -> memref<1x128xi32, #tpu.memory_space<vmem>>
      %dma_wait3A_175 = tpu.memref_squeeze %dma_wait3A_174 : memref<1x128xi32, #tpu.memory_space<vmem>> -> memref<128xi32, #tpu.memory_space<vmem>>
      %dma_wait3A_176 = arith.constant 0 : i32
      %dma_wait3A_177 = arith.constant 0 : i32
      %dma_wait3A_178 = tpu.memref_slice %arg6[%dma_wait3A_176, %dma_wait3A_177] : memref<10128x128xf32, #tpu.memory_space<vmem_shared>> -> memref<10128x128xf32, #tpu.memory_space<vmem_shared>>
      tpu.wait_indirect_dma semaphore(%arg14 : memref<!tpu.dma_semaphore, #tpu.memory_space<semaphore_mem>>) src(%arg10 : memref<128x128xf32, #tpu.memory_space<vmem>>) dst(%dma_wait3A_178 : memref<10128x128xf32, #tpu.memory_space<vmem_shared>>)
      %dma_start3A_179 = arith.constant 5 : i32
      %dma_start3A_180 = arith.constant 0 : i32
      %dma_start3A_181 = tpu.memref_slice %arg7[%dma_start3A_179, %dma_start3A_180] : memref<8x128xi32, #tpu.memory_space<vmem>> -> memref<1x128xi32, #tpu.memory_space<vmem>>
      %dma_start3A_182 = tpu.memref_squeeze %dma_start3A_181 : memref<1x128xi32, #tpu.memory_space<vmem>> -> memref<128xi32, #tpu.memory_space<vmem>>
      %dma_start3A_183 = arith.constant 0 : i32
      %dma_start3A_184 = arith.constant 0 : i32
      %dma_start3A_185 = tpu.memref_slice %arg2[%dma_start3A_183, %dma_start3A_184] : memref<40000x128xf32, #tpu.memory_space<hbm>> -> memref<40000x128xf32, #tpu.memory_space<hbm>>
      tpu.enqueue_indirect_dma source(%dma_start3A_185 : memref<40000x128xf32, #tpu.memory_space<hbm>>) target(%arg10 : memref<128x128xf32, #tpu.memory_space<vmem>>) offsets(%dma_start3A_182 : memref<128xi32, #tpu.memory_space<vmem>>) semaphore(%arg12 : memref<!tpu.dma_semaphore, #tpu.memory_space<semaphore_mem>>)
      %dma_wait3A_186 = arith.constant 4 : i32
      %dma_wait3A_187 = arith.constant 0 : i32
      %dma_wait3A_188 = tpu.memref_slice %arg7[%dma_wait3A_186, %dma_wait3A_187] : memref<8x128xi32, #tpu.memory_space<vmem>> -> memref<1x128xi32, #tpu.memory_space<vmem>>
      %dma_wait3A_189 = tpu.memref_squeeze %dma_wait3A_188 : memref<1x128xi32, #tpu.memory_space<vmem>> -> memref<128xi32, #tpu.memory_space<vmem>>
      %dma_wait3A_190 = arith.constant 0 : i32
      %dma_wait3A_191 = arith.constant 0 : i32
      %dma_wait3A_192 = tpu.memref_slice %arg2[%dma_wait3A_190, %dma_wait3A_191] : memref<40000x128xf32, #tpu.memory_space<hbm>> -> memref<40000x128xf32, #tpu.memory_space<hbm>>
      tpu.wait_indirect_dma semaphore(%arg11 : memref<!tpu.dma_semaphore, #tpu.memory_space<semaphore_mem>>) src(%dma_wait3A_192 : memref<40000x128xf32, #tpu.memory_space<hbm>>) dst(%arg9 : memref<128x128xf32, #tpu.memory_space<vmem>>)
      %dma_start3A_193 = arith.constant 4 : i32
      %dma_start3A_194 = arith.constant 0 : i32
      %dma_start3A_195 = tpu.memref_slice %arg8[%dma_start3A_193, %dma_start3A_194] : memref<8x128xi32, #tpu.memory_space<vmem>> -> memref<1x128xi32, #tpu.memory_space<vmem>>
      %dma_start3A_196 = tpu.memref_squeeze %dma_start3A_195 : memref<1x128xi32, #tpu.memory_space<vmem>> -> memref<128xi32, #tpu.memory_space<vmem>>
      %dma_start3A_197 = arith.constant 0 : i32
      %dma_start3A_198 = arith.constant 0 : i32
      %dma_start3A_199 = tpu.memref_slice %arg6[%dma_start3A_197, %dma_start3A_198] : memref<10128x128xf32, #tpu.memory_space<vmem_shared>> -> memref<10128x128xf32, #tpu.memory_space<vmem_shared>>
      tpu.enqueue_indirect_dma source(%arg9 : memref<128x128xf32, #tpu.memory_space<vmem>>) target(%dma_start3A_199 : memref<10128x128xf32, #tpu.memory_space<vmem_shared>>) offsets(%dma_start3A_196 : memref<128xi32, #tpu.memory_space<vmem>>) semaphore(%arg13 : memref<!tpu.dma_semaphore, #tpu.memory_space<semaphore_mem>>) {add = true}
      %dma_wait3A_200 = arith.constant 4 : i32
      %dma_wait3A_201 = arith.constant 0 : i32
      %dma_wait3A_202 = tpu.memref_slice %arg8[%dma_wait3A_200, %dma_wait3A_201] : memref<8x128xi32, #tpu.memory_space<vmem>> -> memref<1x128xi32, #tpu.memory_space<vmem>>
      %dma_wait3A_203 = tpu.memref_squeeze %dma_wait3A_202 : memref<1x128xi32, #tpu.memory_space<vmem>> -> memref<128xi32, #tpu.memory_space<vmem>>
      %dma_wait3A_204 = arith.constant 0 : i32
      %dma_wait3A_205 = arith.constant 0 : i32
      %dma_wait3A_206 = tpu.memref_slice %arg6[%dma_wait3A_204, %dma_wait3A_205] : memref<10128x128xf32, #tpu.memory_space<vmem_shared>> -> memref<10128x128xf32, #tpu.memory_space<vmem_shared>>
      tpu.wait_indirect_dma semaphore(%arg13 : memref<!tpu.dma_semaphore, #tpu.memory_space<semaphore_mem>>) src(%arg9 : memref<128x128xf32, #tpu.memory_space<vmem>>) dst(%dma_wait3A_206 : memref<10128x128xf32, #tpu.memory_space<vmem_shared>>)
      %dma_start3A_207 = arith.constant 6 : i32
      %dma_start3A_208 = arith.constant 0 : i32
      %dma_start3A_209 = tpu.memref_slice %arg7[%dma_start3A_207, %dma_start3A_208] : memref<8x128xi32, #tpu.memory_space<vmem>> -> memref<1x128xi32, #tpu.memory_space<vmem>>
      %dma_start3A_210 = tpu.memref_squeeze %dma_start3A_209 : memref<1x128xi32, #tpu.memory_space<vmem>> -> memref<128xi32, #tpu.memory_space<vmem>>
      %dma_start3A_211 = arith.constant 0 : i32
      %dma_start3A_212 = arith.constant 0 : i32
      %dma_start3A_213 = tpu.memref_slice %arg2[%dma_start3A_211, %dma_start3A_212] : memref<40000x128xf32, #tpu.memory_space<hbm>> -> memref<40000x128xf32, #tpu.memory_space<hbm>>
      tpu.enqueue_indirect_dma source(%dma_start3A_213 : memref<40000x128xf32, #tpu.memory_space<hbm>>) target(%arg9 : memref<128x128xf32, #tpu.memory_space<vmem>>) offsets(%dma_start3A_210 : memref<128xi32, #tpu.memory_space<vmem>>) semaphore(%arg11 : memref<!tpu.dma_semaphore, #tpu.memory_space<semaphore_mem>>)
      %dma_wait3A_214 = arith.constant 5 : i32
      %dma_wait3A_215 = arith.constant 0 : i32
      %dma_wait3A_216 = tpu.memref_slice %arg7[%dma_wait3A_214, %dma_wait3A_215] : memref<8x128xi32, #tpu.memory_space<vmem>> -> memref<1x128xi32, #tpu.memory_space<vmem>>
      %dma_wait3A_217 = tpu.memref_squeeze %dma_wait3A_216 : memref<1x128xi32, #tpu.memory_space<vmem>> -> memref<128xi32, #tpu.memory_space<vmem>>
      %dma_wait3A_218 = arith.constant 0 : i32
      %dma_wait3A_219 = arith.constant 0 : i32
      %dma_wait3A_220 = tpu.memref_slice %arg2[%dma_wait3A_218, %dma_wait3A_219] : memref<40000x128xf32, #tpu.memory_space<hbm>> -> memref<40000x128xf32, #tpu.memory_space<hbm>>
      tpu.wait_indirect_dma semaphore(%arg12 : memref<!tpu.dma_semaphore, #tpu.memory_space<semaphore_mem>>) src(%dma_wait3A_220 : memref<40000x128xf32, #tpu.memory_space<hbm>>) dst(%arg10 : memref<128x128xf32, #tpu.memory_space<vmem>>)
      %dma_start3A_221 = arith.constant 5 : i32
      %dma_start3A_222 = arith.constant 0 : i32
      %dma_start3A_223 = tpu.memref_slice %arg8[%dma_start3A_221, %dma_start3A_222] : memref<8x128xi32, #tpu.memory_space<vmem>> -> memref<1x128xi32, #tpu.memory_space<vmem>>
      %dma_start3A_224 = tpu.memref_squeeze %dma_start3A_223 : memref<1x128xi32, #tpu.memory_space<vmem>> -> memref<128xi32, #tpu.memory_space<vmem>>
      %dma_start3A_225 = arith.constant 0 : i32
      %dma_start3A_226 = arith.constant 0 : i32
      %dma_start3A_227 = tpu.memref_slice %arg6[%dma_start3A_225, %dma_start3A_226] : memref<10128x128xf32, #tpu.memory_space<vmem_shared>> -> memref<10128x128xf32, #tpu.memory_space<vmem_shared>>
      tpu.enqueue_indirect_dma source(%arg10 : memref<128x128xf32, #tpu.memory_space<vmem>>) target(%dma_start3A_227 : memref<10128x128xf32, #tpu.memory_space<vmem_shared>>) offsets(%dma_start3A_224 : memref<128xi32, #tpu.memory_space<vmem>>) semaphore(%arg14 : memref<!tpu.dma_semaphore, #tpu.memory_space<semaphore_mem>>) {add = true}
      %dma_wait3A_228 = arith.constant 5 : i32
      %dma_wait3A_229 = arith.constant 0 : i32
      %dma_wait3A_230 = tpu.memref_slice %arg8[%dma_wait3A_228, %dma_wait3A_229] : memref<8x128xi32, #tpu.memory_space<vmem>> -> memref<1x128xi32, #tpu.memory_space<vmem>>
      %dma_wait3A_231 = tpu.memref_squeeze %dma_wait3A_230 : memref<1x128xi32, #tpu.memory_space<vmem>> -> memref<128xi32, #tpu.memory_space<vmem>>
      %dma_wait3A_232 = arith.constant 0 : i32
      %dma_wait3A_233 = arith.constant 0 : i32
      %dma_wait3A_234 = tpu.memref_slice %arg6[%dma_wait3A_232, %dma_wait3A_233] : memref<10128x128xf32, #tpu.memory_space<vmem_shared>> -> memref<10128x128xf32, #tpu.memory_space<vmem_shared>>
      tpu.wait_indirect_dma semaphore(%arg14 : memref<!tpu.dma_semaphore, #tpu.memory_space<semaphore_mem>>) src(%arg10 : memref<128x128xf32, #tpu.memory_space<vmem>>) dst(%dma_wait3A_234 : memref<10128x128xf32, #tpu.memory_space<vmem_shared>>)
      %dma_start3A_235 = arith.constant 7 : i32
      %dma_start3A_236 = arith.constant 0 : i32
      %dma_start3A_237 = tpu.memref_slice %arg7[%dma_start3A_235, %dma_start3A_236] : memref<8x128xi32, #tpu.memory_space<vmem>> -> memref<1x128xi32, #tpu.memory_space<vmem>>
      %dma_start3A_238 = tpu.memref_squeeze %dma_start3A_237 : memref<1x128xi32, #tpu.memory_space<vmem>> -> memref<128xi32, #tpu.memory_space<vmem>>
      %dma_start3A_239 = arith.constant 0 : i32
      %dma_start3A_240 = arith.constant 0 : i32
      %dma_start3A_241 = tpu.memref_slice %arg2[%dma_start3A_239, %dma_start3A_240] : memref<40000x128xf32, #tpu.memory_space<hbm>> -> memref<40000x128xf32, #tpu.memory_space<hbm>>
      tpu.enqueue_indirect_dma source(%dma_start3A_241 : memref<40000x128xf32, #tpu.memory_space<hbm>>) target(%arg10 : memref<128x128xf32, #tpu.memory_space<vmem>>) offsets(%dma_start3A_238 : memref<128xi32, #tpu.memory_space<vmem>>) semaphore(%arg12 : memref<!tpu.dma_semaphore, #tpu.memory_space<semaphore_mem>>)
      %dma_wait3A_242 = arith.constant 6 : i32
      %dma_wait3A_243 = arith.constant 0 : i32
      %dma_wait3A_244 = tpu.memref_slice %arg7[%dma_wait3A_242, %dma_wait3A_243] : memref<8x128xi32, #tpu.memory_space<vmem>> -> memref<1x128xi32, #tpu.memory_space<vmem>>
      %dma_wait3A_245 = tpu.memref_squeeze %dma_wait3A_244 : memref<1x128xi32, #tpu.memory_space<vmem>> -> memref<128xi32, #tpu.memory_space<vmem>>
      %dma_wait3A_246 = arith.constant 0 : i32
      %dma_wait3A_247 = arith.constant 0 : i32
      %dma_wait3A_248 = tpu.memref_slice %arg2[%dma_wait3A_246, %dma_wait3A_247] : memref<40000x128xf32, #tpu.memory_space<hbm>> -> memref<40000x128xf32, #tpu.memory_space<hbm>>
      tpu.wait_indirect_dma semaphore(%arg11 : memref<!tpu.dma_semaphore, #tpu.memory_space<semaphore_mem>>) src(%dma_wait3A_248 : memref<40000x128xf32, #tpu.memory_space<hbm>>) dst(%arg9 : memref<128x128xf32, #tpu.memory_space<vmem>>)
      %dma_start3A_249 = arith.constant 6 : i32
      %dma_start3A_250 = arith.constant 0 : i32
      %dma_start3A_251 = tpu.memref_slice %arg8[%dma_start3A_249, %dma_start3A_250] : memref<8x128xi32, #tpu.memory_space<vmem>> -> memref<1x128xi32, #tpu.memory_space<vmem>>
      %dma_start3A_252 = tpu.memref_squeeze %dma_start3A_251 : memref<1x128xi32, #tpu.memory_space<vmem>> -> memref<128xi32, #tpu.memory_space<vmem>>
      %dma_start3A_253 = arith.constant 0 : i32
      %dma_start3A_254 = arith.constant 0 : i32
      %dma_start3A_255 = tpu.memref_slice %arg6[%dma_start3A_253, %dma_start3A_254] : memref<10128x128xf32, #tpu.memory_space<vmem_shared>> -> memref<10128x128xf32, #tpu.memory_space<vmem_shared>>
      tpu.enqueue_indirect_dma source(%arg9 : memref<128x128xf32, #tpu.memory_space<vmem>>) target(%dma_start3A_255 : memref<10128x128xf32, #tpu.memory_space<vmem_shared>>) offsets(%dma_start3A_252 : memref<128xi32, #tpu.memory_space<vmem>>) semaphore(%arg13 : memref<!tpu.dma_semaphore, #tpu.memory_space<semaphore_mem>>) {add = true}
      %dma_wait3A_256 = arith.constant 7 : i32
      %dma_wait3A_257 = arith.constant 0 : i32
      %dma_wait3A_258 = tpu.memref_slice %arg7[%dma_wait3A_256, %dma_wait3A_257] : memref<8x128xi32, #tpu.memory_space<vmem>> -> memref<1x128xi32, #tpu.memory_space<vmem>>
      %dma_wait3A_259 = tpu.memref_squeeze %dma_wait3A_258 : memref<1x128xi32, #tpu.memory_space<vmem>> -> memref<128xi32, #tpu.memory_space<vmem>>
      %dma_wait3A_260 = arith.constant 0 : i32
      %dma_wait3A_261 = arith.constant 0 : i32
      %dma_wait3A_262 = tpu.memref_slice %arg2[%dma_wait3A_260, %dma_wait3A_261] : memref<40000x128xf32, #tpu.memory_space<hbm>> -> memref<40000x128xf32, #tpu.memory_space<hbm>>
      tpu.wait_indirect_dma semaphore(%arg12 : memref<!tpu.dma_semaphore, #tpu.memory_space<semaphore_mem>>) src(%dma_wait3A_262 : memref<40000x128xf32, #tpu.memory_space<hbm>>) dst(%arg10 : memref<128x128xf32, #tpu.memory_space<vmem>>)
      %dma_start3A_263 = arith.constant 7 : i32
      %dma_start3A_264 = arith.constant 0 : i32
      %dma_start3A_265 = tpu.memref_slice %arg8[%dma_start3A_263, %dma_start3A_264] : memref<8x128xi32, #tpu.memory_space<vmem>> -> memref<1x128xi32, #tpu.memory_space<vmem>>
      %dma_start3A_266 = tpu.memref_squeeze %dma_start3A_265 : memref<1x128xi32, #tpu.memory_space<vmem>> -> memref<128xi32, #tpu.memory_space<vmem>>
      %dma_start3A_267 = arith.constant 0 : i32
      %dma_start3A_268 = arith.constant 0 : i32
      %dma_start3A_269 = tpu.memref_slice %arg6[%dma_start3A_267, %dma_start3A_268] : memref<10128x128xf32, #tpu.memory_space<vmem_shared>> -> memref<10128x128xf32, #tpu.memory_space<vmem_shared>>
      tpu.enqueue_indirect_dma source(%arg10 : memref<128x128xf32, #tpu.memory_space<vmem>>) target(%dma_start3A_269 : memref<10128x128xf32, #tpu.memory_space<vmem_shared>>) offsets(%dma_start3A_266 : memref<128xi32, #tpu.memory_space<vmem>>) semaphore(%arg14 : memref<!tpu.dma_semaphore, #tpu.memory_space<semaphore_mem>>) {add = true}
      %dma_wait3A_270 = arith.constant 6 : i32
      %dma_wait3A_271 = arith.constant 0 : i32
      %dma_wait3A_272 = tpu.memref_slice %arg8[%dma_wait3A_270, %dma_wait3A_271] : memref<8x128xi32, #tpu.memory_space<vmem>> -> memref<1x128xi32, #tpu.memory_space<vmem>>
      %dma_wait3A_273 = tpu.memref_squeeze %dma_wait3A_272 : memref<1x128xi32, #tpu.memory_space<vmem>> -> memref<128xi32, #tpu.memory_space<vmem>>
      %dma_wait3A_274 = arith.constant 0 : i32
      %dma_wait3A_275 = arith.constant 0 : i32
      %dma_wait3A_276 = tpu.memref_slice %arg6[%dma_wait3A_274, %dma_wait3A_275] : memref<10128x128xf32, #tpu.memory_space<vmem_shared>> -> memref<10128x128xf32, #tpu.memory_space<vmem_shared>>
      tpu.wait_indirect_dma semaphore(%arg13 : memref<!tpu.dma_semaphore, #tpu.memory_space<semaphore_mem>>) src(%arg9 : memref<128x128xf32, #tpu.memory_space<vmem>>) dst(%dma_wait3A_276 : memref<10128x128xf32, #tpu.memory_space<vmem_shared>>)
      %dma_wait3A_277 = arith.constant 7 : i32
      %dma_wait3A_278 = arith.constant 0 : i32
      %dma_wait3A_279 = tpu.memref_slice %arg8[%dma_wait3A_277, %dma_wait3A_278] : memref<8x128xi32, #tpu.memory_space<vmem>> -> memref<1x128xi32, #tpu.memory_space<vmem>>
      %dma_wait3A_280 = tpu.memref_squeeze %dma_wait3A_279 : memref<1x128xi32, #tpu.memory_space<vmem>> -> memref<128xi32, #tpu.memory_space<vmem>>
      %dma_wait3A_281 = arith.constant 0 : i32
      %dma_wait3A_282 = arith.constant 0 : i32
      %dma_wait3A_283 = tpu.memref_slice %arg6[%dma_wait3A_281, %dma_wait3A_282] : memref<10128x128xf32, #tpu.memory_space<vmem_shared>> -> memref<10128x128xf32, #tpu.memory_space<vmem_shared>>
      tpu.wait_indirect_dma semaphore(%arg14 : memref<!tpu.dma_semaphore, #tpu.memory_space<semaphore_mem>>) src(%arg10 : memref<128x128xf32, #tpu.memory_space<vmem>>) dst(%dma_wait3A_283 : memref<10128x128xf32, #tpu.memory_space<vmem_shared>>)
      %scan3A_284 = arith.constant 0 : i32
      scf.yield %scan3A_284 : i32
    }
    %scan3A_30 = arith.constant 10 : i32
    %barrier3A_31 = arith.constant 0 : index
    tpu.barrier barrier_id(%barrier3A_31)
    %add3A_32 = arith.constant 0 : i32
    %add3A_33 = arith.addi %mul3A_9, %add3A_32 : i32
    %add3A_34 = arith.constant 0 : i32
    %add3A_35 = arith.addi %mul3A_9, %add3A_34 : i32
    "tpu.region"() ({
      %run_scoped3A = tpu.sem_alloc : memref<!tpu.dma_semaphore, #tpu.memory_space<semaphore_mem>>
      %dma_start3A = arith.constant 0 : i32
      %dma_start3A_57 = tpu.memref_slice %arg5[%arg0, %add3A_35, %dma_start3A] : memref<2x10000x128xf32, #tpu.memory_space<hbm>> -> memref<1x128x128xf32, #tpu.memory_space<hbm>>
      %dma_start3A_58 = tpu.memref_squeeze %dma_start3A_57 : memref<1x128x128xf32, #tpu.memory_space<hbm>> -> memref<128x128xf32, #tpu.memory_space<hbm>>
      %dma_start3A_59 = arith.constant 0 : i32
      %dma_start3A_60 = tpu.memref_slice %arg6[%add3A_33, %dma_start3A_59] : memref<10128x128xf32, #tpu.memory_space<vmem_shared>> -> memref<128x128xf32, #tpu.memory_space<vmem_shared>>
      tpu.enqueue_dma source(%dma_start3A_60 : memref<128x128xf32, #tpu.memory_space<vmem_shared>>) target(%dma_start3A_58 : memref<128x128xf32, #tpu.memory_space<hbm>>) target_semaphore(%run_scoped3A : memref<!tpu.dma_semaphore, #tpu.memory_space<semaphore_mem>>)
      %dma_wait3A = arith.constant 0 : i32
      %dma_wait3A_61 = tpu.memref_slice %arg5[%arg0, %add3A_35, %dma_wait3A] : memref<2x10000x128xf32, #tpu.memory_space<hbm>> -> memref<1x128x128xf32, #tpu.memory_space<hbm>>
      %dma_wait3A_62 = tpu.memref_squeeze %dma_wait3A_61 : memref<1x128x128xf32, #tpu.memory_space<hbm>> -> memref<128x128xf32, #tpu.memory_space<hbm>>
      %dma_wait3A_63 = arith.constant 0 : i32
      %dma_wait3A_64 = tpu.memref_slice %arg6[%add3A_33, %dma_wait3A_63] : memref<10128x128xf32, #tpu.memory_space<vmem_shared>> -> memref<128x128xf32, #tpu.memory_space<vmem_shared>>
      tpu.wait_dma2 semaphore(%run_scoped3A : memref<!tpu.dma_semaphore, #tpu.memory_space<semaphore_mem>>) src(%dma_wait3A_64 : memref<128x128xf32, #tpu.memory_space<vmem_shared>>) dst(%dma_wait3A_62 : memref<128x128xf32, #tpu.memory_space<hbm>>)
      tpu.yield
    }) : () -> ()
    %add3A_36 = arith.constant 128 : i32
    %add3A_37 = arith.addi %mul3A_9, %add3A_36 : i32
    %add3A_38 = arith.constant 128 : i32
    %add3A_39 = arith.addi %mul3A_9, %add3A_38 : i32
    "tpu.region"() ({
      %run_scoped3A = tpu.sem_alloc : memref<!tpu.dma_semaphore, #tpu.memory_space<semaphore_mem>>
      %dma_start3A = arith.constant 0 : i32
      %dma_start3A_57 = tpu.memref_slice %arg5[%arg0, %add3A_39, %dma_start3A] : memref<2x10000x128xf32, #tpu.memory_space<hbm>> -> memref<1x128x128xf32, #tpu.memory_space<hbm>>
      %dma_start3A_58 = tpu.memref_squeeze %dma_start3A_57 : memref<1x128x128xf32, #tpu.memory_space<hbm>> -> memref<128x128xf32, #tpu.memory_space<hbm>>
      %dma_start3A_59 = arith.constant 0 : i32
      %dma_start3A_60 = tpu.memref_slice %arg6[%add3A_37, %dma_start3A_59] : memref<10128x128xf32, #tpu.memory_space<vmem_shared>> -> memref<128x128xf32, #tpu.memory_space<vmem_shared>>
      tpu.enqueue_dma source(%dma_start3A_60 : memref<128x128xf32, #tpu.memory_space<vmem_shared>>) target(%dma_start3A_58 : memref<128x128xf32, #tpu.memory_space<hbm>>) target_semaphore(%run_scoped3A : memref<!tpu.dma_semaphore, #tpu.memory_space<semaphore_mem>>)
      %dma_wait3A = arith.constant 0 : i32
      %dma_wait3A_61 = tpu.memref_slice %arg5[%arg0, %add3A_39, %dma_wait3A] : memref<2x10000x128xf32, #tpu.memory_space<hbm>> -> memref<1x128x128xf32, #tpu.memory_space<hbm>>
      %dma_wait3A_62 = tpu.memref_squeeze %dma_wait3A_61 : memref<1x128x128xf32, #tpu.memory_space<hbm>> -> memref<128x128xf32, #tpu.memory_space<hbm>>
      %dma_wait3A_63 = arith.constant 0 : i32
      %dma_wait3A_64 = tpu.memref_slice %arg6[%add3A_37, %dma_wait3A_63] : memref<10128x128xf32, #tpu.memory_space<vmem_shared>> -> memref<128x128xf32, #tpu.memory_space<vmem_shared>>
      tpu.wait_dma2 semaphore(%run_scoped3A : memref<!tpu.dma_semaphore, #tpu.memory_space<semaphore_mem>>) src(%dma_wait3A_64 : memref<128x128xf32, #tpu.memory_space<vmem_shared>>) dst(%dma_wait3A_62 : memref<128x128xf32, #tpu.memory_space<hbm>>)
      tpu.yield
    }) : () -> ()
    %add3A_40 = arith.constant 256 : i32
    %add3A_41 = arith.addi %mul3A_9, %add3A_40 : i32
    %add3A_42 = arith.constant 256 : i32
    %add3A_43 = arith.addi %mul3A_9, %add3A_42 : i32
    "tpu.region"() ({
      %run_scoped3A = tpu.sem_alloc : memref<!tpu.dma_semaphore, #tpu.memory_space<semaphore_mem>>
      %dma_start3A = arith.constant 0 : i32
      %dma_start3A_57 = tpu.memref_slice %arg5[%arg0, %add3A_43, %dma_start3A] : memref<2x10000x128xf32, #tpu.memory_space<hbm>> -> memref<1x128x128xf32, #tpu.memory_space<hbm>>
      %dma_start3A_58 = tpu.memref_squeeze %dma_start3A_57 : memref<1x128x128xf32, #tpu.memory_space<hbm>> -> memref<128x128xf32, #tpu.memory_space<hbm>>
      %dma_start3A_59 = arith.constant 0 : i32
      %dma_start3A_60 = tpu.memref_slice %arg6[%add3A_41, %dma_start3A_59] : memref<10128x128xf32, #tpu.memory_space<vmem_shared>> -> memref<128x128xf32, #tpu.memory_space<vmem_shared>>
      tpu.enqueue_dma source(%dma_start3A_60 : memref<128x128xf32, #tpu.memory_space<vmem_shared>>) target(%dma_start3A_58 : memref<128x128xf32, #tpu.memory_space<hbm>>) target_semaphore(%run_scoped3A : memref<!tpu.dma_semaphore, #tpu.memory_space<semaphore_mem>>)
      %dma_wait3A = arith.constant 0 : i32
      %dma_wait3A_61 = tpu.memref_slice %arg5[%arg0, %add3A_43, %dma_wait3A] : memref<2x10000x128xf32, #tpu.memory_space<hbm>> -> memref<1x128x128xf32, #tpu.memory_space<hbm>>
      %dma_wait3A_62 = tpu.memref_squeeze %dma_wait3A_61 : memref<1x128x128xf32, #tpu.memory_space<hbm>> -> memref<128x128xf32, #tpu.memory_space<hbm>>
      %dma_wait3A_63 = arith.constant 0 : i32
      %dma_wait3A_64 = tpu.memref_slice %arg6[%add3A_41, %dma_wait3A_63] : memref<10128x128xf32, #tpu.memory_space<vmem_shared>> -> memref<128x128xf32, #tpu.memory_space<vmem_shared>>
      tpu.wait_dma2 semaphore(%run_scoped3A : memref<!tpu.dma_semaphore, #tpu.memory_space<semaphore_mem>>) src(%dma_wait3A_64 : memref<128x128xf32, #tpu.memory_space<vmem_shared>>) dst(%dma_wait3A_62 : memref<128x128xf32, #tpu.memory_space<hbm>>)
      tpu.yield
    }) : () -> ()
    %add3A_44 = arith.constant 384 : i32
    %add3A_45 = arith.addi %mul3A_9, %add3A_44 : i32
    %add3A_46 = arith.constant 384 : i32
    %add3A_47 = arith.addi %mul3A_9, %add3A_46 : i32
    "tpu.region"() ({
      %run_scoped3A = tpu.sem_alloc : memref<!tpu.dma_semaphore, #tpu.memory_space<semaphore_mem>>
      %dma_start3A = arith.constant 0 : i32
      %dma_start3A_57 = tpu.memref_slice %arg5[%arg0, %add3A_47, %dma_start3A] : memref<2x10000x128xf32, #tpu.memory_space<hbm>> -> memref<1x128x128xf32, #tpu.memory_space<hbm>>
      %dma_start3A_58 = tpu.memref_squeeze %dma_start3A_57 : memref<1x128x128xf32, #tpu.memory_space<hbm>> -> memref<128x128xf32, #tpu.memory_space<hbm>>
      %dma_start3A_59 = arith.constant 0 : i32
      %dma_start3A_60 = tpu.memref_slice %arg6[%add3A_45, %dma_start3A_59] : memref<10128x128xf32, #tpu.memory_space<vmem_shared>> -> memref<128x128xf32, #tpu.memory_space<vmem_shared>>
      tpu.enqueue_dma source(%dma_start3A_60 : memref<128x128xf32, #tpu.memory_space<vmem_shared>>) target(%dma_start3A_58 : memref<128x128xf32, #tpu.memory_space<hbm>>) target_semaphore(%run_scoped3A : memref<!tpu.dma_semaphore, #tpu.memory_space<semaphore_mem>>)
      %dma_wait3A = arith.constant 0 : i32
      %dma_wait3A_61 = tpu.memref_slice %arg5[%arg0, %add3A_47, %dma_wait3A] : memref<2x10000x128xf32, #tpu.memory_space<hbm>> -> memref<1x128x128xf32, #tpu.memory_space<hbm>>
      %dma_wait3A_62 = tpu.memref_squeeze %dma_wait3A_61 : memref<1x128x128xf32, #tpu.memory_space<hbm>> -> memref<128x128xf32, #tpu.memory_space<hbm>>
      %dma_wait3A_63 = arith.constant 0 : i32
      %dma_wait3A_64 = tpu.memref_slice %arg6[%add3A_45, %dma_wait3A_63] : memref<10128x128xf32, #tpu.memory_space<vmem_shared>> -> memref<128x128xf32, #tpu.memory_space<vmem_shared>>
      tpu.wait_dma2 semaphore(%run_scoped3A : memref<!tpu.dma_semaphore, #tpu.memory_space<semaphore_mem>>) src(%dma_wait3A_64 : memref<128x128xf32, #tpu.memory_space<vmem_shared>>) dst(%dma_wait3A_62 : memref<128x128xf32, #tpu.memory_space<hbm>>)
      tpu.yield
    }) : () -> ()
    %add3A_48 = arith.constant 512 : i32
    %add3A_49 = arith.addi %mul3A_9, %add3A_48 : i32
    %add3A_50 = arith.constant 512 : i32
    %add3A_51 = arith.addi %mul3A_9, %add3A_50 : i32
    "tpu.region"() ({
      %run_scoped3A = tpu.sem_alloc : memref<!tpu.dma_semaphore, #tpu.memory_space<semaphore_mem>>
      %dma_start3A = arith.constant 0 : i32
      %dma_start3A_57 = tpu.memref_slice %arg5[%arg0, %add3A_51, %dma_start3A] : memref<2x10000x128xf32, #tpu.memory_space<hbm>> -> memref<1x112x128xf32, #tpu.memory_space<hbm>>
      %dma_start3A_58 = tpu.memref_squeeze %dma_start3A_57 : memref<1x112x128xf32, #tpu.memory_space<hbm>> -> memref<112x128xf32, #tpu.memory_space<hbm>>
      %dma_start3A_59 = arith.constant 0 : i32
      %dma_start3A_60 = tpu.memref_slice %arg6[%add3A_49, %dma_start3A_59] : memref<10128x128xf32, #tpu.memory_space<vmem_shared>> -> memref<112x128xf32, #tpu.memory_space<vmem_shared>>
      tpu.enqueue_dma source(%dma_start3A_60 : memref<112x128xf32, #tpu.memory_space<vmem_shared>>) target(%dma_start3A_58 : memref<112x128xf32, #tpu.memory_space<hbm>>) target_semaphore(%run_scoped3A : memref<!tpu.dma_semaphore, #tpu.memory_space<semaphore_mem>>)
      %dma_wait3A = arith.constant 0 : i32
      %dma_wait3A_61 = tpu.memref_slice %arg5[%arg0, %add3A_51, %dma_wait3A] : memref<2x10000x128xf32, #tpu.memory_space<hbm>> -> memref<1x112x128xf32, #tpu.memory_space<hbm>>
      %dma_wait3A_62 = tpu.memref_squeeze %dma_wait3A_61 : memref<1x112x128xf32, #tpu.memory_space<hbm>> -> memref<112x128xf32, #tpu.memory_space<hbm>>
      %dma_wait3A_63 = arith.constant 0 : i32
      %dma_wait3A_64 = tpu.memref_slice %arg6[%add3A_49, %dma_wait3A_63] : memref<10128x128xf32, #tpu.memory_space<vmem_shared>> -> memref<112x128xf32, #tpu.memory_space<vmem_shared>>
      tpu.wait_dma2 semaphore(%run_scoped3A : memref<!tpu.dma_semaphore, #tpu.memory_space<semaphore_mem>>) src(%dma_wait3A_64 : memref<112x128xf32, #tpu.memory_space<vmem_shared>>) dst(%dma_wait3A_62 : memref<112x128xf32, #tpu.memory_space<hbm>>)
      tpu.yield
    }) : () -> ()
    %eq3A_52 = arith.constant 15 : i32
    %eq3A_53 = arith.cmpi eq, %arg1, %eq3A_52 : i32
    %convert_element_type3A_54 = arith.extui %eq3A_53 : i1 to i32
    %cond3A_55 = arith.constant 0 : i32
    %cond3A_56 = arith.cmpi ne, %convert_element_type3A_54, %cond3A_55 : i32
    scf.if %cond3A_56 {
      "tpu.region"() ({
        %run_scoped3A = tpu.sem_alloc : memref<!tpu.dma_semaphore, #tpu.memory_space<semaphore_mem>>
        %dma_start3A = arith.constant 9984 : i32
        %dma_start3A_57 = arith.constant 0 : i32
        %dma_start3A_58 = tpu.memref_slice %arg5[%arg0, %dma_start3A, %dma_start3A_57] : memref<2x10000x128xf32, #tpu.memory_space<hbm>> -> memref<1x16x128xf32, #tpu.memory_space<hbm>>
        %dma_start3A_59 = tpu.memref_squeeze %dma_start3A_58 : memref<1x16x128xf32, #tpu.memory_space<hbm>> -> memref<16x128xf32, #tpu.memory_space<hbm>>
        %dma_start3A_60 = arith.constant 9984 : i32
        %dma_start3A_61 = arith.constant 0 : i32
        %dma_start3A_62 = tpu.memref_slice %arg6[%dma_start3A_60, %dma_start3A_61] : memref<10128x128xf32, #tpu.memory_space<vmem_shared>> -> memref<16x128xf32, #tpu.memory_space<vmem_shared>>
        tpu.enqueue_dma source(%dma_start3A_62 : memref<16x128xf32, #tpu.memory_space<vmem_shared>>) target(%dma_start3A_59 : memref<16x128xf32, #tpu.memory_space<hbm>>) target_semaphore(%run_scoped3A : memref<!tpu.dma_semaphore, #tpu.memory_space<semaphore_mem>>)
        %dma_wait3A = arith.constant 9984 : i32
        %dma_wait3A_63 = arith.constant 0 : i32
        %dma_wait3A_64 = tpu.memref_slice %arg5[%arg0, %dma_wait3A, %dma_wait3A_63] : memref<2x10000x128xf32, #tpu.memory_space<hbm>> -> memref<1x16x128xf32, #tpu.memory_space<hbm>>
        %dma_wait3A_65 = tpu.memref_squeeze %dma_wait3A_64 : memref<1x16x128xf32, #tpu.memory_space<hbm>> -> memref<16x128xf32, #tpu.memory_space<hbm>>
        %dma_wait3A_66 = arith.constant 9984 : i32
        %dma_wait3A_67 = arith.constant 0 : i32
        %dma_wait3A_68 = tpu.memref_slice %arg6[%dma_wait3A_66, %dma_wait3A_67] : memref<10128x128xf32, #tpu.memory_space<vmem_shared>> -> memref<16x128xf32, #tpu.memory_space<vmem_shared>>
        tpu.wait_dma2 semaphore(%run_scoped3A : memref<!tpu.dma_semaphore, #tpu.memory_space<semaphore_mem>>) src(%dma_wait3A_68 : memref<16x128xf32, #tpu.memory_space<vmem_shared>>) dst(%dma_wait3A_65 : memref<16x128xf32, #tpu.memory_space<hbm>>)
        tpu.yield
      }) : () -> ()
    } else {
    }
    return
  }
}

#map = affine_map<(d0, d1) -> (0, 0)>
#map1 = affine_map<(d0, d1) -> (0, 0, 0)>
module attributes {stable_mosaic.version = 14 : i64} {
  func.func @k(%arg0: i32, %arg1: i32, %arg2: memref<40000x128xf32, #tpu.memory_space<hbm>>, %arg3: memref<2560x128xi32, #tpu.memory_space<hbm>>, %arg4: memref<2560x128xi32, #tpu.memory_space<hbm>>, %arg5: memref<2x10000x128xf32, #tpu.memory_space<hbm>>, %arg6: memref<10128x128xf32, #tpu.memory_space<vmem_shared>>, %arg7: memref<8x128xi32, #tpu.memory_space<vmem>>, %arg8: memref<8x128xi32, #tpu.memory_space<vmem>>, %arg9: memref<128x128xf32, #tpu.memory_space<vmem>>, %arg10: memref<128x128xf32, #tpu.memory_space<vmem>>, %arg11: memref<!tpu.dma_semaphore, #tpu.memory_space<semaphore_mem>>, %arg12: memref<!tpu.dma_semaphore, #tpu.memory_space<semaphore_mem>>, %arg13: memref<!tpu.dma_semaphore, #tpu.memory_space<semaphore_mem>>, %arg14: memref<!tpu.dma_semaphore, #tpu.memory_space<semaphore_mem>>) attributes {dimension_semantics = [#tpu.dimension_semantics<core_parallel>, #tpu.dimension_semantics<subcore_parallel>], iteration_bounds = array<i64: 2, 16>, scalar_prefetch = 0 : i64, scratch_operands = 9 : i64, tpu.core_type = #tpu.core_type<sc_vector_subcore>, window_params = [{transform_indices = #map}, {transform_indices = #map}, {transform_indices = #map}, {transform_indices = #map1}]} {
    %mul3A = arith.constant 16 : i32
    %mul3A_0 = arith.muli %arg0, %mul3A : i32
    %add3A = arith.addi %mul3A_0, %arg1 : i32
    %broadcast_in_dim3A = arith.constant 0.000000e+00 : f32
    %broadcast_in_dim3A_1 = vector.broadcast %broadcast_in_dim3A : f32 to vector<16xf32>
    %scan3A = arith.constant 0 : i32
    %scan3A_2 = arith.constant 0 : i32
    %scan3A_3 = arith.constant 128 : i32
    %scan3A_4 = arith.addi %scan3A_2, %scan3A_3 : i32
    %scan3A_5 = arith.constant 1 : i32
    %scan3A_6 = scf.for %scan3A_57 = %scan3A_2 to %scan3A_4 step %scan3A_5 iter_args(%scan3A_58 = %scan3A) -> (i32)  : i32 {
      %swap3A = arith.index_cast %scan3A_57 : i32 to index
      %swap3A_59 = arith.constant 0 : index
      %swap3A_60 = tpu.vector_load %arg9[%swap3A, %swap3A_59] {strides = array<i32>} : memref<128x128xf32, #tpu.memory_space<vmem>>, vector<1x16xf32>,
      %swap3A_61 = vector.shape_cast %swap3A_60 : vector<1x16xf32> to vector<16xf32>
      %swap3A_62 = vector.shape_cast %broadcast_in_dim3A_1 : vector<16xf32> to vector<1x16xf32>
      tpu.vector_store %arg9[%swap3A, %swap3A_59], %swap3A_62 {strides = array<i32>} : memref<128x128xf32, #tpu.memory_space<vmem>>, vector<1x16xf32>,
      %swap3A_63 = arith.index_cast %scan3A_57 : i32 to index
      %swap3A_64 = arith.constant 16 : index
      %swap3A_65 = tpu.vector_load %arg9[%swap3A_63, %swap3A_64] {strides = array<i32>} : memref<128x128xf32, #tpu.memory_space<vmem>>, vector<1x16xf32>,
      %swap3A_66 = vector.shape_cast %swap3A_65 : vector<1x16xf32> to vector<16xf32>
      %swap3A_67 = vector.shape_cast %broadcast_in_dim3A_1 : vector<16xf32> to vector<1x16xf32>
      tpu.vector_store %arg9[%swap3A_63, %swap3A_64], %swap3A_67 {strides = array<i32>} : memref<128x128xf32, #tpu.memory_space<vmem>>, vector<1x16xf32>,
      %swap3A_68 = arith.index_cast %scan3A_57 : i32 to index
      %swap3A_69 = arith.constant 32 : index
      %swap3A_70 = tpu.vector_load %arg9[%swap3A_68, %swap3A_69] {strides = array<i32>} : memref<128x128xf32, #tpu.memory_space<vmem>>, vector<1x16xf32>,
      %swap3A_71 = vector.shape_cast %swap3A_70 : vector<1x16xf32> to vector<16xf32>
      %swap3A_72 = vector.shape_cast %broadcast_in_dim3A_1 : vector<16xf32> to vector<1x16xf32>
      tpu.vector_store %arg9[%swap3A_68, %swap3A_69], %swap3A_72 {strides = array<i32>} : memref<128x128xf32, #tpu.memory_space<vmem>>, vector<1x16xf32>,
      %swap3A_73 = arith.index_cast %scan3A_57 : i32 to index
      %swap3A_74 = arith.constant 48 : index
      %swap3A_75 = tpu.vector_load %arg9[%swap3A_73, %swap3A_74] {strides = array<i32>} : memref<128x128xf32, #tpu.memory_space<vmem>>, vector<1x16xf32>,
      %swap3A_76 = vector.shape_cast %swap3A_75 : vector<1x16xf32> to vector<16xf32>
      %swap3A_77 = vector.shape_cast %broadcast_in_dim3A_1 : vector<16xf32> to vector<1x16xf32>
      tpu.vector_store %arg9[%swap3A_73, %swap3A_74], %swap3A_77 {strides = array<i32>} : memref<128x128xf32, #tpu.memory_space<vmem>>, vector<1x16xf32>,
      %swap3A_78 = arith.index_cast %scan3A_57 : i32 to index
      %swap3A_79 = arith.constant 64 : index
      %swap3A_80 = tpu.vector_load %arg9[%swap3A_78, %swap3A_79] {strides = array<i32>} : memref<128x128xf32, #tpu.memory_space<vmem>>, vector<1x16xf32>,
      %swap3A_81 = vector.shape_cast %swap3A_80 : vector<1x16xf32> to vector<16xf32>
      %swap3A_82 = vector.shape_cast %broadcast_in_dim3A_1 : vector<16xf32> to vector<1x16xf32>
      tpu.vector_store %arg9[%swap3A_78, %swap3A_79], %swap3A_82 {strides = array<i32>} : memref<128x128xf32, #tpu.memory_space<vmem>>, vector<1x16xf32>,
      %swap3A_83 = arith.index_cast %scan3A_57 : i32 to index
      %swap3A_84 = arith.constant 80 : index
      %swap3A_85 = tpu.vector_load %arg9[%swap3A_83, %swap3A_84] {strides = array<i32>} : memref<128x128xf32, #tpu.memory_space<vmem>>, vector<1x16xf32>,
      %swap3A_86 = vector.shape_cast %swap3A_85 : vector<1x16xf32> to vector<16xf32>
      %swap3A_87 = vector.shape_cast %broadcast_in_dim3A_1 : vector<16xf32> to vector<1x16xf32>
      tpu.vector_store %arg9[%swap3A_83, %swap3A_84], %swap3A_87 {strides = array<i32>} : memref<128x128xf32, #tpu.memory_space<vmem>>, vector<1x16xf32>,
      %swap3A_88 = arith.index_cast %scan3A_57 : i32 to index
      %swap3A_89 = arith.constant 96 : index
      %swap3A_90 = tpu.vector_load %arg9[%swap3A_88, %swap3A_89] {strides = array<i32>} : memref<128x128xf32, #tpu.memory_space<vmem>>, vector<1x16xf32>,
      %swap3A_91 = vector.shape_cast %swap3A_90 : vector<1x16xf32> to vector<16xf32>
      %swap3A_92 = vector.shape_cast %broadcast_in_dim3A_1 : vector<16xf32> to vector<1x16xf32>
      tpu.vector_store %arg9[%swap3A_88, %swap3A_89], %swap3A_92 {strides = array<i32>} : memref<128x128xf32, #tpu.memory_space<vmem>>, vector<1x16xf32>,
      %swap3A_93 = arith.index_cast %scan3A_57 : i32 to index
      %swap3A_94 = arith.constant 112 : index
      %swap3A_95 = tpu.vector_load %arg9[%swap3A_93, %swap3A_94] {strides = array<i32>} : memref<128x128xf32, #tpu.memory_space<vmem>>, vector<1x16xf32>,
      %swap3A_96 = vector.shape_cast %swap3A_95 : vector<1x16xf32> to vector<16xf32>
      %swap3A_97 = vector.shape_cast %broadcast_in_dim3A_1 : vector<16xf32> to vector<1x16xf32>
      tpu.vector_store %arg9[%swap3A_93, %swap3A_94], %swap3A_97 {strides = array<i32>} : memref<128x128xf32, #tpu.memory_space<vmem>>, vector<1x16xf32>,
      %scan3A_98 = arith.constant 0 : i32
      scf.yield %scan3A_98 : i32
    }
    %scan3A_7 = arith.constant 128 : i32
    %mul3A_8 = arith.constant 624 : i32
    %mul3A_9 = arith.muli %arg1, %mul3A_8 : i32
    %add3A_10 = arith.constant 0 : i32
    %add3A_11 = arith.addi %mul3A_9, %add3A_10 : i32
    "tpu.region"() ({
      %run_scoped3A = tpu.sem_alloc : memref<!tpu.dma_semaphore, #tpu.memory_space<semaphore_mem>>
      %dma_start3A = arith.constant 0 : i32
      %dma_start3A_57 = tpu.memref_slice %arg6[%add3A_11, %dma_start3A] : memref<10128x128xf32, #tpu.memory_space<vmem_shared>> -> memref<128x128xf32, #tpu.memory_space<vmem_shared>>
      %dma_start3A_58 = arith.constant 0 : i32
      %dma_start3A_59 = tpu.memref_slice %arg6[%add3A_11, %dma_start3A_58] : memref<10128x128xf32, #tpu.memory_space<vmem_shared>> -> memref<128x128xf32, #tpu.memory_space<vmem_shared>>
      tpu.enqueue_dma source(%arg9 : memref<128x128xf32, #tpu.memory_space<vmem>>) target(%dma_start3A_59 : memref<128x128xf32, #tpu.memory_space<vmem_shared>>) target_semaphore(%run_scoped3A : memref<!tpu.dma_semaphore, #tpu.memory_space<semaphore_mem>>)
      %dma_wait3A = arith.constant 0 : i32
      %dma_wait3A_60 = tpu.memref_slice %arg6[%add3A_11, %dma_wait3A] : memref<10128x128xf32, #tpu.memory_space<vmem_shared>> -> memref<128x128xf32, #tpu.memory_space<vmem_shared>>
      %dma_wait3A_61 = arith.constant 0 : i32
      %dma_wait3A_62 = tpu.memref_slice %arg6[%add3A_11, %dma_wait3A_61] : memref<10128x128xf32, #tpu.memory_space<vmem_shared>> -> memref<128x128xf32, #tpu.memory_space<vmem_shared>>
      tpu.wait_dma2 semaphore(%run_scoped3A : memref<!tpu.dma_semaphore, #tpu.memory_space<semaphore_mem>>) src(%arg9 : memref<128x128xf32, #tpu.memory_space<vmem>>) dst(%dma_wait3A_62 : memref<128x128xf32, #tpu.memory_space<vmem_shared>>)
      tpu.yield
    }) : () -> ()
    %add3A_12 = arith.constant 128 : i32
    %add3A_13 = arith.addi %mul3A_9, %add3A_12 : i32
    "tpu.region"() ({
      %run_scoped3A = tpu.sem_alloc : memref<!tpu.dma_semaphore, #tpu.memory_space<semaphore_mem>>
      %dma_start3A = arith.constant 0 : i32
      %dma_start3A_57 = tpu.memref_slice %arg6[%add3A_13, %dma_start3A] : memref<10128x128xf32, #tpu.memory_space<vmem_shared>> -> memref<128x128xf32, #tpu.memory_space<vmem_shared>>
      %dma_start3A_58 = arith.constant 0 : i32
      %dma_start3A_59 = tpu.memref_slice %arg6[%add3A_13, %dma_start3A_58] : memref<10128x128xf32, #tpu.memory_space<vmem_shared>> -> memref<128x128xf32, #tpu.memory_space<vmem_shared>>
      tpu.enqueue_dma source(%arg9 : memref<128x128xf32, #tpu.memory_space<vmem>>) target(%dma_start3A_59 : memref<128x128xf32, #tpu.memory_space<vmem_shared>>) target_semaphore(%run_scoped3A : memref<!tpu.dma_semaphore, #tpu.memory_space<semaphore_mem>>)
      %dma_wait3A = arith.constant 0 : i32
      %dma_wait3A_60 = tpu.memref_slice %arg6[%add3A_13, %dma_wait3A] : memref<10128x128xf32, #tpu.memory_space<vmem_shared>> -> memref<128x128xf32, #tpu.memory_space<vmem_shared>>
      %dma_wait3A_61 = arith.constant 0 : i32
      %dma_wait3A_62 = tpu.memref_slice %arg6[%add3A_13, %dma_wait3A_61] : memref<10128x128xf32, #tpu.memory_space<vmem_shared>> -> memref<128x128xf32, #tpu.memory_space<vmem_shared>>
      tpu.wait_dma2 semaphore(%run_scoped3A : memref<!tpu.dma_semaphore, #tpu.memory_space<semaphore_mem>>) src(%arg9 : memref<128x128xf32, #tpu.memory_space<vmem>>) dst(%dma_wait3A_62 : memref<128x128xf32, #tpu.memory_space<vmem_shared>>)
      tpu.yield
    }) : () -> ()
    %add3A_14 = arith.constant 256 : i32
    %add3A_15 = arith.addi %mul3A_9, %add3A_14 : i32
    "tpu.region"() ({
      %run_scoped3A = tpu.sem_alloc : memref<!tpu.dma_semaphore, #tpu.memory_space<semaphore_mem>>
      %dma_start3A = arith.constant 0 : i32
      %dma_start3A_57 = tpu.memref_slice %arg6[%add3A_15, %dma_start3A] : memref<10128x128xf32, #tpu.memory_space<vmem_shared>> -> memref<128x128xf32, #tpu.memory_space<vmem_shared>>
      %dma_start3A_58 = arith.constant 0 : i32
      %dma_start3A_59 = tpu.memref_slice %arg6[%add3A_15, %dma_start3A_58] : memref<10128x128xf32, #tpu.memory_space<vmem_shared>> -> memref<128x128xf32, #tpu.memory_space<vmem_shared>>
      tpu.enqueue_dma source(%arg9 : memref<128x128xf32, #tpu.memory_space<vmem>>) target(%dma_start3A_59 : memref<128x128xf32, #tpu.memory_space<vmem_shared>>) target_semaphore(%run_scoped3A : memref<!tpu.dma_semaphore, #tpu.memory_space<semaphore_mem>>)
      %dma_wait3A = arith.constant 0 : i32
      %dma_wait3A_60 = tpu.memref_slice %arg6[%add3A_15, %dma_wait3A] : memref<10128x128xf32, #tpu.memory_space<vmem_shared>> -> memref<128x128xf32, #tpu.memory_space<vmem_shared>>
      %dma_wait3A_61 = arith.constant 0 : i32
      %dma_wait3A_62 = tpu.memref_slice %arg6[%add3A_15, %dma_wait3A_61] : memref<10128x128xf32, #tpu.memory_space<vmem_shared>> -> memref<128x128xf32, #tpu.memory_space<vmem_shared>>
      tpu.wait_dma2 semaphore(%run_scoped3A : memref<!tpu.dma_semaphore, #tpu.memory_space<semaphore_mem>>) src(%arg9 : memref<128x128xf32, #tpu.memory_space<vmem>>) dst(%dma_wait3A_62 : memref<128x128xf32, #tpu.memory_space<vmem_shared>>)
      tpu.yield
    }) : () -> ()
    %add3A_16 = arith.constant 384 : i32
    %add3A_17 = arith.addi %mul3A_9, %add3A_16 : i32
    "tpu.region"() ({
      %run_scoped3A = tpu.sem_alloc : memref<!tpu.dma_semaphore, #tpu.memory_space<semaphore_mem>>
      %dma_start3A = arith.constant 0 : i32
      %dma_start3A_57 = tpu.memref_slice %arg6[%add3A_17, %dma_start3A] : memref<10128x128xf32, #tpu.memory_space<vmem_shared>> -> memref<128x128xf32, #tpu.memory_space<vmem_shared>>
      %dma_start3A_58 = arith.constant 0 : i32
      %dma_start3A_59 = tpu.memref_slice %arg6[%add3A_17, %dma_start3A_58] : memref<10128x128xf32, #tpu.memory_space<vmem_shared>> -> memref<128x128xf32, #tpu.memory_space<vmem_shared>>
      tpu.enqueue_dma source(%arg9 : memref<128x128xf32, #tpu.memory_space<vmem>>) target(%dma_start3A_59 : memref<128x128xf32, #tpu.memory_space<vmem_shared>>) target_semaphore(%run_scoped3A : memref<!tpu.dma_semaphore, #tpu.memory_space<semaphore_mem>>)
      %dma_wait3A = arith.constant 0 : i32
      %dma_wait3A_60 = tpu.memref_slice %arg6[%add3A_17, %dma_wait3A] : memref<10128x128xf32, #tpu.memory_space<vmem_shared>> -> memref<128x128xf32, #tpu.memory_space<vmem_shared>>
      %dma_wait3A_61 = arith.constant 0 : i32
      %dma_wait3A_62 = tpu.memref_slice %arg6[%add3A_17, %dma_wait3A_61] : memref<10128x128xf32, #tpu.memory_space<vmem_shared>> -> memref<128x128xf32, #tpu.memory_space<vmem_shared>>
      tpu.wait_dma2 semaphore(%run_scoped3A : memref<!tpu.dma_semaphore, #tpu.memory_space<semaphore_mem>>) src(%arg9 : memref<128x128xf32, #tpu.memory_space<vmem>>) dst(%dma_wait3A_62 : memref<128x128xf32, #tpu.memory_space<vmem_shared>>)
      tpu.yield
    }) : () -> ()
    %add3A_18 = arith.constant 512 : i32
    %add3A_19 = arith.addi %mul3A_9, %add3A_18 : i32
    "tpu.region"() ({
      %run_scoped3A = tpu.sem_alloc : memref<!tpu.dma_semaphore, #tpu.memory_space<semaphore_mem>>
      %dma_start3A = arith.constant 0 : i32
      %dma_start3A_57 = arith.constant 0 : i32
      %dma_start3A_58 = tpu.memref_slice %arg9[%dma_start3A, %dma_start3A_57] : memref<128x128xf32, #tpu.memory_space<vmem>> -> memref<112x128xf32, #tpu.memory_space<vmem>>
      %dma_start3A_59 = arith.constant 0 : i32
      %dma_start3A_60 = tpu.memref_slice %arg6[%add3A_19, %dma_start3A_59] : memref<10128x128xf32, #tpu.memory_space<vmem_shared>> -> memref<112x128xf32, #tpu.memory_space<vmem_shared>>
      %dma_start3A_61 = arith.constant 0 : i32
      %dma_start3A_62 = tpu.memref_slice %arg6[%add3A_19, %dma_start3A_61] : memref<10128x128xf32, #tpu.memory_space<vmem_shared>> -> memref<112x128xf32, #tpu.memory_space<vmem_shared>>
      %dma_start3A_63 = arith.constant 0 : i32
      %dma_start3A_64 = arith.constant 0 : i32
      %dma_start3A_65 = tpu.memref_slice %arg9[%dma_start3A_63, %dma_start3A_64] : memref<128x128xf32, #tpu.memory_space<vmem>> -> memref<112x128xf32, #tpu.memory_space<vmem>>
      tpu.enqueue_dma source(%dma_start3A_65 : memref<112x128xf32, #tpu.memory_space<vmem>>) target(%dma_start3A_62 : memref<112x128xf32, #tpu.memory_space<vmem_shared>>) target_semaphore(%run_scoped3A : memref<!tpu.dma_semaphore, #tpu.memory_space<semaphore_mem>>)
      %dma_wait3A = arith.constant 0 : i32
      %dma_wait3A_66 = arith.constant 0 : i32
      %dma_wait3A_67 = tpu.memref_slice %arg9[%dma_wait3A, %dma_wait3A_66] : memref<128x128xf32, #tpu.memory_space<vmem>> -> memref<112x128xf32, #tpu.memory_space<vmem>>
      %dma_wait3A_68 = arith.constant 0 : i32
      %dma_wait3A_69 = tpu.memref_slice %arg6[%add3A_19, %dma_wait3A_68] : memref<10128x128xf32, #tpu.memory_space<vmem_shared>> -> memref<112x128xf32, #tpu.memory_space<vmem_shared>>
      %dma_wait3A_70 = arith.constant 0 : i32
      %dma_wait3A_71 = tpu.memref_slice %arg6[%add3A_19, %dma_wait3A_70] : memref<10128x128xf32, #tpu.memory_space<vmem_shared>> -> memref<112x128xf32, #tpu.memory_space<vmem_shared>>
      %dma_wait3A_72 = arith.constant 0 : i32
      %dma_wait3A_73 = arith.constant 0 : i32
      %dma_wait3A_74 = tpu.memref_slice %arg9[%dma_wait3A_72, %dma_wait3A_73] : memref<128x128xf32, #tpu.memory_space<vmem>> -> memref<112x128xf32, #tpu.memory_space<vmem>>
      tpu.wait_dma2 semaphore(%run_scoped3A : memref<!tpu.dma_semaphore, #tpu.memory_space<semaphore_mem>>) src(%dma_wait3A_74 : memref<112x128xf32, #tpu.memory_space<vmem>>) dst(%dma_wait3A_71 : memref<112x128xf32, #tpu.memory_space<vmem_shared>>)
      tpu.yield
    }) : () -> ()
    %eq3A = arith.constant 15 : i32
    %eq3A_20 = arith.cmpi eq, %arg1, %eq3A : i32
    %convert_element_type3A = arith.extui %eq3A_20 : i1 to i32
    %cond3A = arith.constant 0 : i32
    %cond3A_21 = arith.cmpi ne, %convert_element_type3A, %cond3A : i32
    scf.if %cond3A_21 {
      "tpu.region"() ({
        %run_scoped3A = tpu.sem_alloc : memref<!tpu.dma_semaphore, #tpu.memory_space<semaphore_mem>>
        %dma_start3A = arith.constant 0 : i32
        %dma_start3A_57 = arith.constant 0 : i32
        %dma_start3A_58 = tpu.memref_slice %arg9[%dma_start3A, %dma_start3A_57] : memref<128x128xf32, #tpu.memory_space<vmem>> -> memref<16x128xf32, #tpu.memory_space<vmem>>
        %dma_start3A_59 = arith.constant 9984 : i32
        %dma_start3A_60 = arith.constant 0 : i32
        %dma_start3A_61 = tpu.memref_slice %arg6[%dma_start3A_59, %dma_start3A_60] : memref<10128x128xf32, #tpu.memory_space<vmem_shared>> -> memref<16x128xf32, #tpu.memory_space<vmem_shared>>
        %dma_start3A_62 = arith.constant 9984 : i32
        %dma_start3A_63 = arith.constant 0 : i32
        %dma_start3A_64 = tpu.memref_slice %arg6[%dma_start3A_62, %dma_start3A_63] : memref<10128x128xf32, #tpu.memory_space<vmem_shared>> -> memref<16x128xf32, #tpu.memory_space<vmem_shared>>
        %dma_start3A_65 = arith.constant 0 : i32
        %dma_start3A_66 = arith.constant 0 : i32
        %dma_start3A_67 = tpu.memref_slice %arg9[%dma_start3A_65, %dma_start3A_66] : memref<128x128xf32, #tpu.memory_space<vmem>> -> memref<16x128xf32, #tpu.memory_space<vmem>>
        tpu.enqueue_dma source(%dma_start3A_67 : memref<16x128xf32, #tpu.memory_space<vmem>>) target(%dma_start3A_64 : memref<16x128xf32, #tpu.memory_space<vmem_shared>>) target_semaphore(%run_scoped3A : memref<!tpu.dma_semaphore, #tpu.memory_space<semaphore_mem>>)
        %dma_wait3A = arith.constant 0 : i32
        %dma_wait3A_68 = arith.constant 0 : i32
        %dma_wait3A_69 = tpu.memref_slice %arg9[%dma_wait3A, %dma_wait3A_68] : memref<128x128xf32, #tpu.memory_space<vmem>> -> memref<16x128xf32, #tpu.memory_space<vmem>>
        %dma_wait3A_70 = arith.constant 9984 : i32
        %dma_wait3A_71 = arith.constant 0 : i32
        %dma_wait3A_72 = tpu.memref_slice %arg6[%dma_wait3A_70, %dma_wait3A_71] : memref<10128x128xf32, #tpu.memory_space<vmem_shared>> -> memref<16x128xf32, #tpu.memory_space<vmem_shared>>
        %dma_wait3A_73 = arith.constant 9984 : i32
        %dma_wait3A_74 = arith.constant 0 : i32
        %dma_wait3A_75 = tpu.memref_slice %arg6[%dma_wait3A_73, %dma_wait3A_74] : memref<10128x128xf32, #tpu.memory_space<vmem_shared>> -> memref<16x128xf32, #tpu.memory_space<vmem_shared>>
        %dma_wait3A_76 = arith.constant 0 : i32
        %dma_wait3A_77 = arith.constant 0 : i32
        %dma_wait3A_78 = tpu.memref_slice %arg9[%dma_wait3A_76, %dma_wait3A_77] : memref<128x128xf32, #tpu.memory_space<vmem>> -> memref<16x128xf32, #tpu.memory_space<vmem>>
        tpu.wait_dma2 semaphore(%run_scoped3A : memref<!tpu.dma_semaphore, #tpu.memory_space<semaphore_mem>>) src(%dma_wait3A_78 : memref<16x128xf32, #tpu.memory_space<vmem>>) dst(%dma_wait3A_75 : memref<16x128xf32, #tpu.memory_space<vmem_shared>>)
        tpu.yield
      }) : () -> ()
    } else {
    }
    %barrier3A = arith.constant 0 : index
    tpu.barrier barrier_id(%barrier3A)
    %mul3A_22 = arith.constant 80 : i32
    %mul3A_23 = arith.muli %add3A, %mul3A_22 : i32
    %scan3A_24 = arith.constant 0 : i32
    %scan3A_25 = arith.constant 0 : i32
    %scan3A_26 = arith.constant 10 : i32
    %scan3A_27 = arith.addi %scan3A_25, %scan3A_26 : i32
    %scan3A_28 = arith.constant 1 : i32
    %scan3A_29 = scf.for %scan3A_57 = %scan3A_25 to %scan3A_27 step %scan3A_28 iter_args(%scan3A_58 = %scan3A_24) -> (i32)  : i32 {
      %mul3A_59 = arith.constant 8 : i32
      %mul3A_60 = arith.muli %scan3A_57, %mul3A_59 : i32
      %add3A_61 = arith.addi %mul3A_23, %mul3A_60 : i32
      "tpu.region"() ({
        %run_scoped3A = tpu.sem_alloc : memref<!tpu.dma_semaphore, #tpu.memory_space<semaphore_mem>>
        %dma_start3A_285 = arith.constant 0 : i32
        %dma_start3A_286 = tpu.memref_slice %arg3[%add3A_61, %dma_start3A_285] : memref<2560x128xi32, #tpu.memory_space<hbm>> -> memref<8x128xi32, #tpu.memory_space<hbm>>
        %dma_start3A_287 = arith.constant 0 : i32
        %dma_start3A_288 = tpu.memref_slice %arg3[%add3A_61, %dma_start3A_287] : memref<2560x128xi32, #tpu.memory_space<hbm>> -> memref<8x128xi32, #tpu.memory_space<hbm>>
        tpu.enqueue_dma source(%dma_start3A_288 : memref<8x128xi32, #tpu.memory_space<hbm>>) target(%arg7 : memref<8x128xi32, #tpu.memory_space<vmem>>) target_semaphore(%run_scoped3A : memref<!tpu.dma_semaphore, #tpu.memory_space<semaphore_mem>>)
        %dma_wait3A_289 = arith.constant 0 : i32
        %dma_wait3A_290 = tpu.memref_slice %arg3[%add3A_61, %dma_wait3A_289] : memref<2560x128xi32, #tpu.memory_space<hbm>> -> memref<8x128xi32, #tpu.memory_space<hbm>>
        %dma_wait3A_291 = arith.constant 0 : i32
        %dma_wait3A_292 = tpu.memref_slice %arg3[%add3A_61, %dma_wait3A_291] : memref<2560x128xi32, #tpu.memory_space<hbm>> -> memref<8x128xi32, #tpu.memory_space<hbm>>
        tpu.wait_dma2 semaphore(%run_scoped3A : memref<!tpu.dma_semaphore, #tpu.memory_space<semaphore_mem>>) src(%dma_wait3A_292 : memref<8x128xi32, #tpu.memory_space<hbm>>) dst(%arg7 : memref<8x128xi32, #tpu.memory_space<vmem>>)
        tpu.yield
      }) : () -> ()
      "tpu.region"() ({
        %run_scoped3A = tpu.sem_alloc : memref<!tpu.dma_semaphore, #tpu.memory_space<semaphore_mem>>
        %dma_start3A_285 = arith.constant 0 : i32
        %dma_start3A_286 = tpu.memref_slice %arg4[%add3A_61, %dma_start3A_285] : memref<2560x128xi32, #tpu.memory_space<hbm>> -> memref<8x128xi32, #tpu.memory_space<hbm>>
        %dma_start3A_287 = arith.constant 0 : i32
        %dma_start3A_288 = tpu.memref_slice %arg4[%add3A_61, %dma_start3A_287] : memref<2560x128xi32, #tpu.memory_space<hbm>> -> memref<8x128xi32, #tpu.memory_space<hbm>>
        tpu.enqueue_dma source(%dma_start3A_288 : memref<8x128xi32, #tpu.memory_space<hbm>>) target(%arg8 : memref<8x128xi32, #tpu.memory_space<vmem>>) target_semaphore(%run_scoped3A : memref<!tpu.dma_semaphore, #tpu.memory_space<semaphore_mem>>)
        %dma_wait3A_289 = arith.constant 0 : i32
        %dma_wait3A_290 = tpu.memref_slice %arg4[%add3A_61, %dma_wait3A_289] : memref<2560x128xi32, #tpu.memory_space<hbm>> -> memref<8x128xi32, #tpu.memory_space<hbm>>
        %dma_wait3A_291 = arith.constant 0 : i32
        %dma_wait3A_292 = tpu.memref_slice %arg4[%add3A_61, %dma_wait3A_291] : memref<2560x128xi32, #tpu.memory_space<hbm>> -> memref<8x128xi32, #tpu.memory_space<hbm>>
        tpu.wait_dma2 semaphore(%run_scoped3A : memref<!tpu.dma_semaphore, #tpu.memory_space<semaphore_mem>>) src(%dma_wait3A_292 : memref<8x128xi32, #tpu.memory_space<hbm>>) dst(%arg8 : memref<8x128xi32, #tpu.memory_space<vmem>>)
        tpu.yield
      }) : () -> ()
      %dma_start3A = arith.constant 0 : i32
      %dma_start3A_62 = arith.constant 0 : i32
      %dma_start3A_63 = tpu.memref_slice %arg7[%dma_start3A, %dma_start3A_62] : memref<8x128xi32, #tpu.memory_space<vmem>> -> memref<1x128xi32, #tpu.memory_space<vmem>>
      %dma_start3A_64 = tpu.memref_squeeze %dma_start3A_63 : memref<1x128xi32, #tpu.memory_space<vmem>> -> memref<128xi32, #tpu.memory_space<vmem>>
      %dma_start3A_65 = arith.constant 0 : i32
      %dma_start3A_66 = arith.constant 0 : i32
      %dma_start3A_67 = tpu.memref_slice %arg2[%dma_start3A_65, %dma_start3A_66] : memref<40000x128xf32, #tpu.memory_space<hbm>> -> memref<40000x128xf32, #tpu.memory_space<hbm>>
      tpu.enqueue_indirect_dma source(%dma_start3A_67 : memref<40000x128xf32, #tpu.memory_space<hbm>>) target(%arg9 : memref<128x128xf32, #tpu.memory_space<vmem>>) offsets(%dma_start3A_64 : memref<128xi32, #tpu.memory_space<vmem>>) semaphore(%arg11 : memref<!tpu.dma_semaphore, #tpu.memory_space<semaphore_mem>>)
      %dma_start3A_68 = arith.constant 1 : i32
      %dma_start3A_69 = arith.constant 0 : i32
      %dma_start3A_70 = tpu.memref_slice %arg7[%dma_start3A_68, %dma_start3A_69] : memref<8x128xi32, #tpu.memory_space<vmem>> -> memref<1x128xi32, #tpu.memory_space<vmem>>
      %dma_start3A_71 = tpu.memref_squeeze %dma_start3A_70 : memref<1x128xi32, #tpu.memory_space<vmem>> -> memref<128xi32, #tpu.memory_space<vmem>>
      %dma_start3A_72 = arith.constant 0 : i32
      %dma_start3A_73 = arith.constant 0 : i32
      %dma_start3A_74 = tpu.memref_slice %arg2[%dma_start3A_72, %dma_start3A_73] : memref<40000x128xf32, #tpu.memory_space<hbm>> -> memref<40000x128xf32, #tpu.memory_space<hbm>>
      tpu.enqueue_indirect_dma source(%dma_start3A_74 : memref<40000x128xf32, #tpu.memory_space<hbm>>) target(%arg10 : memref<128x128xf32, #tpu.memory_space<vmem>>) offsets(%dma_start3A_71 : memref<128xi32, #tpu.memory_space<vmem>>) semaphore(%arg12 : memref<!tpu.dma_semaphore, #tpu.memory_space<semaphore_mem>>)
      %dma_wait3A = arith.constant 0 : i32
      %dma_wait3A_75 = arith.constant 0 : i32
      %dma_wait3A_76 = tpu.memref_slice %arg7[%dma_wait3A, %dma_wait3A_75] : memref<8x128xi32, #tpu.memory_space<vmem>> -> memref<1x128xi32, #tpu.memory_space<vmem>>
      %dma_wait3A_77 = tpu.memref_squeeze %dma_wait3A_76 : memref<1x128xi32, #tpu.memory_space<vmem>> -> memref<128xi32, #tpu.memory_space<vmem>>
      %dma_wait3A_78 = arith.constant 0 : i32
      %dma_wait3A_79 = arith.constant 0 : i32
      %dma_wait3A_80 = tpu.memref_slice %arg2[%dma_wait3A_78, %dma_wait3A_79] : memref<40000x128xf32, #tpu.memory_space<hbm>> -> memref<40000x128xf32, #tpu.memory_space<hbm>>
      tpu.wait_indirect_dma semaphore(%arg11 : memref<!tpu.dma_semaphore, #tpu.memory_space<semaphore_mem>>) src(%dma_wait3A_80 : memref<40000x128xf32, #tpu.memory_space<hbm>>) dst(%arg9 : memref<128x128xf32, #tpu.memory_space<vmem>>)
      %dma_start3A_81 = arith.constant 0 : i32
      %dma_start3A_82 = arith.constant 0 : i32
      %dma_start3A_83 = tpu.memref_slice %arg8[%dma_start3A_81, %dma_start3A_82] : memref<8x128xi32, #tpu.memory_space<vmem>> -> memref<1x128xi32, #tpu.memory_space<vmem>>
      %dma_start3A_84 = tpu.memref_squeeze %dma_start3A_83 : memref<1x128xi32, #tpu.memory_space<vmem>> -> memref<128xi32, #tpu.memory_space<vmem>>
      %dma_start3A_85 = arith.constant 0 : i32
      %dma_start3A_86 = arith.constant 0 : i32
      %dma_start3A_87 = tpu.memref_slice %arg6[%dma_start3A_85, %dma_start3A_86] : memref<10128x128xf32, #tpu.memory_space<vmem_shared>> -> memref<10128x128xf32, #tpu.memory_space<vmem_shared>>
      tpu.enqueue_indirect_dma source(%arg9 : memref<128x128xf32, #tpu.memory_space<vmem>>) target(%dma_start3A_87 : memref<10128x128xf32, #tpu.memory_space<vmem_shared>>) offsets(%dma_start3A_84 : memref<128xi32, #tpu.memory_space<vmem>>) semaphore(%arg13 : memref<!tpu.dma_semaphore, #tpu.memory_space<semaphore_mem>>) {add = true}
      %dma_wait3A_88 = arith.constant 0 : i32
      %dma_wait3A_89 = arith.constant 0 : i32
      %dma_wait3A_90 = tpu.memref_slice %arg8[%dma_wait3A_88, %dma_wait3A_89] : memref<8x128xi32, #tpu.memory_space<vmem>> -> memref<1x128xi32, #tpu.memory_space<vmem>>
      %dma_wait3A_91 = tpu.memref_squeeze %dma_wait3A_90 : memref<1x128xi32, #tpu.memory_space<vmem>> -> memref<128xi32, #tpu.memory_space<vmem>>
      %dma_wait3A_92 = arith.constant 0 : i32
      %dma_wait3A_93 = arith.constant 0 : i32
      %dma_wait3A_94 = tpu.memref_slice %arg6[%dma_wait3A_92, %dma_wait3A_93] : memref<10128x128xf32, #tpu.memory_space<vmem_shared>> -> memref<10128x128xf32, #tpu.memory_space<vmem_shared>>
      tpu.wait_indirect_dma semaphore(%arg13 : memref<!tpu.dma_semaphore, #tpu.memory_space<semaphore_mem>>) src(%arg9 : memref<128x128xf32, #tpu.memory_space<vmem>>) dst(%dma_wait3A_94 : memref<10128x128xf32, #tpu.memory_space<vmem_shared>>)
      %dma_start3A_95 = arith.constant 2 : i32
      %dma_start3A_96 = arith.constant 0 : i32
      %dma_start3A_97 = tpu.memref_slice %arg7[%dma_start3A_95, %dma_start3A_96] : memref<8x128xi32, #tpu.memory_space<vmem>> -> memref<1x128xi32, #tpu.memory_space<vmem>>
      %dma_start3A_98 = tpu.memref_squeeze %dma_start3A_97 : memref<1x128xi32, #tpu.memory_space<vmem>> -> memref<128xi32, #tpu.memory_space<vmem>>
      %dma_start3A_99 = arith.constant 0 : i32
      %dma_start3A_100 = arith.constant 0 : i32
      %dma_start3A_101 = tpu.memref_slice %arg2[%dma_start3A_99, %dma_start3A_100] : memref<40000x128xf32, #tpu.memory_space<hbm>> -> memref<40000x128xf32, #tpu.memory_space<hbm>>
      tpu.enqueue_indirect_dma source(%dma_start3A_101 : memref<40000x128xf32, #tpu.memory_space<hbm>>) target(%arg9 : memref<128x128xf32, #tpu.memory_space<vmem>>) offsets(%dma_start3A_98 : memref<128xi32, #tpu.memory_space<vmem>>) semaphore(%arg11 : memref<!tpu.dma_semaphore, #tpu.memory_space<semaphore_mem>>)
      %dma_wait3A_102 = arith.constant 1 : i32
      %dma_wait3A_103 = arith.constant 0 : i32
      %dma_wait3A_104 = tpu.memref_slice %arg7[%dma_wait3A_102, %dma_wait3A_103] : memref<8x128xi32, #tpu.memory_space<vmem>> -> memref<1x128xi32, #tpu.memory_space<vmem>>
      %dma_wait3A_105 = tpu.memref_squeeze %dma_wait3A_104 : memref<1x128xi32, #tpu.memory_space<vmem>> -> memref<128xi32, #tpu.memory_space<vmem>>
      %dma_wait3A_106 = arith.constant 0 : i32
      %dma_wait3A_107 = arith.constant 0 : i32
      %dma_wait3A_108 = tpu.memref_slice %arg2[%dma_wait3A_106, %dma_wait3A_107] : memref<40000x128xf32, #tpu.memory_space<hbm>> -> memref<40000x128xf32, #tpu.memory_space<hbm>>
      tpu.wait_indirect_dma semaphore(%arg12 : memref<!tpu.dma_semaphore, #tpu.memory_space<semaphore_mem>>) src(%dma_wait3A_108 : memref<40000x128xf32, #tpu.memory_space<hbm>>) dst(%arg10 : memref<128x128xf32, #tpu.memory_space<vmem>>)
      %dma_start3A_109 = arith.constant 1 : i32
      %dma_start3A_110 = arith.constant 0 : i32
      %dma_start3A_111 = tpu.memref_slice %arg8[%dma_start3A_109, %dma_start3A_110] : memref<8x128xi32, #tpu.memory_space<vmem>> -> memref<1x128xi32, #tpu.memory_space<vmem>>
      %dma_start3A_112 = tpu.memref_squeeze %dma_start3A_111 : memref<1x128xi32, #tpu.memory_space<vmem>> -> memref<128xi32, #tpu.memory_space<vmem>>
      %dma_start3A_113 = arith.constant 0 : i32
      %dma_start3A_114 = arith.constant 0 : i32
      %dma_start3A_115 = tpu.memref_slice %arg6[%dma_start3A_113, %dma_start3A_114] : memref<10128x128xf32, #tpu.memory_space<vmem_shared>> -> memref<10128x128xf32, #tpu.memory_space<vmem_shared>>
      tpu.enqueue_indirect_dma source(%arg10 : memref<128x128xf32, #tpu.memory_space<vmem>>) target(%dma_start3A_115 : memref<10128x128xf32, #tpu.memory_space<vmem_shared>>) offsets(%dma_start3A_112 : memref<128xi32, #tpu.memory_space<vmem>>) semaphore(%arg14 : memref<!tpu.dma_semaphore, #tpu.memory_space<semaphore_mem>>) {add = true}
      %dma_wait3A_116 = arith.constant 1 : i32
      %dma_wait3A_117 = arith.constant 0 : i32
      %dma_wait3A_118 = tpu.memref_slice %arg8[%dma_wait3A_116, %dma_wait3A_117] : memref<8x128xi32, #tpu.memory_space<vmem>> -> memref<1x128xi32, #tpu.memory_space<vmem>>
      %dma_wait3A_119 = tpu.memref_squeeze %dma_wait3A_118 : memref<1x128xi32, #tpu.memory_space<vmem>> -> memref<128xi32, #tpu.memory_space<vmem>>
      %dma_wait3A_120 = arith.constant 0 : i32
      %dma_wait3A_121 = arith.constant 0 : i32
      %dma_wait3A_122 = tpu.memref_slice %arg6[%dma_wait3A_120, %dma_wait3A_121] : memref<10128x128xf32, #tpu.memory_space<vmem_shared>> -> memref<10128x128xf32, #tpu.memory_space<vmem_shared>>
      tpu.wait_indirect_dma semaphore(%arg14 : memref<!tpu.dma_semaphore, #tpu.memory_space<semaphore_mem>>) src(%arg10 : memref<128x128xf32, #tpu.memory_space<vmem>>) dst(%dma_wait3A_122 : memref<10128x128xf32, #tpu.memory_space<vmem_shared>>)
      %dma_start3A_123 = arith.constant 3 : i32
      %dma_start3A_124 = arith.constant 0 : i32
      %dma_start3A_125 = tpu.memref_slice %arg7[%dma_start3A_123, %dma_start3A_124] : memref<8x128xi32, #tpu.memory_space<vmem>> -> memref<1x128xi32, #tpu.memory_space<vmem>>
      %dma_start3A_126 = tpu.memref_squeeze %dma_start3A_125 : memref<1x128xi32, #tpu.memory_space<vmem>> -> memref<128xi32, #tpu.memory_space<vmem>>
      %dma_start3A_127 = arith.constant 0 : i32
      %dma_start3A_128 = arith.constant 0 : i32
      %dma_start3A_129 = tpu.memref_slice %arg2[%dma_start3A_127, %dma_start3A_128] : memref<40000x128xf32, #tpu.memory_space<hbm>> -> memref<40000x128xf32, #tpu.memory_space<hbm>>
      tpu.enqueue_indirect_dma source(%dma_start3A_129 : memref<40000x128xf32, #tpu.memory_space<hbm>>) target(%arg10 : memref<128x128xf32, #tpu.memory_space<vmem>>) offsets(%dma_start3A_126 : memref<128xi32, #tpu.memory_space<vmem>>) semaphore(%arg12 : memref<!tpu.dma_semaphore, #tpu.memory_space<semaphore_mem>>)
      %dma_wait3A_130 = arith.constant 2 : i32
      %dma_wait3A_131 = arith.constant 0 : i32
      %dma_wait3A_132 = tpu.memref_slice %arg7[%dma_wait3A_130, %dma_wait3A_131] : memref<8x128xi32, #tpu.memory_space<vmem>> -> memref<1x128xi32, #tpu.memory_space<vmem>>
      %dma_wait3A_133 = tpu.memref_squeeze %dma_wait3A_132 : memref<1x128xi32, #tpu.memory_space<vmem>> -> memref<128xi32, #tpu.memory_space<vmem>>
      %dma_wait3A_134 = arith.constant 0 : i32
      %dma_wait3A_135 = arith.constant 0 : i32
      %dma_wait3A_136 = tpu.memref_slice %arg2[%dma_wait3A_134, %dma_wait3A_135] : memref<40000x128xf32, #tpu.memory_space<hbm>> -> memref<40000x128xf32, #tpu.memory_space<hbm>>
      tpu.wait_indirect_dma semaphore(%arg11 : memref<!tpu.dma_semaphore, #tpu.memory_space<semaphore_mem>>) src(%dma_wait3A_136 : memref<40000x128xf32, #tpu.memory_space<hbm>>) dst(%arg9 : memref<128x128xf32, #tpu.memory_space<vmem>>)
      %dma_start3A_137 = arith.constant 2 : i32
      %dma_start3A_138 = arith.constant 0 : i32
      %dma_start3A_139 = tpu.memref_slice %arg8[%dma_start3A_137, %dma_start3A_138] : memref<8x128xi32, #tpu.memory_space<vmem>> -> memref<1x128xi32, #tpu.memory_space<vmem>>
      %dma_start3A_140 = tpu.memref_squeeze %dma_start3A_139 : memref<1x128xi32, #tpu.memory_space<vmem>> -> memref<128xi32, #tpu.memory_space<vmem>>
      %dma_start3A_141 = arith.constant 0 : i32
      %dma_start3A_142 = arith.constant 0 : i32
      %dma_start3A_143 = tpu.memref_slice %arg6[%dma_start3A_141, %dma_start3A_142] : memref<10128x128xf32, #tpu.memory_space<vmem_shared>> -> memref<10128x128xf32, #tpu.memory_space<vmem_shared>>
      tpu.enqueue_indirect_dma source(%arg9 : memref<128x128xf32, #tpu.memory_space<vmem>>) target(%dma_start3A_143 : memref<10128x128xf32, #tpu.memory_space<vmem_shared>>) offsets(%dma_start3A_140 : memref<128xi32, #tpu.memory_space<vmem>>) semaphore(%arg13 : memref<!tpu.dma_semaphore, #tpu.memory_space<semaphore_mem>>) {add = true}
      %dma_wait3A_144 = arith.constant 2 : i32
      %dma_wait3A_145 = arith.constant 0 : i32
      %dma_wait3A_146 = tpu.memref_slice %arg8[%dma_wait3A_144, %dma_wait3A_145] : memref<8x128xi32, #tpu.memory_space<vmem>> -> memref<1x128xi32, #tpu.memory_space<vmem>>
      %dma_wait3A_147 = tpu.memref_squeeze %dma_wait3A_146 : memref<1x128xi32, #tpu.memory_space<vmem>> -> memref<128xi32, #tpu.memory_space<vmem>>
      %dma_wait3A_148 = arith.constant 0 : i32
      %dma_wait3A_149 = arith.constant 0 : i32
      %dma_wait3A_150 = tpu.memref_slice %arg6[%dma_wait3A_148, %dma_wait3A_149] : memref<10128x128xf32, #tpu.memory_space<vmem_shared>> -> memref<10128x128xf32, #tpu.memory_space<vmem_shared>>
      tpu.wait_indirect_dma semaphore(%arg13 : memref<!tpu.dma_semaphore, #tpu.memory_space<semaphore_mem>>) src(%arg9 : memref<128x128xf32, #tpu.memory_space<vmem>>) dst(%dma_wait3A_150 : memref<10128x128xf32, #tpu.memory_space<vmem_shared>>)
      %dma_start3A_151 = arith.constant 4 : i32
      %dma_start3A_152 = arith.constant 0 : i32
      %dma_start3A_153 = tpu.memref_slice %arg7[%dma_start3A_151, %dma_start3A_152] : memref<8x128xi32, #tpu.memory_space<vmem>> -> memref<1x128xi32, #tpu.memory_space<vmem>>
      %dma_start3A_154 = tpu.memref_squeeze %dma_start3A_153 : memref<1x128xi32, #tpu.memory_space<vmem>> -> memref<128xi32, #tpu.memory_space<vmem>>
      %dma_start3A_155 = arith.constant 0 : i32
      %dma_start3A_156 = arith.constant 0 : i32
      %dma_start3A_157 = tpu.memref_slice %arg2[%dma_start3A_155, %dma_start3A_156] : memref<40000x128xf32, #tpu.memory_space<hbm>> -> memref<40000x128xf32, #tpu.memory_space<hbm>>
      tpu.enqueue_indirect_dma source(%dma_start3A_157 : memref<40000x128xf32, #tpu.memory_space<hbm>>) target(%arg9 : memref<128x128xf32, #tpu.memory_space<vmem>>) offsets(%dma_start3A_154 : memref<128xi32, #tpu.memory_space<vmem>>) semaphore(%arg11 : memref<!tpu.dma_semaphore, #tpu.memory_space<semaphore_mem>>)
      %dma_wait3A_158 = arith.constant 3 : i32
      %dma_wait3A_159 = arith.constant 0 : i32
      %dma_wait3A_160 = tpu.memref_slice %arg7[%dma_wait3A_158, %dma_wait3A_159] : memref<8x128xi32, #tpu.memory_space<vmem>> -> memref<1x128xi32, #tpu.memory_space<vmem>>
      %dma_wait3A_161 = tpu.memref_squeeze %dma_wait3A_160 : memref<1x128xi32, #tpu.memory_space<vmem>> -> memref<128xi32, #tpu.memory_space<vmem>>
      %dma_wait3A_162 = arith.constant 0 : i32
      %dma_wait3A_163 = arith.constant 0 : i32
      %dma_wait3A_164 = tpu.memref_slice %arg2[%dma_wait3A_162, %dma_wait3A_163] : memref<40000x128xf32, #tpu.memory_space<hbm>> -> memref<40000x128xf32, #tpu.memory_space<hbm>>
      tpu.wait_indirect_dma semaphore(%arg12 : memref<!tpu.dma_semaphore, #tpu.memory_space<semaphore_mem>>) src(%dma_wait3A_164 : memref<40000x128xf32, #tpu.memory_space<hbm>>) dst(%arg10 : memref<128x128xf32, #tpu.memory_space<vmem>>)
      %dma_start3A_165 = arith.constant 3 : i32
      %dma_start3A_166 = arith.constant 0 : i32
      %dma_start3A_167 = tpu.memref_slice %arg8[%dma_start3A_165, %dma_start3A_166] : memref<8x128xi32, #tpu.memory_space<vmem>> -> memref<1x128xi32, #tpu.memory_space<vmem>>
      %dma_start3A_168 = tpu.memref_squeeze %dma_start3A_167 : memref<1x128xi32, #tpu.memory_space<vmem>> -> memref<128xi32, #tpu.memory_space<vmem>>
      %dma_start3A_169 = arith.constant 0 : i32
      %dma_start3A_170 = arith.constant 0 : i32
      %dma_start3A_171 = tpu.memref_slice %arg6[%dma_start3A_169, %dma_start3A_170] : memref<10128x128xf32, #tpu.memory_space<vmem_shared>> -> memref<10128x128xf32, #tpu.memory_space<vmem_shared>>
      tpu.enqueue_indirect_dma source(%arg10 : memref<128x128xf32, #tpu.memory_space<vmem>>) target(%dma_start3A_171 : memref<10128x128xf32, #tpu.memory_space<vmem_shared>>) offsets(%dma_start3A_168 : memref<128xi32, #tpu.memory_space<vmem>>) semaphore(%arg14 : memref<!tpu.dma_semaphore, #tpu.memory_space<semaphore_mem>>) {add = true}
      %dma_wait3A_172 = arith.constant 3 : i32
      %dma_wait3A_173 = arith.constant 0 : i32
      %dma_wait3A_174 = tpu.memref_slice %arg8[%dma_wait3A_172, %dma_wait3A_173] : memref<8x128xi32, #tpu.memory_space<vmem>> -> memref<1x128xi32, #tpu.memory_space<vmem>>
      %dma_wait3A_175 = tpu.memref_squeeze %dma_wait3A_174 : memref<1x128xi32, #tpu.memory_space<vmem>> -> memref<128xi32, #tpu.memory_space<vmem>>
      %dma_wait3A_176 = arith.constant 0 : i32
      %dma_wait3A_177 = arith.constant 0 : i32
      %dma_wait3A_178 = tpu.memref_slice %arg6[%dma_wait3A_176, %dma_wait3A_177] : memref<10128x128xf32, #tpu.memory_space<vmem_shared>> -> memref<10128x128xf32, #tpu.memory_space<vmem_shared>>
      tpu.wait_indirect_dma semaphore(%arg14 : memref<!tpu.dma_semaphore, #tpu.memory_space<semaphore_mem>>) src(%arg10 : memref<128x128xf32, #tpu.memory_space<vmem>>) dst(%dma_wait3A_178 : memref<10128x128xf32, #tpu.memory_space<vmem_shared>>)
      %dma_start3A_179 = arith.constant 5 : i32
      %dma_start3A_180 = arith.constant 0 : i32
      %dma_start3A_181 = tpu.memref_slice %arg7[%dma_start3A_179, %dma_start3A_180] : memref<8x128xi32, #tpu.memory_space<vmem>> -> memref<1x128xi32, #tpu.memory_space<vmem>>
      %dma_start3A_182 = tpu.memref_squeeze %dma_start3A_181 : memref<1x128xi32, #tpu.memory_space<vmem>> -> memref<128xi32, #tpu.memory_space<vmem>>
      %dma_start3A_183 = arith.constant 0 : i32
      %dma_start3A_184 = arith.constant 0 : i32
      %dma_start3A_185 = tpu.memref_slice %arg2[%dma_start3A_183, %dma_start3A_184] : memref<40000x128xf32, #tpu.memory_space<hbm>> -> memref<40000x128xf32, #tpu.memory_space<hbm>>
      tpu.enqueue_indirect_dma source(%dma_start3A_185 : memref<40000x128xf32, #tpu.memory_space<hbm>>) target(%arg10 : memref<128x128xf32, #tpu.memory_space<vmem>>) offsets(%dma_start3A_182 : memref<128xi32, #tpu.memory_space<vmem>>) semaphore(%arg12 : memref<!tpu.dma_semaphore, #tpu.memory_space<semaphore_mem>>)
      %dma_wait3A_186 = arith.constant 4 : i32
      %dma_wait3A_187 = arith.constant 0 : i32
      %dma_wait3A_188 = tpu.memref_slice %arg7[%dma_wait3A_186, %dma_wait3A_187] : memref<8x128xi32, #tpu.memory_space<vmem>> -> memref<1x128xi32, #tpu.memory_space<vmem>>
      %dma_wait3A_189 = tpu.memref_squeeze %dma_wait3A_188 : memref<1x128xi32, #tpu.memory_space<vmem>> -> memref<128xi32, #tpu.memory_space<vmem>>
      %dma_wait3A_190 = arith.constant 0 : i32
      %dma_wait3A_191 = arith.constant 0 : i32
      %dma_wait3A_192 = tpu.memref_slice %arg2[%dma_wait3A_190, %dma_wait3A_191] : memref<40000x128xf32, #tpu.memory_space<hbm>> -> memref<40000x128xf32, #tpu.memory_space<hbm>>
      tpu.wait_indirect_dma semaphore(%arg11 : memref<!tpu.dma_semaphore, #tpu.memory_space<semaphore_mem>>) src(%dma_wait3A_192 : memref<40000x128xf32, #tpu.memory_space<hbm>>) dst(%arg9 : memref<128x128xf32, #tpu.memory_space<vmem>>)
      %dma_start3A_193 = arith.constant 4 : i32
      %dma_start3A_194 = arith.constant 0 : i32
      %dma_start3A_195 = tpu.memref_slice %arg8[%dma_start3A_193, %dma_start3A_194] : memref<8x128xi32, #tpu.memory_space<vmem>> -> memref<1x128xi32, #tpu.memory_space<vmem>>
      %dma_start3A_196 = tpu.memref_squeeze %dma_start3A_195 : memref<1x128xi32, #tpu.memory_space<vmem>> -> memref<128xi32, #tpu.memory_space<vmem>>
      %dma_start3A_197 = arith.constant 0 : i32
      %dma_start3A_198 = arith.constant 0 : i32
      %dma_start3A_199 = tpu.memref_slice %arg6[%dma_start3A_197, %dma_start3A_198] : memref<10128x128xf32, #tpu.memory_space<vmem_shared>> -> memref<10128x128xf32, #tpu.memory_space<vmem_shared>>
      tpu.enqueue_indirect_dma source(%arg9 : memref<128x128xf32, #tpu.memory_space<vmem>>) target(%dma_start3A_199 : memref<10128x128xf32, #tpu.memory_space<vmem_shared>>) offsets(%dma_start3A_196 : memref<128xi32, #tpu.memory_space<vmem>>) semaphore(%arg13 : memref<!tpu.dma_semaphore, #tpu.memory_space<semaphore_mem>>) {add = true}
      %dma_wait3A_200 = arith.constant 4 : i32
      %dma_wait3A_201 = arith.constant 0 : i32
      %dma_wait3A_202 = tpu.memref_slice %arg8[%dma_wait3A_200, %dma_wait3A_201] : memref<8x128xi32, #tpu.memory_space<vmem>> -> memref<1x128xi32, #tpu.memory_space<vmem>>
      %dma_wait3A_203 = tpu.memref_squeeze %dma_wait3A_202 : memref<1x128xi32, #tpu.memory_space<vmem>> -> memref<128xi32, #tpu.memory_space<vmem>>
      %dma_wait3A_204 = arith.constant 0 : i32
      %dma_wait3A_205 = arith.constant 0 : i32
      %dma_wait3A_206 = tpu.memref_slice %arg6[%dma_wait3A_204, %dma_wait3A_205] : memref<10128x128xf32, #tpu.memory_space<vmem_shared>> -> memref<10128x128xf32, #tpu.memory_space<vmem_shared>>
      tpu.wait_indirect_dma semaphore(%arg13 : memref<!tpu.dma_semaphore, #tpu.memory_space<semaphore_mem>>) src(%arg9 : memref<128x128xf32, #tpu.memory_space<vmem>>) dst(%dma_wait3A_206 : memref<10128x128xf32, #tpu.memory_space<vmem_shared>>)
      %dma_start3A_207 = arith.constant 6 : i32
      %dma_start3A_208 = arith.constant 0 : i32
      %dma_start3A_209 = tpu.memref_slice %arg7[%dma_start3A_207, %dma_start3A_208] : memref<8x128xi32, #tpu.memory_space<vmem>> -> memref<1x128xi32, #tpu.memory_space<vmem>>
      %dma_start3A_210 = tpu.memref_squeeze %dma_start3A_209 : memref<1x128xi32, #tpu.memory_space<vmem>> -> memref<128xi32, #tpu.memory_space<vmem>>
      %dma_start3A_211 = arith.constant 0 : i32
      %dma_start3A_212 = arith.constant 0 : i32
      %dma_start3A_213 = tpu.memref_slice %arg2[%dma_start3A_211, %dma_start3A_212] : memref<40000x128xf32, #tpu.memory_space<hbm>> -> memref<40000x128xf32, #tpu.memory_space<hbm>>
      tpu.enqueue_indirect_dma source(%dma_start3A_213 : memref<40000x128xf32, #tpu.memory_space<hbm>>) target(%arg9 : memref<128x128xf32, #tpu.memory_space<vmem>>) offsets(%dma_start3A_210 : memref<128xi32, #tpu.memory_space<vmem>>) semaphore(%arg11 : memref<!tpu.dma_semaphore, #tpu.memory_space<semaphore_mem>>)
      %dma_wait3A_214 = arith.constant 5 : i32
      %dma_wait3A_215 = arith.constant 0 : i32
      %dma_wait3A_216 = tpu.memref_slice %arg7[%dma_wait3A_214, %dma_wait3A_215] : memref<8x128xi32, #tpu.memory_space<vmem>> -> memref<1x128xi32, #tpu.memory_space<vmem>>
      %dma_wait3A_217 = tpu.memref_squeeze %dma_wait3A_216 : memref<1x128xi32, #tpu.memory_space<vmem>> -> memref<128xi32, #tpu.memory_space<vmem>>
      %dma_wait3A_218 = arith.constant 0 : i32
      %dma_wait3A_219 = arith.constant 0 : i32
      %dma_wait3A_220 = tpu.memref_slice %arg2[%dma_wait3A_218, %dma_wait3A_219] : memref<40000x128xf32, #tpu.memory_space<hbm>> -> memref<40000x128xf32, #tpu.memory_space<hbm>>
      tpu.wait_indirect_dma semaphore(%arg12 : memref<!tpu.dma_semaphore, #tpu.memory_space<semaphore_mem>>) src(%dma_wait3A_220 : memref<40000x128xf32, #tpu.memory_space<hbm>>) dst(%arg10 : memref<128x128xf32, #tpu.memory_space<vmem>>)
      %dma_start3A_221 = arith.constant 5 : i32
      %dma_start3A_222 = arith.constant 0 : i32
      %dma_start3A_223 = tpu.memref_slice %arg8[%dma_start3A_221, %dma_start3A_222] : memref<8x128xi32, #tpu.memory_space<vmem>> -> memref<1x128xi32, #tpu.memory_space<vmem>>
      %dma_start3A_224 = tpu.memref_squeeze %dma_start3A_223 : memref<1x128xi32, #tpu.memory_space<vmem>> -> memref<128xi32, #tpu.memory_space<vmem>>
      %dma_start3A_225 = arith.constant 0 : i32
      %dma_start3A_226 = arith.constant 0 : i32
      %dma_start3A_227 = tpu.memref_slice %arg6[%dma_start3A_225, %dma_start3A_226] : memref<10128x128xf32, #tpu.memory_space<vmem_shared>> -> memref<10128x128xf32, #tpu.memory_space<vmem_shared>>
      tpu.enqueue_indirect_dma source(%arg10 : memref<128x128xf32, #tpu.memory_space<vmem>>) target(%dma_start3A_227 : memref<10128x128xf32, #tpu.memory_space<vmem_shared>>) offsets(%dma_start3A_224 : memref<128xi32, #tpu.memory_space<vmem>>) semaphore(%arg14 : memref<!tpu.dma_semaphore, #tpu.memory_space<semaphore_mem>>) {add = true}
      %dma_wait3A_228 = arith.constant 5 : i32
      %dma_wait3A_229 = arith.constant 0 : i32
      %dma_wait3A_230 = tpu.memref_slice %arg8[%dma_wait3A_228, %dma_wait3A_229] : memref<8x128xi32, #tpu.memory_space<vmem>> -> memref<1x128xi32, #tpu.memory_space<vmem>>
      %dma_wait3A_231 = tpu.memref_squeeze %dma_wait3A_230 : memref<1x128xi32, #tpu.memory_space<vmem>> -> memref<128xi32, #tpu.memory_space<vmem>>
      %dma_wait3A_232 = arith.constant 0 : i32
      %dma_wait3A_233 = arith.constant 0 : i32
      %dma_wait3A_234 = tpu.memref_slice %arg6[%dma_wait3A_232, %dma_wait3A_233] : memref<10128x128xf32, #tpu.memory_space<vmem_shared>> -> memref<10128x128xf32, #tpu.memory_space<vmem_shared>>
      tpu.wait_indirect_dma semaphore(%arg14 : memref<!tpu.dma_semaphore, #tpu.memory_space<semaphore_mem>>) src(%arg10 : memref<128x128xf32, #tpu.memory_space<vmem>>) dst(%dma_wait3A_234 : memref<10128x128xf32, #tpu.memory_space<vmem_shared>>)
      %dma_start3A_235 = arith.constant 7 : i32
      %dma_start3A_236 = arith.constant 0 : i32
      %dma_start3A_237 = tpu.memref_slice %arg7[%dma_start3A_235, %dma_start3A_236] : memref<8x128xi32, #tpu.memory_space<vmem>> -> memref<1x128xi32, #tpu.memory_space<vmem>>
      %dma_start3A_238 = tpu.memref_squeeze %dma_start3A_237 : memref<1x128xi32, #tpu.memory_space<vmem>> -> memref<128xi32, #tpu.memory_space<vmem>>
      %dma_start3A_239 = arith.constant 0 : i32
      %dma_start3A_240 = arith.constant 0 : i32
      %dma_start3A_241 = tpu.memref_slice %arg2[%dma_start3A_239, %dma_start3A_240] : memref<40000x128xf32, #tpu.memory_space<hbm>> -> memref<40000x128xf32, #tpu.memory_space<hbm>>
      tpu.enqueue_indirect_dma source(%dma_start3A_241 : memref<40000x128xf32, #tpu.memory_space<hbm>>) target(%arg10 : memref<128x128xf32, #tpu.memory_space<vmem>>) offsets(%dma_start3A_238 : memref<128xi32, #tpu.memory_space<vmem>>) semaphore(%arg12 : memref<!tpu.dma_semaphore, #tpu.memory_space<semaphore_mem>>)
      %dma_wait3A_242 = arith.constant 6 : i32
      %dma_wait3A_243 = arith.constant 0 : i32
      %dma_wait3A_244 = tpu.memref_slice %arg7[%dma_wait3A_242, %dma_wait3A_243] : memref<8x128xi32, #tpu.memory_space<vmem>> -> memref<1x128xi32, #tpu.memory_space<vmem>>
      %dma_wait3A_245 = tpu.memref_squeeze %dma_wait3A_244 : memref<1x128xi32, #tpu.memory_space<vmem>> -> memref<128xi32, #tpu.memory_space<vmem>>
      %dma_wait3A_246 = arith.constant 0 : i32
      %dma_wait3A_247 = arith.constant 0 : i32
      %dma_wait3A_248 = tpu.memref_slice %arg2[%dma_wait3A_246, %dma_wait3A_247] : memref<40000x128xf32, #tpu.memory_space<hbm>> -> memref<40000x128xf32, #tpu.memory_space<hbm>>
      tpu.wait_indirect_dma semaphore(%arg11 : memref<!tpu.dma_semaphore, #tpu.memory_space<semaphore_mem>>) src(%dma_wait3A_248 : memref<40000x128xf32, #tpu.memory_space<hbm>>) dst(%arg9 : memref<128x128xf32, #tpu.memory_space<vmem>>)
      %dma_start3A_249 = arith.constant 6 : i32
      %dma_start3A_250 = arith.constant 0 : i32
      %dma_start3A_251 = tpu.memref_slice %arg8[%dma_start3A_249, %dma_start3A_250] : memref<8x128xi32, #tpu.memory_space<vmem>> -> memref<1x128xi32, #tpu.memory_space<vmem>>
      %dma_start3A_252 = tpu.memref_squeeze %dma_start3A_251 : memref<1x128xi32, #tpu.memory_space<vmem>> -> memref<128xi32, #tpu.memory_space<vmem>>
      %dma_start3A_253 = arith.constant 0 : i32
      %dma_start3A_254 = arith.constant 0 : i32
      %dma_start3A_255 = tpu.memref_slice %arg6[%dma_start3A_253, %dma_start3A_254] : memref<10128x128xf32, #tpu.memory_space<vmem_shared>> -> memref<10128x128xf32, #tpu.memory_space<vmem_shared>>
      tpu.enqueue_indirect_dma source(%arg9 : memref<128x128xf32, #tpu.memory_space<vmem>>) target(%dma_start3A_255 : memref<10128x128xf32, #tpu.memory_space<vmem_shared>>) offsets(%dma_start3A_252 : memref<128xi32, #tpu.memory_space<vmem>>) semaphore(%arg13 : memref<!tpu.dma_semaphore, #tpu.memory_space<semaphore_mem>>) {add = true}
      %dma_wait3A_256 = arith.constant 7 : i32
      %dma_wait3A_257 = arith.constant 0 : i32
      %dma_wait3A_258 = tpu.memref_slice %arg7[%dma_wait3A_256, %dma_wait3A_257] : memref<8x128xi32, #tpu.memory_space<vmem>> -> memref<1x128xi32, #tpu.memory_space<vmem>>
      %dma_wait3A_259 = tpu.memref_squeeze %dma_wait3A_258 : memref<1x128xi32, #tpu.memory_space<vmem>> -> memref<128xi32, #tpu.memory_space<vmem>>
      %dma_wait3A_260 = arith.constant 0 : i32
      %dma_wait3A_261 = arith.constant 0 : i32
      %dma_wait3A_262 = tpu.memref_slice %arg2[%dma_wait3A_260, %dma_wait3A_261] : memref<40000x128xf32, #tpu.memory_space<hbm>> -> memref<40000x128xf32, #tpu.memory_space<hbm>>
      tpu.wait_indirect_dma semaphore(%arg12 : memref<!tpu.dma_semaphore, #tpu.memory_space<semaphore_mem>>) src(%dma_wait3A_262 : memref<40000x128xf32, #tpu.memory_space<hbm>>) dst(%arg10 : memref<128x128xf32, #tpu.memory_space<vmem>>)
      %dma_start3A_263 = arith.constant 7 : i32
      %dma_start3A_264 = arith.constant 0 : i32
      %dma_start3A_265 = tpu.memref_slice %arg8[%dma_start3A_263, %dma_start3A_264] : memref<8x128xi32, #tpu.memory_space<vmem>> -> memref<1x128xi32, #tpu.memory_space<vmem>>
      %dma_start3A_266 = tpu.memref_squeeze %dma_start3A_265 : memref<1x128xi32, #tpu.memory_space<vmem>> -> memref<128xi32, #tpu.memory_space<vmem>>
      %dma_start3A_267 = arith.constant 0 : i32
      %dma_start3A_268 = arith.constant 0 : i32
      %dma_start3A_269 = tpu.memref_slice %arg6[%dma_start3A_267, %dma_start3A_268] : memref<10128x128xf32, #tpu.memory_space<vmem_shared>> -> memref<10128x128xf32, #tpu.memory_space<vmem_shared>>
      tpu.enqueue_indirect_dma source(%arg10 : memref<128x128xf32, #tpu.memory_space<vmem>>) target(%dma_start3A_269 : memref<10128x128xf32, #tpu.memory_space<vmem_shared>>) offsets(%dma_start3A_266 : memref<128xi32, #tpu.memory_space<vmem>>) semaphore(%arg14 : memref<!tpu.dma_semaphore, #tpu.memory_space<semaphore_mem>>) {add = true}
      %dma_wait3A_270 = arith.constant 6 : i32
      %dma_wait3A_271 = arith.constant 0 : i32
      %dma_wait3A_272 = tpu.memref_slice %arg8[%dma_wait3A_270, %dma_wait3A_271] : memref<8x128xi32, #tpu.memory_space<vmem>> -> memref<1x128xi32, #tpu.memory_space<vmem>>
      %dma_wait3A_273 = tpu.memref_squeeze %dma_wait3A_272 : memref<1x128xi32, #tpu.memory_space<vmem>> -> memref<128xi32, #tpu.memory_space<vmem>>
      %dma_wait3A_274 = arith.constant 0 : i32
      %dma_wait3A_275 = arith.constant 0 : i32
      %dma_wait3A_276 = tpu.memref_slice %arg6[%dma_wait3A_274, %dma_wait3A_275] : memref<10128x128xf32, #tpu.memory_space<vmem_shared>> -> memref<10128x128xf32, #tpu.memory_space<vmem_shared>>
      tpu.wait_indirect_dma semaphore(%arg13 : memref<!tpu.dma_semaphore, #tpu.memory_space<semaphore_mem>>) src(%arg9 : memref<128x128xf32, #tpu.memory_space<vmem>>) dst(%dma_wait3A_276 : memref<10128x128xf32, #tpu.memory_space<vmem_shared>>)
      %dma_wait3A_277 = arith.constant 7 : i32
      %dma_wait3A_278 = arith.constant 0 : i32
      %dma_wait3A_279 = tpu.memref_slice %arg8[%dma_wait3A_277, %dma_wait3A_278] : memref<8x128xi32, #tpu.memory_space<vmem>> -> memref<1x128xi32, #tpu.memory_space<vmem>>
      %dma_wait3A_280 = tpu.memref_squeeze %dma_wait3A_279 : memref<1x128xi32, #tpu.memory_space<vmem>> -> memref<128xi32, #tpu.memory_space<vmem>>
      %dma_wait3A_281 = arith.constant 0 : i32
      %dma_wait3A_282 = arith.constant 0 : i32
      %dma_wait3A_283 = tpu.memref_slice %arg6[%dma_wait3A_281, %dma_wait3A_282] : memref<10128x128xf32, #tpu.memory_space<vmem_shared>> -> memref<10128x128xf32, #tpu.memory_space<vmem_shared>>
      tpu.wait_indirect_dma semaphore(%arg14 : memref<!tpu.dma_semaphore, #tpu.memory_space<semaphore_mem>>) src(%arg10 : memref<128x128xf32, #tpu.memory_space<vmem>>) dst(%dma_wait3A_283 : memref<10128x128xf32, #tpu.memory_space<vmem_shared>>)
      %scan3A_284 = arith.constant 0 : i32
      scf.yield %scan3A_284 : i32
    }
    %scan3A_30 = arith.constant 10 : i32
    %barrier3A_31 = arith.constant 0 : index
    tpu.barrier barrier_id(%barrier3A_31)
    %add3A_32 = arith.constant 0 : i32
    %add3A_33 = arith.addi %mul3A_9, %add3A_32 : i32
    %add3A_34 = arith.constant 0 : i32
    %add3A_35 = arith.addi %mul3A_9, %add3A_34 : i32
    "tpu.region"() ({
      %run_scoped3A = tpu.sem_alloc : memref<!tpu.dma_semaphore, #tpu.memory_space<semaphore_mem>>
      %dma_start3A = arith.constant 0 : i32
      %dma_start3A_57 = tpu.memref_slice %arg5[%arg0, %add3A_35, %dma_start3A] : memref<2x10000x128xf32, #tpu.memory_space<hbm>> -> memref<1x128x128xf32, #tpu.memory_space<hbm>>
      %dma_start3A_58 = tpu.memref_squeeze %dma_start3A_57 : memref<1x128x128xf32, #tpu.memory_space<hbm>> -> memref<128x128xf32, #tpu.memory_space<hbm>>
      %dma_start3A_59 = arith.constant 0 : i32
      %dma_start3A_60 = tpu.memref_slice %arg6[%add3A_33, %dma_start3A_59] : memref<10128x128xf32, #tpu.memory_space<vmem_shared>> -> memref<128x128xf32, #tpu.memory_space<vmem_shared>>
      tpu.enqueue_dma source(%dma_start3A_60 : memref<128x128xf32, #tpu.memory_space<vmem_shared>>) target(%dma_start3A_58 : memref<128x128xf32, #tpu.memory_space<hbm>>) target_semaphore(%run_scoped3A : memref<!tpu.dma_semaphore, #tpu.memory_space<semaphore_mem>>)
      %dma_wait3A = arith.constant 0 : i32
      %dma_wait3A_61 = tpu.memref_slice %arg5[%arg0, %add3A_35, %dma_wait3A] : memref<2x10000x128xf32, #tpu.memory_space<hbm>> -> memref<1x128x128xf32, #tpu.memory_space<hbm>>
      %dma_wait3A_62 = tpu.memref_squeeze %dma_wait3A_61 : memref<1x128x128xf32, #tpu.memory_space<hbm>> -> memref<128x128xf32, #tpu.memory_space<hbm>>
      %dma_wait3A_63 = arith.constant 0 : i32
      %dma_wait3A_64 = tpu.memref_slice %arg6[%add3A_33, %dma_wait3A_63] : memref<10128x128xf32, #tpu.memory_space<vmem_shared>> -> memref<128x128xf32, #tpu.memory_space<vmem_shared>>
      tpu.wait_dma2 semaphore(%run_scoped3A : memref<!tpu.dma_semaphore, #tpu.memory_space<semaphore_mem>>) src(%dma_wait3A_64 : memref<128x128xf32, #tpu.memory_space<vmem_shared>>) dst(%dma_wait3A_62 : memref<128x128xf32, #tpu.memory_space<hbm>>)
      tpu.yield
    }) : () -> ()
    %add3A_36 = arith.constant 128 : i32
    %add3A_37 = arith.addi %mul3A_9, %add3A_36 : i32
    %add3A_38 = arith.constant 128 : i32
    %add3A_39 = arith.addi %mul3A_9, %add3A_38 : i32
    "tpu.region"() ({
      %run_scoped3A = tpu.sem_alloc : memref<!tpu.dma_semaphore, #tpu.memory_space<semaphore_mem>>
      %dma_start3A = arith.constant 0 : i32
      %dma_start3A_57 = tpu.memref_slice %arg5[%arg0, %add3A_39, %dma_start3A] : memref<2x10000x128xf32, #tpu.memory_space<hbm>> -> memref<1x128x128xf32, #tpu.memory_space<hbm>>
      %dma_start3A_58 = tpu.memref_squeeze %dma_start3A_57 : memref<1x128x128xf32, #tpu.memory_space<hbm>> -> memref<128x128xf32, #tpu.memory_space<hbm>>
      %dma_start3A_59 = arith.constant 0 : i32
      %dma_start3A_60 = tpu.memref_slice %arg6[%add3A_37, %dma_start3A_59] : memref<10128x128xf32, #tpu.memory_space<vmem_shared>> -> memref<128x128xf32, #tpu.memory_space<vmem_shared>>
      tpu.enqueue_dma source(%dma_start3A_60 : memref<128x128xf32, #tpu.memory_space<vmem_shared>>) target(%dma_start3A_58 : memref<128x128xf32, #tpu.memory_space<hbm>>) target_semaphore(%run_scoped3A : memref<!tpu.dma_semaphore, #tpu.memory_space<semaphore_mem>>)
      %dma_wait3A = arith.constant 0 : i32
      %dma_wait3A_61 = tpu.memref_slice %arg5[%arg0, %add3A_39, %dma_wait3A] : memref<2x10000x128xf32, #tpu.memory_space<hbm>> -> memref<1x128x128xf32, #tpu.memory_space<hbm>>
      %dma_wait3A_62 = tpu.memref_squeeze %dma_wait3A_61 : memref<1x128x128xf32, #tpu.memory_space<hbm>> -> memref<128x128xf32, #tpu.memory_space<hbm>>
      %dma_wait3A_63 = arith.constant 0 : i32
      %dma_wait3A_64 = tpu.memref_slice %arg6[%add3A_37, %dma_wait3A_63] : memref<10128x128xf32, #tpu.memory_space<vmem_shared>> -> memref<128x128xf32, #tpu.memory_space<vmem_shared>>
      tpu.wait_dma2 semaphore(%run_scoped3A : memref<!tpu.dma_semaphore, #tpu.memory_space<semaphore_mem>>) src(%dma_wait3A_64 : memref<128x128xf32, #tpu.memory_space<vmem_shared>>) dst(%dma_wait3A_62 : memref<128x128xf32, #tpu.memory_space<hbm>>)
      tpu.yield
    }) : () -> ()
    %add3A_40 = arith.constant 256 : i32
    %add3A_41 = arith.addi %mul3A_9, %add3A_40 : i32
    %add3A_42 = arith.constant 256 : i32
    %add3A_43 = arith.addi %mul3A_9, %add3A_42 : i32
    "tpu.region"() ({
      %run_scoped3A = tpu.sem_alloc : memref<!tpu.dma_semaphore, #tpu.memory_space<semaphore_mem>>
      %dma_start3A = arith.constant 0 : i32
      %dma_start3A_57 = tpu.memref_slice %arg5[%arg0, %add3A_43, %dma_start3A] : memref<2x10000x128xf32, #tpu.memory_space<hbm>> -> memref<1x128x128xf32, #tpu.memory_space<hbm>>
      %dma_start3A_58 = tpu.memref_squeeze %dma_start3A_57 : memref<1x128x128xf32, #tpu.memory_space<hbm>> -> memref<128x128xf32, #tpu.memory_space<hbm>>
      %dma_start3A_59 = arith.constant 0 : i32
      %dma_start3A_60 = tpu.memref_slice %arg6[%add3A_41, %dma_start3A_59] : memref<10128x128xf32, #tpu.memory_space<vmem_shared>> -> memref<128x128xf32, #tpu.memory_space<vmem_shared>>
      tpu.enqueue_dma source(%dma_start3A_60 : memref<128x128xf32, #tpu.memory_space<vmem_shared>>) target(%dma_start3A_58 : memref<128x128xf32, #tpu.memory_space<hbm>>) target_semaphore(%run_scoped3A : memref<!tpu.dma_semaphore, #tpu.memory_space<semaphore_mem>>)
      %dma_wait3A = arith.constant 0 : i32
      %dma_wait3A_61 = tpu.memref_slice %arg5[%arg0, %add3A_43, %dma_wait3A] : memref<2x10000x128xf32, #tpu.memory_space<hbm>> -> memref<1x128x128xf32, #tpu.memory_space<hbm>>
      %dma_wait3A_62 = tpu.memref_squeeze %dma_wait3A_61 : memref<1x128x128xf32, #tpu.memory_space<hbm>> -> memref<128x128xf32, #tpu.memory_space<hbm>>
      %dma_wait3A_63 = arith.constant 0 : i32
      %dma_wait3A_64 = tpu.memref_slice %arg6[%add3A_41, %dma_wait3A_63] : memref<10128x128xf32, #tpu.memory_space<vmem_shared>> -> memref<128x128xf32, #tpu.memory_space<vmem_shared>>
      tpu.wait_dma2 semaphore(%run_scoped3A : memref<!tpu.dma_semaphore, #tpu.memory_space<semaphore_mem>>) src(%dma_wait3A_64 : memref<128x128xf32, #tpu.memory_space<vmem_shared>>) dst(%dma_wait3A_62 : memref<128x128xf32, #tpu.memory_space<hbm>>)
      tpu.yield
    }) : () -> ()
    %add3A_44 = arith.constant 384 : i32
    %add3A_45 = arith.addi %mul3A_9, %add3A_44 : i32
    %add3A_46 = arith.constant 384 : i32
    %add3A_47 = arith.addi %mul3A_9, %add3A_46 : i32
    "tpu.region"() ({
      %run_scoped3A = tpu.sem_alloc : memref<!tpu.dma_semaphore, #tpu.memory_space<semaphore_mem>>
      %dma_start3A = arith.constant 0 : i32
      %dma_start3A_57 = tpu.memref_slice %arg5[%arg0, %add3A_47, %dma_start3A] : memref<2x10000x128xf32, #tpu.memory_space<hbm>> -> memref<1x128x128xf32, #tpu.memory_space<hbm>>
      %dma_start3A_58 = tpu.memref_squeeze %dma_start3A_57 : memref<1x128x128xf32, #tpu.memory_space<hbm>> -> memref<128x128xf32, #tpu.memory_space<hbm>>
      %dma_start3A_59 = arith.constant 0 : i32
      %dma_start3A_60 = tpu.memref_slice %arg6[%add3A_45, %dma_start3A_59] : memref<10128x128xf32, #tpu.memory_space<vmem_shared>> -> memref<128x128xf32, #tpu.memory_space<vmem_shared>>
      tpu.enqueue_dma source(%dma_start3A_60 : memref<128x128xf32, #tpu.memory_space<vmem_shared>>) target(%dma_start3A_58 : memref<128x128xf32, #tpu.memory_space<hbm>>) target_semaphore(%run_scoped3A : memref<!tpu.dma_semaphore, #tpu.memory_space<semaphore_mem>>)
      %dma_wait3A = arith.constant 0 : i32
      %dma_wait3A_61 = tpu.memref_slice %arg5[%arg0, %add3A_47, %dma_wait3A] : memref<2x10000x128xf32, #tpu.memory_space<hbm>> -> memref<1x128x128xf32, #tpu.memory_space<hbm>>
      %dma_wait3A_62 = tpu.memref_squeeze %dma_wait3A_61 : memref<1x128x128xf32, #tpu.memory_space<hbm>> -> memref<128x128xf32, #tpu.memory_space<hbm>>
      %dma_wait3A_63 = arith.constant 0 : i32
      %dma_wait3A_64 = tpu.memref_slice %arg6[%add3A_45, %dma_wait3A_63] : memref<10128x128xf32, #tpu.memory_space<vmem_shared>> -> memref<128x128xf32, #tpu.memory_space<vmem_shared>>
      tpu.wait_dma2 semaphore(%run_scoped3A : memref<!tpu.dma_semaphore, #tpu.memory_space<semaphore_mem>>) src(%dma_wait3A_64 : memref<128x128xf32, #tpu.memory_space<vmem_shared>>) dst(%dma_wait3A_62 : memref<128x128xf32, #tpu.memory_space<hbm>>)
      tpu.yield
    }) : () -> ()
    %add3A_48 = arith.constant 512 : i32
    %add3A_49 = arith.addi %mul3A_9, %add3A_48 : i32
    %add3A_50 = arith.constant 512 : i32
    %add3A_51 = arith.addi %mul3A_9, %add3A_50 : i32
    "tpu.region"() ({
      %run_scoped3A = tpu.sem_alloc : memref<!tpu.dma_semaphore, #tpu.memory_space<semaphore_mem>>
      %dma_start3A = arith.constant 0 : i32
      %dma_start3A_57 = tpu.memref_slice %arg5[%arg0, %add3A_51, %dma_start3A] : memref<2x10000x128xf32, #tpu.memory_space<hbm>> -> memref<1x112x128xf32, #tpu.memory_space<hbm>>
      %dma_start3A_58 = tpu.memref_squeeze %dma_start3A_57 : memref<1x112x128xf32, #tpu.memory_space<hbm>> -> memref<112x128xf32, #tpu.memory_space<hbm>>
      %dma_start3A_59 = arith.constant 0 : i32
      %dma_start3A_60 = tpu.memref_slice %arg6[%add3A_49, %dma_start3A_59] : memref<10128x128xf32, #tpu.memory_space<vmem_shared>> -> memref<112x128xf32, #tpu.memory_space<vmem_shared>>
      tpu.enqueue_dma source(%dma_start3A_60 : memref<112x128xf32, #tpu.memory_space<vmem_shared>>) target(%dma_start3A_58 : memref<112x128xf32, #tpu.memory_space<hbm>>) target_semaphore(%run_scoped3A : memref<!tpu.dma_semaphore, #tpu.memory_space<semaphore_mem>>)
      %dma_wait3A = arith.constant 0 : i32
      %dma_wait3A_61 = tpu.memref_slice %arg5[%arg0, %add3A_51, %dma_wait3A] : memref<2x10000x128xf32, #tpu.memory_space<hbm>> -> memref<1x112x128xf32, #tpu.memory_space<hbm>>
      %dma_wait3A_62 = tpu.memref_squeeze %dma_wait3A_61 : memref<1x112x128xf32, #tpu.memory_space<hbm>> -> memref<112x128xf32, #tpu.memory_space<hbm>>
      %dma_wait3A_63 = arith.constant 0 : i32
      %dma_wait3A_64 = tpu.memref_slice %arg6[%add3A_49, %dma_wait3A_63] : memref<10128x128xf32, #tpu.memory_space<vmem_shared>> -> memref<112x128xf32, #tpu.memory_space<vmem_shared>>
      tpu.wait_dma2 semaphore(%run_scoped3A : memref<!tpu.dma_semaphore, #tpu.memory_space<semaphore_mem>>) src(%dma_wait3A_64 : memref<112x128xf32, #tpu.memory_space<vmem_shared>>) dst(%dma_wait3A_62 : memref<112x128xf32, #tpu.memory_space<hbm>>)
      tpu.yield
    }) : () -> ()
    %eq3A_52 = arith.constant 15 : i32
    %eq3A_53 = arith.cmpi eq, %arg1, %eq3A_52 : i32
    %convert_element_type3A_54 = arith.extui %eq3A_53 : i1 to i32
    %cond3A_55 = arith.constant 0 : i32
    %cond3A_56 = arith.cmpi ne, %convert_element_type3A_54, %cond3A_55 : i32
    scf.if %cond3A_56 {
      "tpu.region"() ({
        %run_scoped3A = tpu.sem_alloc : memref<!tpu.dma_semaphore, #tpu.memory_space<semaphore_mem>>
        %dma_start3A = arith.constant 9984 : i32
        %dma_start3A_57 = arith.constant 0 : i32
        %dma_start3A_58 = tpu.memref_slice %arg5[%arg0, %dma_start3A, %dma_start3A_57] : memref<2x10000x128xf32, #tpu.memory_space<hbm>> -> memref<1x16x128xf32, #tpu.memory_space<hbm>>
        %dma_start3A_59 = tpu.memref_squeeze %dma_start3A_58 : memref<1x16x128xf32, #tpu.memory_space<hbm>> -> memref<16x128xf32, #tpu.memory_space<hbm>>
        %dma_start3A_60 = arith.constant 9984 : i32
        %dma_start3A_61 = arith.constant 0 : i32
        %dma_start3A_62 = tpu.memref_slice %arg6[%dma_start3A_60, %dma_start3A_61] : memref<10128x128xf32, #tpu.memory_space<vmem_shared>> -> memref<16x128xf32, #tpu.memory_space<vmem_shared>>
        tpu.enqueue_dma source(%dma_start3A_62 : memref<16x128xf32, #tpu.memory_space<vmem_shared>>) target(%dma_start3A_59 : memref<16x128xf32, #tpu.memory_space<hbm>>) target_semaphore(%run_scoped3A : memref<!tpu.dma_semaphore, #tpu.memory_space<semaphore_mem>>)
        %dma_wait3A = arith.constant 9984 : i32
        %dma_wait3A_63 = arith.constant 0 : i32
        %dma_wait3A_64 = tpu.memref_slice %arg5[%arg0, %dma_wait3A, %dma_wait3A_63] : memref<2x10000x128xf32, #tpu.memory_space<hbm>> -> memref<1x16x128xf32, #tpu.memory_space<hbm>>
        %dma_wait3A_65 = tpu.memref_squeeze %dma_wait3A_64 : memref<1x16x128xf32, #tpu.memory_space<hbm>> -> memref<16x128xf32, #tpu.memory_space<hbm>>
        %dma_wait3A_66 = arith.constant 9984 : i32
        %dma_wait3A_67 = arith.constant 0 : i32
        %dma_wait3A_68 = tpu.memref_slice %arg6[%dma_wait3A_66, %dma_wait3A_67] : memref<10128x128xf32, #tpu.memory_space<vmem_shared>> -> memref<16x128xf32, #tpu.memory_space<vmem_shared>>
        tpu.wait_dma2 semaphore(%run_scoped3A : memref<!tpu.dma_semaphore, #tpu.memory_space<semaphore_mem>>) src(%dma_wait3A_68 : memref<16x128xf32, #tpu.memory_space<vmem_shared>>) dst(%dma_wait3A_65 : memref<16x128xf32, #tpu.memory_space<hbm>>)
        tpu.yield
      }) : () -> ()
    } else {
    }
    return
  }
}

module attributes {stable_mosaic.version = 14 : i64} {
  func.func @_embed_ln_msgsrc_body(%arg0: i32, %arg1: memref<1x1x1000xi32, #tpu.memory_space<vmem>>, %arg2: memref<64x128xf32, #tpu.memory_space<vmem>>, %arg3: memref<1x128xf32, #tpu.memory_space<vmem>>, %arg4: memref<1x128xf32, #tpu.memory_space<vmem>>, %arg5: memref<128x512xf32, #tpu.memory_space<vmem>>, %arg6: memref<1x250x128xi32, #tpu.memory_space<vmem>>, %arg7: memref<1x250x128xi32, #tpu.memory_space<vmem>>, %arg8: memref<1000x128xf32, #tpu.memory_space<vmem>>, %arg9: memref<4x1000x128xf32, #tpu.memory_space<vmem>>, %arg10: memref<1x250x128xi32, #tpu.memory_space<vmem>>) attributes {dimension_semantics = [#tpu.dimension_semantics<arbitrary>], iteration_bounds = array<i64: 10>, scalar_prefetch = 0 : i64, scratch_operands = 0 : i64, tpu.core_type = #tpu.core_type<tc>, window_params = [{transform_indices = @transform_0, window_bounds = array<i64: 1, 1, 1000>}, {pipeline_mode = #tpu.pipeline_mode<synchronous>, transform_indices = @transform_1, window_bounds = array<i64: 64, 128>}, {pipeline_mode = #tpu.pipeline_mode<synchronous>, transform_indices = @transform_2, window_bounds = array<i64: 1, 128>}, {pipeline_mode = #tpu.pipeline_mode<synchronous>, transform_indices = @transform_3, window_bounds = array<i64: 1, 128>}, {pipeline_mode = #tpu.pipeline_mode<synchronous>, transform_indices = @transform_4, window_bounds = array<i64: 128, 512>}, {transform_indices = @transform_5, window_bounds = array<i64: 1, 250, 128>}, {transform_indices = @transform_6, window_bounds = array<i64: 1, 250, 128>}, {transform_indices = @transform_7, window_bounds = array<i64: 1000, 128>}, {transform_indices = @transform_8, window_bounds = array<i64: 4, 1000, 128>}, {transform_indices = @transform_9, window_bounds = array<i64: 1, 250, 128>}]} {
    %get3A = arith.constant 0 : index
    %get3A_0 = arith.constant 0 : index
    %get3A_1 = arith.constant 0 : index
    %get3A_2 = vector.load %arg1[%get3A, %get3A_0, %get3A_1] : memref<1x1x1000xi32, #tpu.memory_space<vmem>>, vector<1x1x1000xi32>
    %get3A_3 = vector.shape_cast %get3A_2 : vector<1x1x1000xi32> to vector<1000xi32>
    %broadcast_in_dim3A = vector.shape_cast %get3A_3 : vector<1000xi32> to vector<1000x1xi32>
    %iota3A = tpu.iota {dimensions = array<i32: 1>} : vector<1000x64xi32>
    %eq3A = vector.broadcast %broadcast_in_dim3A : vector<1000x1xi32> to vector<1000x64xi32>
    %eq3A_4 = arith.cmpi eq, %eq3A, %iota3A : vector<1000x64xi32>
    %convert_element_type3A = arith.extui %eq3A_4 : vector<1000x64xi1> to vector<1000x64xi32>
    %convert_element_type3A_5 = arith.sitofp %convert_element_type3A : vector<1000x64xi32> to vector<1000x64xf32>
    %get3A_6 = arith.constant 0 : index
    %get3A_7 = arith.constant 0 : index
    %get3A_8 = vector.load %arg2[%get3A_6, %get3A_7] : memref<64x128xf32, #tpu.memory_space<vmem>>, vector<64x128xf32>
    %dot_general3A = arith.constant dense<0.000000e+00> : vector<1000x128xf32>
    %dot_general3A_9 = tpu.matmul %convert_element_type3A_5, %get3A_8, %dot_general3A {dimension_numbers = #tpu.dot_dimension_numbers<[1], [0], [0], [1], [0, 0, 1, 1], [], []>, transpose_lhs_hint = false} : vector<1000x64xf32>, vector<64x128xf32>, vector<1000x128xf32> -> vector<1000x128xf32>
    %get3A_10 = arith.constant 0 : index
    %get3A_11 = arith.constant 0 : index
    %get3A_12 = vector.load %arg3[%get3A_10, %get3A_11] : memref<1x128xf32, #tpu.memory_space<vmem>>, vector<1x128xf32>
    %get3A_13 = vector.shape_cast %get3A_12 : vector<1x128xf32> to vector<128xf32>
    %get3A_14 = arith.constant 0 : index
    %get3A_15 = arith.constant 0 : index
    %get3A_16 = vector.load %arg4[%get3A_14, %get3A_15] : memref<1x128xf32, #tpu.memory_space<vmem>>, vector<1x128xf32>
    %get3A_17 = vector.shape_cast %get3A_16 : vector<1x128xf32> to vector<128xf32>
    %reduce_sum3A = arith.constant dense<0.000000e+00> : vector<1000xf32>
    %reduce_sum3A_18 = vector.multi_reduction <add>, %dot_general3A_9, %reduce_sum3A [1] : vector<1000x128xf32> to vector<1000xf32>
    %broadcast_in_dim3A_19 = vector.shape_cast %reduce_sum3A_18 : vector<1000xf32> to vector<1000x1xf32>
    %div3A = arith.constant 1.280000e+02 : f32
    %div3A_20 = vector.broadcast %div3A : f32 to vector<1000x1xf32>
    %div3A_21 = arith.divf %broadcast_in_dim3A_19, %div3A_20 : vector<1000x1xf32>
    %sub3A = vector.broadcast %div3A_21 : vector<1000x1xf32> to vector<1000x128xf32>
    %sub3A_22 = arith.subf %dot_general3A_9, %sub3A : vector<1000x128xf32>
    %sub3A_23 = vector.broadcast %div3A_21 : vector<1000x1xf32> to vector<1000x128xf32>
    %sub3A_24 = arith.subf %dot_general3A_9, %sub3A_23 : vector<1000x128xf32>
    %mul3A = arith.mulf %sub3A_22, %sub3A_24 : vector<1000x128xf32>
    %reduce_sum3A_25 = arith.constant dense<0.000000e+00> : vector<1000xf32>
    %reduce_sum3A_26 = vector.multi_reduction <add>, %mul3A, %reduce_sum3A_25 [1] : vector<1000x128xf32> to vector<1000xf32>
    %broadcast_in_dim3A_27 = vector.shape_cast %reduce_sum3A_26 : vector<1000xf32> to vector<1000x1xf32>
    %div3A_28 = arith.constant 1.280000e+02 : f32
    %div3A_29 = vector.broadcast %div3A_28 : f32 to vector<1000x1xf32>
    %div3A_30 = arith.divf %broadcast_in_dim3A_27, %div3A_29 : vector<1000x1xf32>
    %sub3A_31 = vector.broadcast %div3A_21 : vector<1000x1xf32> to vector<1000x128xf32>
    %sub3A_32 = arith.subf %dot_general3A_9, %sub3A_31 : vector<1000x128xf32>
    %add3A = arith.constant 9.99999997E-7 : f32
    %add3A_33 = vector.broadcast %add3A : f32 to vector<1000x1xf32>
    %add3A_34 = arith.addf %div3A_30, %add3A_33 : vector<1000x1xf32>
    %sqrt3A = math.sqrt %add3A_34 : vector<1000x1xf32>
    %div3A_35 = vector.broadcast %sqrt3A : vector<1000x1xf32> to vector<1000x128xf32>
    %div3A_36 = arith.divf %sub3A_32, %div3A_35 : vector<1000x128xf32>
    %broadcast_in_dim3A_37 = vector.shape_cast %get3A_13 : vector<128xf32> to vector<1x128xf32>
    %mul3A_38 = vector.broadcast %broadcast_in_dim3A_37 : vector<1x128xf32> to vector<1000x128xf32>
    %mul3A_39 = arith.mulf %div3A_36, %mul3A_38 : vector<1000x128xf32>
    %broadcast_in_dim3A_40 = vector.shape_cast %get3A_17 : vector<128xf32> to vector<1x128xf32>
    %add3A_41 = vector.broadcast %broadcast_in_dim3A_40 : vector<1x128xf32> to vector<1000x128xf32>
    %add3A_42 = arith.addf %mul3A_39, %add3A_41 : vector<1000x128xf32>
    %swap3A = arith.constant 0 : index
    %swap3A_43 = arith.constant 0 : index
    %swap3A_44 = vector.load %arg8[%swap3A, %swap3A_43] : memref<1000x128xf32, #tpu.memory_space<vmem>>, vector<1000x128xf32>
    tpu.vector_store %arg8[%swap3A, %swap3A_43], %add3A_42 {strides = array<i32>} : memref<1000x128xf32, #tpu.memory_space<vmem>>, vector<1000x128xf32>,
    %get3A_45 = arith.constant 0 : index
    %get3A_46 = arith.constant 0 : index
    %get3A_47 = vector.load %arg5[%get3A_45, %get3A_46] : memref<128x512xf32, #tpu.memory_space<vmem>>, vector<128x512xf32>
    %dot_general3A_48 = arith.constant dense<0.000000e+00> : vector<1000x512xf32>
    %dot_general3A_49 = tpu.matmul %add3A_42, %get3A_47, %dot_general3A_48 {dimension_numbers = #tpu.dot_dimension_numbers<[1], [0], [0], [1], [0, 0, 1, 1], [], []>, transpose_lhs_hint = false} : vector<1000x128xf32>, vector<128x512xf32>, vector<1000x512xf32> -> vector<1000x512xf32>
    %slice3A = vector.extract_strided_slice %dot_general3A_49 {offsets = [0, 0], sizes = [1000, 128], strides = [1, 1]} : vector<1000x512xf32> to vector<1000x128xf32>
    %swap3A_50 = arith.constant 0 : index
    %swap3A_51 = arith.constant 0 : index
    %swap3A_52 = arith.constant 0 : index
    %swap3A_53 = vector.load %arg9[%swap3A_50, %swap3A_51, %swap3A_52] : memref<4x1000x128xf32, #tpu.memory_space<vmem>>, vector<1x1000x128xf32>
    %swap3A_54 = vector.shape_cast %swap3A_53 : vector<1x1000x128xf32> to vector<1000x128xf32>
    %swap3A_55 = vector.shape_cast %slice3A : vector<1000x128xf32> to vector<1x1000x128xf32>
    tpu.vector_store %arg9[%swap3A_50, %swap3A_51, %swap3A_52], %swap3A_55 {strides = array<i32>} : memref<4x1000x128xf32, #tpu.memory_space<vmem>>, vector<1x1000x128xf32>,
    %slice3A_56 = vector.extract_strided_slice %dot_general3A_49 {offsets = [0, 128], sizes = [1000, 128], strides = [1, 1]} : vector<1000x512xf32> to vector<1000x128xf32>
    %swap3A_57 = arith.constant 1 : index
    %swap3A_58 = arith.constant 0 : index
    %swap3A_59 = arith.constant 0 : index
    %swap3A_60 = vector.load %arg9[%swap3A_57, %swap3A_58, %swap3A_59] : memref<4x1000x128xf32, #tpu.memory_space<vmem>>, vector<1x1000x128xf32>
    %swap3A_61 = vector.shape_cast %swap3A_60 : vector<1x1000x128xf32> to vector<1000x128xf32>
    %swap3A_62 = vector.shape_cast %slice3A_56 : vector<1000x128xf32> to vector<1x1000x128xf32>
    tpu.vector_store %arg9[%swap3A_57, %swap3A_58, %swap3A_59], %swap3A_62 {strides = array<i32>} : memref<4x1000x128xf32, #tpu.memory_space<vmem>>, vector<1x1000x128xf32>,
    %slice3A_63 = vector.extract_strided_slice %dot_general3A_49 {offsets = [0, 256], sizes = [1000, 128], strides = [1, 1]} : vector<1000x512xf32> to vector<1000x128xf32>
    %swap3A_64 = arith.constant 2 : index
    %swap3A_65 = arith.constant 0 : index
    %swap3A_66 = arith.constant 0 : index
    %swap3A_67 = vector.load %arg9[%swap3A_64, %swap3A_65, %swap3A_66] : memref<4x1000x128xf32, #tpu.memory_space<vmem>>, vector<1x1000x128xf32>
    %swap3A_68 = vector.shape_cast %swap3A_67 : vector<1x1000x128xf32> to vector<1000x128xf32>
    %swap3A_69 = vector.shape_cast %slice3A_63 : vector<1000x128xf32> to vector<1x1000x128xf32>
    tpu.vector_store %arg9[%swap3A_64, %swap3A_65, %swap3A_66], %swap3A_69 {strides = array<i32>} : memref<4x1000x128xf32, #tpu.memory_space<vmem>>, vector<1x1000x128xf32>,
    %slice3A_70 = vector.extract_strided_slice %dot_general3A_49 {offsets = [0, 384], sizes = [1000, 128], strides = [1, 1]} : vector<1000x512xf32> to vector<1000x128xf32>
    %swap3A_71 = arith.constant 3 : index
    %swap3A_72 = arith.constant 0 : index
    %swap3A_73 = arith.constant 0 : index
    %swap3A_74 = vector.load %arg9[%swap3A_71, %swap3A_72, %swap3A_73] : memref<4x1000x128xf32, #tpu.memory_space<vmem>>, vector<1x1000x128xf32>
    %swap3A_75 = vector.shape_cast %swap3A_74 : vector<1x1000x128xf32> to vector<1000x128xf32>
    %swap3A_76 = vector.shape_cast %slice3A_70 : vector<1000x128xf32> to vector<1x1000x128xf32>
    tpu.vector_store %arg9[%swap3A_71, %swap3A_72, %swap3A_73], %swap3A_76 {strides = array<i32>} : memref<4x1000x128xf32, #tpu.memory_space<vmem>>, vector<1x1000x128xf32>,
    %get3A_77 = arith.constant 0 : index
    %get3A_78 = arith.constant 0 : index
    %get3A_79 = arith.constant 0 : index
    %get3A_80 = vector.load %arg7[%get3A_77, %get3A_78, %get3A_79] : memref<1x250x128xi32, #tpu.memory_space<vmem>>, vector<1x250x128xi32>
    %get3A_81 = vector.shape_cast %get3A_80 : vector<1x250x128xi32> to vector<250x128xi32>
    %mul3A_82 = arith.constant 10000 : i32
    %mul3A_83 = vector.broadcast %mul3A_82 : i32 to vector<250x128xi32>
    %mul3A_84 = arith.muli %get3A_81, %mul3A_83 : vector<250x128xi32>
    %get3A_85 = arith.constant 0 : index
    %get3A_86 = arith.constant 0 : index
    %get3A_87 = arith.constant 0 : index
    %get3A_88 = vector.load %arg6[%get3A_85, %get3A_86, %get3A_87] : memref<1x250x128xi32, #tpu.memory_space<vmem>>, vector<1x250x128xi32>
    %get3A_89 = vector.shape_cast %get3A_88 : vector<1x250x128xi32> to vector<250x128xi32>
    %add3A_90 = arith.addi %mul3A_84, %get3A_89 : vector<250x128xi32>
    %swap3A_91 = arith.constant 0 : index
    %swap3A_92 = arith.constant 0 : index
    %swap3A_93 = arith.constant 0 : index
    %swap3A_94 = vector.load %arg10[%swap3A_91, %swap3A_92, %swap3A_93] : memref<1x250x128xi32, #tpu.memory_space<vmem>>, vector<1x250x128xi32>
    %swap3A_95 = vector.shape_cast %swap3A_94 : vector<1x250x128xi32> to vector<250x128xi32>
    %swap3A_96 = vector.shape_cast %add3A_90 : vector<250x128xi32> to vector<1x250x128xi32>
    tpu.vector_store %arg10[%swap3A_91, %swap3A_92, %swap3A_93], %swap3A_96 {strides = array<i32>} : memref<1x250x128xi32, #tpu.memory_space<vmem>>, vector<1x250x128xi32>,
    return
  }
  func.func @transform_0(%arg0: i32) -> (i32, i32, i32) {
    %c0_i32 = arith.constant 0 : i32
    %c0_i32_0 = arith.constant 0 : i32
    %c0_i32_1 = arith.constant 0 : i32
    return %arg0, %c0_i32, %c0_i32_0 : i32, i32, i32
  }
  func.func @transform_1(%arg0: i32) -> (i32, i32) {
    %c0_i32 = arith.constant 0 : i32
    %c0_i32_0 = arith.constant 0 : i32
    %c0_i32_1 = arith.constant 0 : i32
    return %c0_i32, %c0_i32_0 : i32, i32
  }
  func.func @transform_2(%arg0: i32) -> (i32, i32) {
    %c0_i32 = arith.constant 0 : i32
    %c0_i32_0 = arith.constant 0 : i32
    %c0_i32_1 = arith.constant 0 : i32
    return %c0_i32, %c0_i32_0 : i32, i32
  }
  func.func @transform_3(%arg0: i32) -> (i32, i32) {
    %c0_i32 = arith.constant 0 : i32
    %c0_i32_0 = arith.constant 0 : i32
    %c0_i32_1 = arith.constant 0 : i32
    return %c0_i32, %c0_i32_0 : i32, i32
  }
  func.func @transform_4(%arg0: i32) -> (i32, i32) {
    %c0_i32 = arith.constant 0 : i32
    %c0_i32_0 = arith.constant 0 : i32
    %c0_i32_1 = arith.constant 0 : i32
    return %c0_i32, %c0_i32_0 : i32, i32
  }
  func.func @transform_5(%arg0: i32) -> (i32, i32, i32) {
    %c0_i32 = arith.constant 0 : i32
    %c0_i32_0 = arith.constant 0 : i32
    %c0_i32_1 = arith.constant 0 : i32
    return %arg0, %c0_i32, %c0_i32_0 : i32, i32, i32
  }
  func.func @transform_6(%arg0: i32) -> (i32, i32, i32) {
    %c0_i32 = arith.constant 0 : i32
    %c0_i32_0 = arith.constant 0 : i32
    %c0_i32_1 = arith.constant 0 : i32
    return %arg0, %c0_i32, %c0_i32_0 : i32, i32, i32
  }
  func.func @transform_7(%arg0: i32) -> (i32, i32) {
    %c0_i32 = arith.constant 0 : i32
    %c0_i32_0 = arith.constant 0 : i32
    return %arg0, %c0_i32 : i32, i32
  }
  func.func @transform_8(%arg0: i32) -> (i32, i32, i32) {
    %c0_i32 = arith.constant 0 : i32
    %c0_i32_0 = arith.constant 0 : i32
    %c0_i32_1 = arith.constant 0 : i32
    return %c0_i32, %arg0, %c0_i32_0 : i32, i32, i32
  }
  func.func @transform_9(%arg0: i32) -> (i32, i32, i32) {
    %c0_i32 = arith.constant 0 : i32
    %c0_i32_0 = arith.constant 0 : i32
    %c0_i32_1 = arith.constant 0 : i32
    return %arg0, %c0_i32, %c0_i32_0 : i32, i32, i32
  }
}

module attributes {stable_mosaic.version = 14 : i64} {
  func.func @_mid_body(%arg0: i32, %arg1: memref<1000x128xf32, #tpu.memory_space<vmem>>, %arg2: memref<2x1000x128xf32, #tpu.memory_space<vmem>>, %arg3: memref<128x512xf32, #tpu.memory_space<vmem>>, %arg4: memref<1x512xf32, #tpu.memory_space<vmem>>, %arg5: memref<512x128xf32, #tpu.memory_space<vmem>>, %arg6: memref<1x128xf32, #tpu.memory_space<vmem>>, %arg7: memref<1x128xf32, #tpu.memory_space<vmem>>, %arg8: memref<1x128xf32, #tpu.memory_space<vmem>>, %arg9: memref<128x512xf32, #tpu.memory_space<vmem>>, %arg10: memref<1000x128xf32, #tpu.memory_space<vmem>>, %arg11: memref<4x1000x128xf32, #tpu.memory_space<vmem>>) attributes {dimension_semantics = [#tpu.dimension_semantics<arbitrary>], iteration_bounds = array<i64: 10>, scalar_prefetch = 0 : i64, scratch_operands = 0 : i64, tpu.core_type = #tpu.core_type<tc>, window_params = [{transform_indices = @transform_0, window_bounds = array<i64: 1000, 128>}, {transform_indices = @transform_1, window_bounds = array<i64: 2, 1000, 128>}, {pipeline_mode = #tpu.pipeline_mode<synchronous>, transform_indices = @transform_2, window_bounds = array<i64: 128, 512>}, {pipeline_mode = #tpu.pipeline_mode<synchronous>, transform_indices = @transform_3, window_bounds = array<i64: 1, 512>}, {pipeline_mode = #tpu.pipeline_mode<synchronous>, transform_indices = @transform_4, window_bounds = array<i64: 512, 128>}, {pipeline_mode = #tpu.pipeline_mode<synchronous>, transform_indices = @transform_5, window_bounds = array<i64: 1, 128>}, {pipeline_mode = #tpu.pipeline_mode<synchronous>, transform_indices = @transform_6, window_bounds = array<i64: 1, 128>}, {pipeline_mode = #tpu.pipeline_mode<synchronous>, transform_indices = @transform_7, window_bounds = array<i64: 1, 128>}, {pipeline_mode = #tpu.pipeline_mode<synchronous>, transform_indices = @transform_8, window_bounds = array<i64: 128, 512>}, {transform_indices = @transform_9, window_bounds = array<i64: 1000, 128>}, {transform_indices = @transform_10, window_bounds = array<i64: 4, 1000, 128>}]} {
    %get3A = arith.constant 0 : index
    %get3A_0 = arith.constant 0 : index
    %get3A_1 = vector.load %arg1[%get3A, %get3A_0] : memref<1000x128xf32, #tpu.memory_space<vmem>>, vector<1000x128xf32>
    %get3A_2 = arith.constant 0 : index
    %get3A_3 = arith.constant 0 : index
    %get3A_4 = arith.constant 0 : index
    %get3A_5 = vector.load %arg2[%get3A_2, %get3A_3, %get3A_4] : memref<2x1000x128xf32, #tpu.memory_space<vmem>>, vector<1x1000x128xf32>
    %get3A_6 = vector.shape_cast %get3A_5 : vector<1x1000x128xf32> to vector<1000x128xf32>
    %add3A = arith.addf %get3A_1, %get3A_6 : vector<1000x128xf32>
    %get3A_7 = arith.constant 1 : index
    %get3A_8 = arith.constant 0 : index
    %get3A_9 = arith.constant 0 : index
    %get3A_10 = vector.load %arg2[%get3A_7, %get3A_8, %get3A_9] : memref<2x1000x128xf32, #tpu.memory_space<vmem>>, vector<1x1000x128xf32>
    %get3A_11 = vector.shape_cast %get3A_10 : vector<1x1000x128xf32> to vector<1000x128xf32>
    %add3A_12 = arith.addf %add3A, %get3A_11 : vector<1000x128xf32>
    %get3A_13 = arith.constant 0 : index
    %get3A_14 = arith.constant 0 : index
    %get3A_15 = vector.load %arg3[%get3A_13, %get3A_14] : memref<128x512xf32, #tpu.memory_space<vmem>>, vector<128x512xf32>
    %dot_general3A = arith.constant dense<0.000000e+00> : vector<1000x512xf32>
    %dot_general3A_16 = tpu.matmul %add3A_12, %get3A_15, %dot_general3A {dimension_numbers = #tpu.dot_dimension_numbers<[1], [0], [0], [1], [0, 0, 1, 1], [], []>, transpose_lhs_hint = false} : vector<1000x128xf32>, vector<128x512xf32>, vector<1000x512xf32> -> vector<1000x512xf32>
    %get3A_17 = arith.constant 0 : index
    %get3A_18 = arith.constant 0 : index
    %get3A_19 = vector.load %arg4[%get3A_17, %get3A_18] : memref<1x512xf32, #tpu.memory_space<vmem>>, vector<1x512xf32>
    %get3A_20 = vector.shape_cast %get3A_19 : vector<1x512xf32> to vector<512xf32>
    %broadcast_in_dim3A = vector.shape_cast %get3A_20 : vector<512xf32> to vector<1x512xf32>
    %add3A_21 = vector.broadcast %broadcast_in_dim3A : vector<1x512xf32> to vector<1000x512xf32>
    %add3A_22 = arith.addf %dot_general3A_16, %add3A_21 : vector<1000x512xf32>
    %ge3A = arith.constant 0.000000e+00 : f32
    %ge3A_23 = vector.broadcast %ge3A : f32 to vector<1000x512xf32>
    %ge3A_24 = arith.cmpf oge, %add3A_22, %ge3A_23 : vector<1000x512xf32>
    %mul3A = arith.constant 0.00999999977 : f32
    %mul3A_25 = vector.broadcast %mul3A : f32 to vector<1000x512xf32>
    %mul3A_26 = arith.mulf %mul3A_25, %add3A_22 : vector<1000x512xf32>
    %select_n3A = arith.select %ge3A_24, %add3A_22, %mul3A_26 : vector<1000x512xi1>, vector<1000x512xf32>
    %get3A_27 = arith.constant 0 : index
    %get3A_28 = arith.constant 0 : index
    %get3A_29 = vector.load %arg5[%get3A_27, %get3A_28] : memref<512x128xf32, #tpu.memory_space<vmem>>, vector<512x128xf32>
    %dot_general3A_30 = arith.constant dense<0.000000e+00> : vector<1000x128xf32>
    %dot_general3A_31 = tpu.matmul %select_n3A, %get3A_29, %dot_general3A_30 {dimension_numbers = #tpu.dot_dimension_numbers<[1], [0], [0], [1], [0, 0, 1, 1], [], []>, transpose_lhs_hint = false} : vector<1000x512xf32>, vector<512x128xf32>, vector<1000x128xf32> -> vector<1000x128xf32>
    %add3A_32 = arith.addf %add3A_12, %dot_general3A_31 : vector<1000x128xf32>
    %get3A_33 = arith.constant 0 : index
    %get3A_34 = arith.constant 0 : index
    %get3A_35 = vector.load %arg6[%get3A_33, %get3A_34] : memref<1x128xf32, #tpu.memory_space<vmem>>, vector<1x128xf32>
    %get3A_36 = vector.shape_cast %get3A_35 : vector<1x128xf32> to vector<128xf32>
    %broadcast_in_dim3A_37 = vector.shape_cast %get3A_36 : vector<128xf32> to vector<1x128xf32>
    %add3A_38 = vector.broadcast %broadcast_in_dim3A_37 : vector<1x128xf32> to vector<1000x128xf32>
    %add3A_39 = arith.addf %add3A_32, %add3A_38 : vector<1000x128xf32>
    %get3A_40 = arith.constant 0 : index
    %get3A_41 = arith.constant 0 : index
    %get3A_42 = vector.load %arg7[%get3A_40, %get3A_41] : memref<1x128xf32, #tpu.memory_space<vmem>>, vector<1x128xf32>
    %get3A_43 = vector.shape_cast %get3A_42 : vector<1x128xf32> to vector<128xf32>
    %get3A_44 = arith.constant 0 : index
    %get3A_45 = arith.constant 0 : index
    %get3A_46 = vector.load %arg8[%get3A_44, %get3A_45] : memref<1x128xf32, #tpu.memory_space<vmem>>, vector<1x128xf32>
    %get3A_47 = vector.shape_cast %get3A_46 : vector<1x128xf32> to vector<128xf32>
    %reduce_sum3A = arith.constant dense<0.000000e+00> : vector<1000xf32>
    %reduce_sum3A_48 = vector.multi_reduction <add>, %add3A_39, %reduce_sum3A [1] : vector<1000x128xf32> to vector<1000xf32>
    %broadcast_in_dim3A_49 = vector.shape_cast %reduce_sum3A_48 : vector<1000xf32> to vector<1000x1xf32>
    %div3A = arith.constant 1.280000e+02 : f32
    %div3A_50 = vector.broadcast %div3A : f32 to vector<1000x1xf32>
    %div3A_51 = arith.divf %broadcast_in_dim3A_49, %div3A_50 : vector<1000x1xf32>
    %sub3A = vector.broadcast %div3A_51 : vector<1000x1xf32> to vector<1000x128xf32>
    %sub3A_52 = arith.subf %add3A_39, %sub3A : vector<1000x128xf32>
    %sub3A_53 = vector.broadcast %div3A_51 : vector<1000x1xf32> to vector<1000x128xf32>
    %sub3A_54 = arith.subf %add3A_39, %sub3A_53 : vector<1000x128xf32>
    %mul3A_55 = arith.mulf %sub3A_52, %sub3A_54 : vector<1000x128xf32>
    %reduce_sum3A_56 = arith.constant dense<0.000000e+00> : vector<1000xf32>
    %reduce_sum3A_57 = vector.multi_reduction <add>, %mul3A_55, %reduce_sum3A_56 [1] : vector<1000x128xf32> to vector<1000xf32>
    %broadcast_in_dim3A_58 = vector.shape_cast %reduce_sum3A_57 : vector<1000xf32> to vector<1000x1xf32>
    %div3A_59 = arith.constant 1.280000e+02 : f32
    %div3A_60 = vector.broadcast %div3A_59 : f32 to vector<1000x1xf32>
    %div3A_61 = arith.divf %broadcast_in_dim3A_58, %div3A_60 : vector<1000x1xf32>
    %sub3A_62 = vector.broadcast %div3A_51 : vector<1000x1xf32> to vector<1000x128xf32>
    %sub3A_63 = arith.subf %add3A_39, %sub3A_62 : vector<1000x128xf32>
    %add3A_64 = arith.constant 9.99999997E-7 : f32
    %add3A_65 = vector.broadcast %add3A_64 : f32 to vector<1000x1xf32>
    %add3A_66 = arith.addf %div3A_61, %add3A_65 : vector<1000x1xf32>
    %sqrt3A = math.sqrt %add3A_66 : vector<1000x1xf32>
    %div3A_67 = vector.broadcast %sqrt3A : vector<1000x1xf32> to vector<1000x128xf32>
    %div3A_68 = arith.divf %sub3A_63, %div3A_67 : vector<1000x128xf32>
    %broadcast_in_dim3A_69 = vector.shape_cast %get3A_43 : vector<128xf32> to vector<1x128xf32>
    %mul3A_70 = vector.broadcast %broadcast_in_dim3A_69 : vector<1x128xf32> to vector<1000x128xf32>
    %mul3A_71 = arith.mulf %div3A_68, %mul3A_70 : vector<1000x128xf32>
    %broadcast_in_dim3A_72 = vector.shape_cast %get3A_47 : vector<128xf32> to vector<1x128xf32>
    %add3A_73 = vector.broadcast %broadcast_in_dim3A_72 : vector<1x128xf32> to vector<1000x128xf32>
    %add3A_74 = arith.addf %mul3A_71, %add3A_73 : vector<1000x128xf32>
    %swap3A = arith.constant 0 : index
    %swap3A_75 = arith.constant 0 : index
    %swap3A_76 = vector.load %arg10[%swap3A, %swap3A_75] : memref<1000x128xf32, #tpu.memory_space<vmem>>, vector<1000x128xf32>
    tpu.vector_store %arg10[%swap3A, %swap3A_75], %add3A_74 {strides = array<i32>} : memref<1000x128xf32, #tpu.memory_space<vmem>>, vector<1000x128xf32>,
    %get3A_77 = arith.constant 0 : index
    %get3A_78 = arith.constant 0 : index
    %get3A_79 = vector.load %arg9[%get3A_77, %get3A_78] : memref<128x512xf32, #tpu.memory_space<vmem>>, vector<128x512xf32>
    %dot_general3A_80 = arith.constant dense<0.000000e+00> : vector<1000x512xf32>
    %dot_general3A_81 = tpu.matmul %add3A_74, %get3A_79, %dot_general3A_80 {dimension_numbers = #tpu.dot_dimension_numbers<[1], [0], [0], [1], [0, 0, 1, 1], [], []>, transpose_lhs_hint = false} : vector<1000x128xf32>, vector<128x512xf32>, vector<1000x512xf32> -> vector<1000x512xf32>
    %slice3A = vector.extract_strided_slice %dot_general3A_81 {offsets = [0, 0], sizes = [1000, 128], strides = [1, 1]} : vector<1000x512xf32> to vector<1000x128xf32>
    %swap3A_82 = arith.constant 0 : index
    %swap3A_83 = arith.constant 0 : index
    %swap3A_84 = arith.constant 0 : index
    %swap3A_85 = vector.load %arg11[%swap3A_82, %swap3A_83, %swap3A_84] : memref<4x1000x128xf32, #tpu.memory_space<vmem>>, vector<1x1000x128xf32>
    %swap3A_86 = vector.shape_cast %swap3A_85 : vector<1x1000x128xf32> to vector<1000x128xf32>
    %swap3A_87 = vector.shape_cast %slice3A : vector<1000x128xf32> to vector<1x1000x128xf32>
    tpu.vector_store %arg11[%swap3A_82, %swap3A_83, %swap3A_84], %swap3A_87 {strides = array<i32>} : memref<4x1000x128xf32, #tpu.memory_space<vmem>>, vector<1x1000x128xf32>,
    %slice3A_88 = vector.extract_strided_slice %dot_general3A_81 {offsets = [0, 128], sizes = [1000, 128], strides = [1, 1]} : vector<1000x512xf32> to vector<1000x128xf32>
    %swap3A_89 = arith.constant 1 : index
    %swap3A_90 = arith.constant 0 : index
    %swap3A_91 = arith.constant 0 : index
    %swap3A_92 = vector.load %arg11[%swap3A_89, %swap3A_90, %swap3A_91] : memref<4x1000x128xf32, #tpu.memory_space<vmem>>, vector<1x1000x128xf32>
    %swap3A_93 = vector.shape_cast %swap3A_92 : vector<1x1000x128xf32> to vector<1000x128xf32>
    %swap3A_94 = vector.shape_cast %slice3A_88 : vector<1000x128xf32> to vector<1x1000x128xf32>
    tpu.vector_store %arg11[%swap3A_89, %swap3A_90, %swap3A_91], %swap3A_94 {strides = array<i32>} : memref<4x1000x128xf32, #tpu.memory_space<vmem>>, vector<1x1000x128xf32>,
    %slice3A_95 = vector.extract_strided_slice %dot_general3A_81 {offsets = [0, 256], sizes = [1000, 128], strides = [1, 1]} : vector<1000x512xf32> to vector<1000x128xf32>
    %swap3A_96 = arith.constant 2 : index
    %swap3A_97 = arith.constant 0 : index
    %swap3A_98 = arith.constant 0 : index
    %swap3A_99 = vector.load %arg11[%swap3A_96, %swap3A_97, %swap3A_98] : memref<4x1000x128xf32, #tpu.memory_space<vmem>>, vector<1x1000x128xf32>
    %swap3A_100 = vector.shape_cast %swap3A_99 : vector<1x1000x128xf32> to vector<1000x128xf32>
    %swap3A_101 = vector.shape_cast %slice3A_95 : vector<1000x128xf32> to vector<1x1000x128xf32>
    tpu.vector_store %arg11[%swap3A_96, %swap3A_97, %swap3A_98], %swap3A_101 {strides = array<i32>} : memref<4x1000x128xf32, #tpu.memory_space<vmem>>, vector<1x1000x128xf32>,
    %slice3A_102 = vector.extract_strided_slice %dot_general3A_81 {offsets = [0, 384], sizes = [1000, 128], strides = [1, 1]} : vector<1000x512xf32> to vector<1000x128xf32>
    %swap3A_103 = arith.constant 3 : index
    %swap3A_104 = arith.constant 0 : index
    %swap3A_105 = arith.constant 0 : index
    %swap3A_106 = vector.load %arg11[%swap3A_103, %swap3A_104, %swap3A_105] : memref<4x1000x128xf32, #tpu.memory_space<vmem>>, vector<1x1000x128xf32>
    %swap3A_107 = vector.shape_cast %swap3A_106 : vector<1x1000x128xf32> to vector<1000x128xf32>
    %swap3A_108 = vector.shape_cast %slice3A_102 : vector<1000x128xf32> to vector<1x1000x128xf32>
    tpu.vector_store %arg11[%swap3A_103, %swap3A_104, %swap3A_105], %swap3A_108 {strides = array<i32>} : memref<4x1000x128xf32, #tpu.memory_space<vmem>>, vector<1x1000x128xf32>,
    return
  }
  func.func @transform_0(%arg0: i32) -> (i32, i32) {
    %c0_i32 = arith.constant 0 : i32
    %c0_i32_0 = arith.constant 0 : i32
    return %arg0, %c0_i32 : i32, i32
  }
  func.func @transform_1(%arg0: i32) -> (i32, i32, i32) {
    %c0_i32 = arith.constant 0 : i32
    %c0_i32_0 = arith.constant 0 : i32
    %c0_i32_1 = arith.constant 0 : i32
    return %c0_i32, %arg0, %c0_i32_0 : i32, i32, i32
  }
  func.func @transform_2(%arg0: i32) -> (i32, i32) {
    %c0_i32 = arith.constant 0 : i32
    %c0_i32_0 = arith.constant 0 : i32
    %c0_i32_1 = arith.constant 0 : i32
    return %c0_i32, %c0_i32_0 : i32, i32
  }
  func.func @transform_3(%arg0: i32) -> (i32, i32) {
    %c0_i32 = arith.constant 0 : i32
    %c0_i32_0 = arith.constant 0 : i32
    %c0_i32_1 = arith.constant 0 : i32
    return %c0_i32, %c0_i32_0 : i32, i32
  }
  func.func @transform_4(%arg0: i32) -> (i32, i32) {
    %c0_i32 = arith.constant 0 : i32
    %c0_i32_0 = arith.constant 0 : i32
    %c0_i32_1 = arith.constant 0 : i32
    return %c0_i32, %c0_i32_0 : i32, i32
  }
  func.func @transform_5(%arg0: i32) -> (i32, i32) {
    %c0_i32 = arith.constant 0 : i32
    %c0_i32_0 = arith.constant 0 : i32
    %c0_i32_1 = arith.constant 0 : i32
    return %c0_i32, %c0_i32_0 : i32, i32
  }
  func.func @transform_6(%arg0: i32) -> (i32, i32) {
    %c0_i32 = arith.constant 0 : i32
    %c0_i32_0 = arith.constant 0 : i32
    %c0_i32_1 = arith.constant 0 : i32
    return %c0_i32, %c0_i32_0 : i32, i32
  }
  func.func @transform_7(%arg0: i32) -> (i32, i32) {
    %c0_i32 = arith.constant 0 : i32
    %c0_i32_0 = arith.constant 0 : i32
    %c0_i32_1 = arith.constant 0 : i32
    return %c0_i32, %c0_i32_0 : i32, i32
  }
  func.func @transform_8(%arg0: i32) -> (i32, i32) {
    %c0_i32 = arith.constant 0 : i32
    %c0_i32_0 = arith.constant 0 : i32
    %c0_i32_1 = arith.constant 0 : i32
    return %c0_i32, %c0_i32_0 : i32, i32
  }
  func.func @transform_9(%arg0: i32) -> (i32, i32) {
    %c0_i32 = arith.constant 0 : i32
    %c0_i32_0 = arith.constant 0 : i32
    return %arg0, %c0_i32 : i32, i32
  }
  func.func @transform_10(%arg0: i32) -> (i32, i32, i32) {
    %c0_i32 = arith.constant 0 : i32
    %c0_i32_0 = arith.constant 0 : i32
    %c0_i32_1 = arith.constant 0 : i32
    return %c0_i32, %arg0, %c0_i32_0 : i32, i32, i32
  }
}

module attributes {stable_mosaic.version = 14 : i64} {
  func.func @_final_body(%arg0: i32, %arg1: memref<1000x128xf32, #tpu.memory_space<vmem>>, %arg2: memref<2x1000x128xf32, #tpu.memory_space<vmem>>, %arg3: memref<128x512xf32, #tpu.memory_space<vmem>>, %arg4: memref<1x512xf32, #tpu.memory_space<vmem>>, %arg5: memref<512x128xf32, #tpu.memory_space<vmem>>, %arg6: memref<1x128xf32, #tpu.memory_space<vmem>>, %arg7: memref<1x1x1000xi32, #tpu.memory_space<vmem>>, %arg8: memref<1x128xf32, #tpu.memory_space<vmem>>, %arg9: memref<1x1xf32, #tpu.memory_space<vmem>>, %arg10: memref<1000x128xf32, #tpu.memory_space<vmem>>, %arg11: memref<64x128xf32, #tpu.memory_space<vmem>>, %arg12: memref<64x1xf32, #tpu.memory_space<vmem>>, %arg13: memref<1x64xf32, #tpu.memory_space<vmem>>) attributes {dimension_semantics = [#tpu.dimension_semantics<arbitrary>], iteration_bounds = array<i64: 10>, scalar_prefetch = 0 : i64, scratch_operands = 1 : i64, tpu.core_type = #tpu.core_type<tc>, window_params = [{transform_indices = @transform_0, window_bounds = array<i64: 1000, 128>}, {transform_indices = @transform_1, window_bounds = array<i64: 2, 1000, 128>}, {pipeline_mode = #tpu.pipeline_mode<synchronous>, transform_indices = @transform_2, window_bounds = array<i64: 128, 512>}, {pipeline_mode = #tpu.pipeline_mode<synchronous>, transform_indices = @transform_3, window_bounds = array<i64: 1, 512>}, {pipeline_mode = #tpu.pipeline_mode<synchronous>, transform_indices = @transform_4, window_bounds = array<i64: 512, 128>}, {pipeline_mode = #tpu.pipeline_mode<synchronous>, transform_indices = @transform_5, window_bounds = array<i64: 1, 128>}, {transform_indices = @transform_6, window_bounds = array<i64: 1, 1, 1000>}, {pipeline_mode = #tpu.pipeline_mode<synchronous>, transform_indices = @transform_7, window_bounds = array<i64: 1, 128>}, {pipeline_mode = #tpu.pipeline_mode<synchronous>, transform_indices = @transform_8, window_bounds = array<i64: 1, 1>}, {transform_indices = @transform_9, window_bounds = array<i64: 1000, 128>}, {pipeline_mode = #tpu.pipeline_mode<synchronous>, transform_indices = @transform_10, window_bounds = array<i64: 64, 128>}, {pipeline_mode = #tpu.pipeline_mode<synchronous>, transform_indices = @transform_11, window_bounds = array<i64: 64, 1>}]} {
    %get3A = arith.constant 0 : index
    %get3A_0 = arith.constant 0 : index
    %get3A_1 = vector.load %arg1[%get3A, %get3A_0] : memref<1000x128xf32, #tpu.memory_space<vmem>>, vector<1000x128xf32>
    %get3A_2 = arith.constant 0 : index
    %get3A_3 = arith.constant 0 : index
    %get3A_4 = arith.constant 0 : index
    %get3A_5 = vector.load %arg2[%get3A_2, %get3A_3, %get3A_4] : memref<2x1000x128xf32, #tpu.memory_space<vmem>>, vector<1x1000x128xf32>
    %get3A_6 = vector.shape_cast %get3A_5 : vector<1x1000x128xf32> to vector<1000x128xf32>
    %add3A = arith.addf %get3A_1, %get3A_6 : vector<1000x128xf32>
    %get3A_7 = arith.constant 1 : index
    %get3A_8 = arith.constant 0 : index
    %get3A_9 = arith.constant 0 : index
    %get3A_10 = vector.load %arg2[%get3A_7, %get3A_8, %get3A_9] : memref<2x1000x128xf32, #tpu.memory_space<vmem>>, vector<1x1000x128xf32>
    %get3A_11 = vector.shape_cast %get3A_10 : vector<1x1000x128xf32> to vector<1000x128xf32>
    %add3A_12 = arith.addf %add3A, %get3A_11 : vector<1000x128xf32>
    %get3A_13 = arith.constant 0 : index
    %get3A_14 = arith.constant 0 : index
    %get3A_15 = vector.load %arg3[%get3A_13, %get3A_14] : memref<128x512xf32, #tpu.memory_space<vmem>>, vector<128x512xf32>
    %dot_general3A = arith.constant dense<0.000000e+00> : vector<1000x512xf32>
    %dot_general3A_16 = tpu.matmul %add3A_12, %get3A_15, %dot_general3A {dimension_numbers = #tpu.dot_dimension_numbers<[1], [0], [0], [1], [0, 0, 1, 1], [], []>, transpose_lhs_hint = false} : vector<1000x128xf32>, vector<128x512xf32>, vector<1000x512xf32> -> vector<1000x512xf32>
    %get3A_17 = arith.constant 0 : index
    %get3A_18 = arith.constant 0 : index
    %get3A_19 = vector.load %arg4[%get3A_17, %get3A_18] : memref<1x512xf32, #tpu.memory_space<vmem>>, vector<1x512xf32>
    %get3A_20 = vector.shape_cast %get3A_19 : vector<1x512xf32> to vector<512xf32>
    %broadcast_in_dim3A = vector.shape_cast %get3A_20 : vector<512xf32> to vector<1x512xf32>
    %add3A_21 = vector.broadcast %broadcast_in_dim3A : vector<1x512xf32> to vector<1000x512xf32>
    %add3A_22 = arith.addf %dot_general3A_16, %add3A_21 : vector<1000x512xf32>
    %ge3A = arith.constant 0.000000e+00 : f32
    %ge3A_23 = vector.broadcast %ge3A : f32 to vector<1000x512xf32>
    %ge3A_24 = arith.cmpf oge, %add3A_22, %ge3A_23 : vector<1000x512xf32>
    %mul3A = arith.constant 0.00999999977 : f32
    %mul3A_25 = vector.broadcast %mul3A : f32 to vector<1000x512xf32>
    %mul3A_26 = arith.mulf %mul3A_25, %add3A_22 : vector<1000x512xf32>
    %select_n3A = arith.select %ge3A_24, %add3A_22, %mul3A_26 : vector<1000x512xi1>, vector<1000x512xf32>
    %get3A_27 = arith.constant 0 : index
    %get3A_28 = arith.constant 0 : index
    %get3A_29 = vector.load %arg5[%get3A_27, %get3A_28] : memref<512x128xf32, #tpu.memory_space<vmem>>, vector<512x128xf32>
    %dot_general3A_30 = arith.constant dense<0.000000e+00> : vector<1000x128xf32>
    %dot_general3A_31 = tpu.matmul %select_n3A, %get3A_29, %dot_general3A_30 {dimension_numbers = #tpu.dot_dimension_numbers<[1], [0], [0], [1], [0, 0, 1, 1], [], []>, transpose_lhs_hint = false} : vector<1000x512xf32>, vector<512x128xf32>, vector<1000x128xf32> -> vector<1000x128xf32>
    %add3A_32 = arith.addf %add3A_12, %dot_general3A_31 : vector<1000x128xf32>
    %get3A_33 = arith.constant 0 : index
    %get3A_34 = arith.constant 0 : index
    %get3A_35 = vector.load %arg6[%get3A_33, %get3A_34] : memref<1x128xf32, #tpu.memory_space<vmem>>, vector<1x128xf32>
    %get3A_36 = vector.shape_cast %get3A_35 : vector<1x128xf32> to vector<128xf32>
    %broadcast_in_dim3A_37 = vector.shape_cast %get3A_36 : vector<128xf32> to vector<1x128xf32>
    %add3A_38 = vector.broadcast %broadcast_in_dim3A_37 : vector<1x128xf32> to vector<1000x128xf32>
    %add3A_39 = arith.addf %add3A_32, %add3A_38 : vector<1000x128xf32>
    %swap3A = arith.constant 0 : index
    %swap3A_40 = arith.constant 0 : index
    %swap3A_41 = vector.load %arg10[%swap3A, %swap3A_40] : memref<1000x128xf32, #tpu.memory_space<vmem>>, vector<1000x128xf32>
    tpu.vector_store %arg10[%swap3A, %swap3A_40], %add3A_39 {strides = array<i32>} : memref<1000x128xf32, #tpu.memory_space<vmem>>, vector<1000x128xf32>,
    %get3A_42 = arith.constant 0 : index
    %get3A_43 = arith.constant 0 : index
    %get3A_44 = arith.constant 0 : index
    %get3A_45 = vector.load %arg7[%get3A_42, %get3A_43, %get3A_44] : memref<1x1x1000xi32, #tpu.memory_space<vmem>>, vector<1x1x1000xi32>
    %get3A_46 = vector.shape_cast %get3A_45 : vector<1x1x1000xi32> to vector<1000xi32>
    %broadcast_in_dim3A_47 = vector.shape_cast %get3A_46 : vector<1000xi32> to vector<1000x1xi32>
    %iota3A = tpu.iota {dimensions = array<i32: 1>} : vector<1000x64xi32>
    %eq3A = vector.broadcast %broadcast_in_dim3A_47 : vector<1000x1xi32> to vector<1000x64xi32>
    %eq3A_48 = arith.cmpi eq, %eq3A, %iota3A : vector<1000x64xi32>
    %convert_element_type3A = arith.extui %eq3A_48 : vector<1000x64xi1> to vector<1000x64xi32>
    %convert_element_type3A_49 = arith.sitofp %convert_element_type3A : vector<1000x64xi32> to vector<1000x64xf32>
    %dot_general3A_50 = arith.constant dense<0.000000e+00> : vector<64x128xf32>
    %dot_general3A_51 = tpu.matmul %convert_element_type3A_49, %add3A_39, %dot_general3A_50 {dimension_numbers = #tpu.dot_dimension_numbers<[0], [0], [1], [1], [0, 1, 1, 1], [], []>, transpose_lhs_hint = false} : vector<1000x64xf32>, vector<1000x128xf32>, vector<64x128xf32> -> vector<64x128xf32>
    %reduce_sum3A = arith.constant dense<0.000000e+00> : vector<64xf32>
    %reduce_sum3A_52 = vector.multi_reduction <add>, %convert_element_type3A_49, %reduce_sum3A [0] : vector<1000x64xf32> to vector<64xf32>
    %eq3A_53 = arith.constant 0 : i32
    %eq3A_54 = arith.cmpi eq, %arg0, %eq3A_53 : i32
    %convert_element_type3A_55 = arith.extui %eq3A_54 : i1 to i32
    %cond3A = arith.constant 0 : i32
    %cond3A_56 = arith.cmpi ne, %convert_element_type3A_55, %cond3A : i32
    scf.if %cond3A_56 {
      %swap3A_66 = arith.constant 0 : index
      %swap3A_67 = arith.constant 0 : index
      %swap3A_68 = vector.load %arg11[%swap3A_66, %swap3A_67] : memref<64x128xf32, #tpu.memory_space<vmem>>, vector<64x128xf32>
      tpu.vector_store %arg11[%swap3A_66, %swap3A_67], %dot_general3A_51 {strides = array<i32>} : memref<64x128xf32, #tpu.memory_space<vmem>>, vector<64x128xf32>,
      %swap3A_69 = arith.constant 0 : index
      %swap3A_70 = arith.constant 0 : index
      %swap3A_71 = vector.load %arg13[%swap3A_69, %swap3A_70] : memref<1x64xf32, #tpu.memory_space<vmem>>, vector<1x64xf32>
      %swap3A_72 = vector.shape_cast %swap3A_71 : vector<1x64xf32> to vector<64xf32>
      %swap3A_73 = vector.shape_cast %reduce_sum3A_52 : vector<64xf32> to vector<1x64xf32>
      tpu.vector_store %arg13[%swap3A_69, %swap3A_70], %swap3A_73 {strides = array<i32>} : memref<1x64xf32, #tpu.memory_space<vmem>>, vector<1x64xf32>,
    } else {
    }
    %gt3A = arith.constant 0 : i32
    %gt3A_57 = arith.cmpi sgt, %arg0, %gt3A : i32
    %convert_element_type3A_58 = arith.extui %gt3A_57 : i1 to i32
    %cond3A_59 = arith.constant 0 : i32
    %cond3A_60 = arith.cmpi ne, %convert_element_type3A_58, %cond3A_59 : i32
    scf.if %cond3A_60 {
      %get3A_66 = arith.constant 0 : index
      %get3A_67 = arith.constant 0 : index
      %get3A_68 = vector.load %arg11[%get3A_66, %get3A_67] : memref<64x128xf32, #tpu.memory_space<vmem>>, vector<64x128xf32>
      %add3A_69 = arith.addf %get3A_68, %dot_general3A_51 : vector<64x128xf32>
      %swap3A_70 = arith.constant 0 : index
      %swap3A_71 = arith.constant 0 : index
      %swap3A_72 = vector.load %arg11[%swap3A_70, %swap3A_71] : memref<64x128xf32, #tpu.memory_space<vmem>>, vector<64x128xf32>
      tpu.vector_store %arg11[%swap3A_70, %swap3A_71], %add3A_69 {strides = array<i32>} : memref<64x128xf32, #tpu.memory_space<vmem>>, vector<64x128xf32>,
      %get3A_73 = arith.constant 0 : index
      %get3A_74 = arith.constant 0 : index
      %get3A_75 = vector.load %arg13[%get3A_73, %get3A_74] : memref<1x64xf32, #tpu.memory_space<vmem>>, vector<1x64xf32>
      %get3A_76 = vector.shape_cast %get3A_75 : vector<1x64xf32> to vector<64xf32>
      %add3A_77 = arith.addf %get3A_76, %reduce_sum3A_52 : vector<64xf32>
      %swap3A_78 = arith.constant 0 : index
      %swap3A_79 = arith.constant 0 : index
      %swap3A_80 = vector.load %arg13[%swap3A_78, %swap3A_79] : memref<1x64xf32, #tpu.memory_space<vmem>>, vector<1x64xf32>
      %swap3A_81 = vector.shape_cast %swap3A_80 : vector<1x64xf32> to vector<64xf32>
      %swap3A_82 = vector.shape_cast %add3A_77 : vector<64xf32> to vector<1x64xf32>
      tpu.vector_store %arg13[%swap3A_78, %swap3A_79], %swap3A_82 {strides = array<i32>} : memref<1x64xf32, #tpu.memory_space<vmem>>, vector<1x64xf32>,
    } else {
    }
    %eq3A_61 = arith.constant 9 : i32
    %eq3A_62 = arith.cmpi eq, %arg0, %eq3A_61 : i32
    %convert_element_type3A_63 = arith.extui %eq3A_62 : i1 to i32
    %cond3A_64 = arith.constant 0 : i32
    %cond3A_65 = arith.cmpi ne, %convert_element_type3A_63, %cond3A_64 : i32
    scf.if %cond3A_65 {
      %get3A_66 = arith.constant 0 : index
      %get3A_67 = arith.constant 0 : index
      %get3A_68 = vector.load %arg13[%get3A_66, %get3A_67] : memref<1x64xf32, #tpu.memory_space<vmem>>, vector<1x64xf32>
      %get3A_69 = vector.shape_cast %get3A_68 : vector<1x64xf32> to vector<64xf32>
      %max3A = arith.constant 1.000000e+00 : f32
      %max3A_70 = vector.broadcast %max3A : f32 to vector<64xf32>
      %max3A_71 = arith.maximumf %get3A_69, %max3A_70 : vector<64xf32>
      %get3A_72 = arith.constant 0 : index
      %get3A_73 = arith.constant 0 : index
      %get3A_74 = vector.load %arg11[%get3A_72, %get3A_73] : memref<64x128xf32, #tpu.memory_space<vmem>>, vector<64x128xf32>
      %broadcast_in_dim3A_75 = vector.shape_cast %max3A_71 : vector<64xf32> to vector<64x1xf32>
      %div3A = vector.broadcast %broadcast_in_dim3A_75 : vector<64x1xf32> to vector<64x128xf32>
      %div3A_76 = arith.divf %get3A_74, %div3A : vector<64x128xf32>
      %swap3A_77 = arith.constant 0 : index
      %swap3A_78 = arith.constant 0 : index
      %swap3A_79 = vector.load %arg11[%swap3A_77, %swap3A_78] : memref<64x128xf32, #tpu.memory_space<vmem>>, vector<64x128xf32>
      tpu.vector_store %arg11[%swap3A_77, %swap3A_78], %div3A_76 {strides = array<i32>} : memref<64x128xf32, #tpu.memory_space<vmem>>, vector<64x128xf32>,
      %get3A_80 = arith.constant 0 : index
      %get3A_81 = arith.constant 0 : index
      %get3A_82 = vector.load %arg8[%get3A_80, %get3A_81] : memref<1x128xf32, #tpu.memory_space<vmem>>, vector<1x128xf32>
      %mul3A_83 = vector.broadcast %get3A_82 : vector<1x128xf32> to vector<64x128xf32>
      %mul3A_84 = arith.mulf %div3A_76, %mul3A_83 : vector<64x128xf32>
      %reduce_sum3A_85 = arith.constant dense<0.000000e+00> : vector<64xf32>
      %reduce_sum3A_86 = vector.multi_reduction <add>, %mul3A_84, %reduce_sum3A_85 [1] : vector<64x128xf32> to vector<64xf32>
      %broadcast_in_dim3A_87 = vector.shape_cast %reduce_sum3A_86 : vector<64xf32> to vector<64x1xf32>
      %get3A_88 = arith.constant 0 : index
      %get3A_89 = arith.constant 0 : index
      %get3A_90 = vector.load %arg9[%get3A_88, %get3A_89] : memref<1x1xf32, #tpu.memory_space<vmem>>, vector<1x1xf32>
      %get3A_91 = vector.extract %get3A_90[0, 0] : f32 from vector<1x1xf32>
      %add3A_92 = vector.broadcast %get3A_91 : f32 to vector<64x1xf32>
      %add3A_93 = arith.addf %broadcast_in_dim3A_87, %add3A_92 : vector<64x1xf32>
      %swap3A_94 = arith.constant 0 : index
      %swap3A_95 = arith.constant 0 : index
      %swap3A_96 = vector.load %arg12[%swap3A_94, %swap3A_95] : memref<64x1xf32, #tpu.memory_space<vmem>>, vector<64x1xf32>
      tpu.vector_store %arg12[%swap3A_94, %swap3A_95], %add3A_93 {strides = array<i32>} : memref<64x1xf32, #tpu.memory_space<vmem>>, vector<64x1xf32>,
    } else {
    }
    return
  }
  func.func @transform_0(%arg0: i32) -> (i32, i32) {
    %c0_i32 = arith.constant 0 : i32
    %c0_i32_0 = arith.constant 0 : i32
    return %arg0, %c0_i32 : i32, i32
  }
  func.func @transform_1(%arg0: i32) -> (i32, i32, i32) {
    %c0_i32 = arith.constant 0 : i32
    %c0_i32_0 = arith.constant 0 : i32
    %c0_i32_1 = arith.constant 0 : i32
    return %c0_i32, %arg0, %c0_i32_0 : i32, i32, i32
  }
  func.func @transform_2(%arg0: i32) -> (i32, i32) {
    %c0_i32 = arith.constant 0 : i32
    %c0_i32_0 = arith.constant 0 : i32
    %c0_i32_1 = arith.constant 0 : i32
    return %c0_i32, %c0_i32_0 : i32, i32
  }
  func.func @transform_3(%arg0: i32) -> (i32, i32) {
    %c0_i32 = arith.constant 0 : i32
    %c0_i32_0 = arith.constant 0 : i32
    %c0_i32_1 = arith.constant 0 : i32
    return %c0_i32, %c0_i32_0 : i32, i32
  }
  func.func @transform_4(%arg0: i32) -> (i32, i32) {
    %c0_i32 = arith.constant 0 : i32
    %c0_i32_0 = arith.constant 0 : i32
    %c0_i32_1 = arith.constant 0 : i32
    return %c0_i32, %c0_i32_0 : i32, i32
  }
  func.func @transform_5(%arg0: i32) -> (i32, i32) {
    %c0_i32 = arith.constant 0 : i32
    %c0_i32_0 = arith.constant 0 : i32
    %c0_i32_1 = arith.constant 0 : i32
    return %c0_i32, %c0_i32_0 : i32, i32
  }
  func.func @transform_6(%arg0: i32) -> (i32, i32, i32) {
    %c0_i32 = arith.constant 0 : i32
    %c0_i32_0 = arith.constant 0 : i32
    %c0_i32_1 = arith.constant 0 : i32
    return %arg0, %c0_i32, %c0_i32_0 : i32, i32, i32
  }
  func.func @transform_7(%arg0: i32) -> (i32, i32) {
    %c0_i32 = arith.constant 0 : i32
    %c0_i32_0 = arith.constant 0 : i32
    %c0_i32_1 = arith.constant 0 : i32
    return %c0_i32, %c0_i32_0 : i32, i32
  }
  func.func @transform_8(%arg0: i32) -> (i32, i32) {
    %c0_i32 = arith.constant 0 : i32
    %c0_i32_0 = arith.constant 0 : i32
    %c0_i32_1 = arith.constant 0 : i32
    return %c0_i32, %c0_i32_0 : i32, i32
  }
  func.func @transform_9(%arg0: i32) -> (i32, i32) {
    %c0_i32 = arith.constant 0 : i32
    %c0_i32_0 = arith.constant 0 : i32
    return %arg0, %c0_i32 : i32, i32
  }
  func.func @transform_10(%arg0: i32) -> (i32, i32) {
    %c0_i32 = arith.constant 0 : i32
    %c0_i32_0 = arith.constant 0 : i32
    %c0_i32_1 = arith.constant 0 : i32
    return %c0_i32, %c0_i32_0 : i32, i32
  }
  func.func @transform_11(%arg0: i32) -> (i32, i32) {
    %c0_i32 = arith.constant 0 : i32
    %c0_i32_0 = arith.constant 0 : i32
    %c0_i32_1 = arith.constant 0 : i32
    return %c0_i32, %c0_i32_0 : i32, i32
  }
}

</mosaic_0001>

<sc_bundles>
// kernel: kernel.10.cloned.1.call-start
scs
__scs_entry_jumppad:
0x0: {  	(pc) =	sbr.rel $0x88, $3  }
0x1: {  	(tag) =	ssettag $0x0;
	lr =	simm.s32 $0x1  }
0x2: {  	[smem:$0x3F86] =	sst lr;
	_ =	strace $0xD0000000  }
0x3: {  	_ = 	snop  }
0x4: {  	_ = 	snop  }
0x5: {  	_ = 	snop  }
0x6: {  	_ = 	snop  }
0x7: {  	_ = 	snop  }
__scs_overlays_trampoline_lowered:
0x8: {  	[smem:$0x3F95] =	sst s0  }
0x9: {  	[smem:$0x3F96] =	sst s1  }
0xa: {  	[smem:$0x3F97] =	sst s2  }
0xb: {  	[smem:$0x3F98] =	sst s3  }
0xc: {  	[smem:$0x3F99] =	sst s4  }
0xd: {  	[smem:$0x3F9A] =	sst s5  }
0xe: {  	[smem:$0x3F9B] =	sst s6  }
0xf: {  	[smem:$0x3F9C] =	sst s7  }
0x10: {  	[smem:$0x3F9D] =	sst s8  }
0x11: {  	[smem:$0x3F9E] =	sst s9;
	s0 =	simm.s32 @!p0 $0x0  }
0x12: {  	s1 =	sld [smem:$0x3F84];
	s0 =	simm.s32 @p0 $0x1  }
0x13: {  	[smem:$0x3F9F] =	sst s0;
	s0 =	simm.s32 @!p1 $0x0  }
0x14: {  	s2 =	sld [smem:$0x3F83];
	s0 =	simm.s32 @p1 $0x1  }
0x15: {  	[smem:$0x3FA0] =	sst s0;
	s0 =	simm.s32 @!p2 $0x0  }
0x16: {  	s3 =	sld [smem:$0x3FDB];
	s0 =	simm.s32 @p2 $0x1  }
0x17: {  	s4 =	simm.s32 $0x1BF5;
	[smem:$0x3FA2] =	sst s0  }
0x18: {  	s0 =	sld [smem:$0x3F85];
	_ =	swait.ge [sflag:s4], $0x0  }
0x19: {  	s7 =	sld [smem:$0x3F86]  }
0x1a: {  	s8 =	sadd.s32 $0xFFFFE003, lr  }
0x1b: {  	s9 =	sadd.s32 $0xFFFFFEF7, lr;
	s5 =	simm.s32 $0xFFFFFFFF;
	p2 =	slt.u32 s8, $0xFFFFF086  }
0x1c: {  	p1 =	slt.u32 s9, $0xF7A;
	s5 =	simm.s32 @!p2 $0x0  }
0x1d: {  	s5 =	simm.s32 @p1 $0x1;
	p0 =	seq.s32 s7, s2  }
0x1e: {  	s7 =	smul.u32 @!p0 $0xF7A, s2;
	p2 =	seq.s32 @!p0 s5, $0x0  }
0x1f: {  	s9 =	smul.u32 $0xF7A, s1;
	s8 =	simm.s32 @!p0 $0x1BF5;
	p2 =	por !p2, p0  }
0x20: {  	[sflag:s8] =	ssyncset.s32 @!p0 $0xFFFFF086;
	s6 =	sadd.s32 @!p0 s3, s7;
	s7 =	simm.s32 @!p0 $0x108  }
0x21: {  	s3 =	sadd.s32 s3, s9;
	s6 =	sadd.s32 @!p0 $0x88, s6;
	s7 =	simm.s32 @p2 $0x1082  }
0x22: {  	[simem:s7], [sflag:s8] =	dma.local @!p0 [hbm:s6], $0xF7A  }
0x23: {  	s9 =	sor.u32 $0xD0000000, s2;
	s6 =	simm.s32 $0x108;
	_ =	swait.ge @!p0 [sflag:s8], $0x0  }
0x24: {  	s3 =	sadd.s32 $0x88, s3;
	s6 =	simm.s32 @!p1 $0x1082;
	[sflag:s4] =	ssyncset.s32 $0xFFFFF086  }
0x25: {  	[simem:s6], [sflag:s4] =	dma.local [hbm:s3], $0xF7A  }
0x26: {  	[smem:$0x3F86] =	sst s1;
	(tag) =	ssettag s2;
	_ =	strace s9  }
0x27: {  	s1 =	sld [smem:$0x3F96]  }
0x28: {  	s2 =	sld [smem:$0x3F97]  }
0x29: {  	s4 =	sld [smem:$0x3F99]  }
0x2a: {  	p0 =	seq.s32 s5, $0x0;
	s5 =	sld [smem:$0x3F9A]  }
0x2b: {  	s6 =	sld [smem:$0x3F9B]  }
0x2c: {  	s7 =	sld [smem:$0x3F9C]  }
0x2d: {  	s3 =	simm.s32 $0x108;
	s8 =	sld [smem:$0x3F9D]  }
0x2e: {  	s3 =	simm.s32 @!p0 $0x1082;
	s9 =	sld [smem:$0x3F9E]  }
0x2f: {  	lr =	sadd.s32 s0, s3;
	s0 =	sld [smem:$0x3F95]  }
0x30: {  	s3 =	sld [smem:$0x3F98]  }
0x31: {  	[smem:$0x3FA1] =	sst s10  }
0x32: {  	s10 =	sld [smem:$0x3F9F];
	_ =	sdelay $0x3  }
0x33: {  	p0 =	seq.s32 s10, $0x1;
	s10 =	sld [smem:$0x3FA1];
	_ =	sdelay $0x3  }
0x34: {  	[smem:$0x3FA1] =	sst s10  }
0x35: {  	s10 =	sld [smem:$0x3FA0];
	_ =	sdelay $0x3  }
0x36: {  	p1 =	seq.s32 s10, $0x1;
	s10 =	sld [smem:$0x3FA1];
	_ =	sdelay $0x3  }
0x37: {  	[smem:$0x3FA1] =	sst s10  }
0x38: {  	s10 =	sld [smem:$0x3FA2]  }
0x39: {  	_ = 	snop;
	(pc) =	sbr.ind lr, $3  }
0x3a: {  	_ = 	snop  }
0x3b: {  	_ = 	snop  }
0x3c: {  	p2 =	seq.s32 s10, $0x1;
	s10 =	sld [smem:$0x3FA1]  }
0x3d: {  	_ =	shalt  }
0x3e: {  	_ =	shalt  }
0x3f: {  	_ =	shalt  }
0x40: {  	_ =	shalt  }
0x41: {  	_ =	shalt  }
0x42: {  	_ =	shalt  }
0x43: {  	_ =	shalt  }
0x44: {  	_ =	shalt  }
0x45: {  	_ =	shalt  }
0x46: {  	_ =	shalt  }
0x47: {  	_ =	shalt  }
0x48: {  	_ =	shalt  }
0x49: {  	_ =	shalt  }
0x4a: {  	_ =	shalt  }
0x4b: {  	_ =	shalt  }
0x4c: {  	_ =	shalt  }
0x4d: {  	_ =	shalt  }
0x4e: {  	_ =	shalt  }
0x4f: {  	_ =	shalt  }
0x50: {  	_ =	shalt  }
0x51: {  	_ =	shalt  }
0x52: {  	_ =	shalt  }
0x53: {  	_ =	shalt  }
0x54: {  	_ =	shalt  }
0x55: {  	_ =	shalt  }
0x56: {  	_ =	shalt  }
0x57: {  	_ =	shalt  }
0x58: {  	_ =	shalt  }
0x59: {  	_ =	shalt  }
0x5a: {  	_ =	shalt  }
0x5b: {  	_ =	shalt  }
0x5c: {  	_ =	shalt  }
0x5d: {  	_ =	shalt  }
0x5e: {  	_ =	shalt  }
0x5f: {  	_ =	shalt  }
0x60: {  	_ =	shalt  }
0x61: {  	_ =	shalt  }
0x62: {  	_ =	shalt  }
0x63: {  	_ =	shalt  }
0x64: {  	_ =	shalt  }
0x65: {  	_ =	shalt  }
0x66: {  	_ =	shalt  }
0x67: {  	_ =	shalt  }
0x68: {  	_ =	shalt  }
0x69: {  	_ =	shalt  }
0x6a: {  	_ =	shalt  }
0x6b: {  	_ =	shalt  }
0x6c: {  	_ =	shalt  }
0x6d: {  	_ =	shalt  }
0x6e: {  	_ =	shalt  }
0x6f: {  	_ =	shalt  }
0x70: {  	_ =	shalt  }
0x71: {  	_ =	shalt  }
0x72: {  	_ =	shalt  }
0x73: {  	_ =	shalt  }
0x74: {  	_ =	shalt  }
0x75: {  	_ =	shalt  }
0x76: {  	_ =	shalt  }
0x77: {  	_ =	shalt  }
0x78: {  	_ =	shalt  }
0x79: {  	_ =	shalt  }
0x7a: {  	_ =	shalt  }
0x7b: {  	_ =	shalt  }
0x7c: {  	_ =	shalt  }
0x7d: {  	_ =	shalt  }
0x7e: {  	_ =	shalt  }
0x7f: {  	_ =	shalt  }
0x80: {  	_ =	shalt  }
0x81: {  	_ =	shalt  }
0x82: {  	_ =	shalt  }
0x83: {  	_ =	shalt  }
0x84: {  	_ =	shalt  }
0x85: {  	_ =	shalt  }
0x86: {  	_ =	shalt  }
0x87: {  	_ =	shalt  }
.Lfunc_end0:
.L_simem_size_0:
called_computation.1_lowered:
.L_overlay_start_0:
0x88: {  	s2 =	sld [smem:$0x3FD9]  }
0x89: {  	s3 =	sld [smem:$0x3FFE];
	_ =	sdelay $0x1  }
0x8a: {  	s1 =	srdreg.scid  }
0x8b: {  	s0 =	sand.u32 $0x1, s1  }
0x8c: {  	s14 =	sshll.u32 s0, $0xA;
	s2 =	sadd.s32 s3, s2  }
0x8d: {  	s2 =	sadd.s32 s2, s14  }
0x8e: {  	[smem:$0x3FAD] =	sst s2  }
0x8f: {  	_ = 	snop  }
0x90: {  	s2 =	sld [smem:$0x3FD0];
	_ =	sdelay $0x2  }
0x91: {  	s15 =	simm.s32 $0xA;
	s4 =	simm.s32 $0x10  }
0x92: {  	[smem:s4], [sflag:s15] =	dma.local [hbm:s2], $0x1  }
0x93: {  	_ =	swait.eq [sflag:s15], $0x1  }
0x94: {  	[sflag:s15] =	ssyncset.done $0x0  }
0x95: {  	[sflag:s15] =	ssyncadd.s32 $0xFFFFFFFF  }
0x96: {  	s16 =	sld [smem:$0x12];
	(tm) =	ssettm $0x1  }
0x97: {  	s17 =	sld [smem:$0x3FFB];
	_ =	sdelay $0x3  }
0x98: {  	_ =	strace s17  }
0x99: {  	s3 =	sld [smem:$0x3FFC];
	_ =	sdelay $0x3  }
0x9a: {  	_ =	strace s3  }
0x9b: {  	s3 =	sld [smem:$0x3FFD];
	_ =	sdelay $0x3  }
0x9c: {  	_ =	strace s3  }
0x9d: {  	_ =	strace $0x8FFFFFFF  }
0x9e: {  	s18 =	sld [smem:$0x3FDB];
	_ =	sdelay $0x1  }
0x9f: {  	s19 =	simm.s32 $_scs_section_size  }
0xa0: {  	s5 =	simm.s32 $_size__tile_overlayer_lowered;
	s6 =	simm.s32 $_tile_overlayer_lowered  }
0xa1: {  	s22 =	simm.s32 $0x1BFF;
	s21 =	sshll.u32 s6, $0x1;
	s3 =	sadd.s32 s19, s18  }
0xa2: {  	s7 =	simm.s32 $0x0;
	s20 =	sshll.u32 s5, $0x1;
	s5 =	sadd.s32 s21, s3  }
0xa3: {  	[timem:s7], [sflag:s22] =	dma.local [hbm:s5], s20  }
0xa4: {  	_ =	swait.ge [sflag:s22], s20  }
0xa5: {  	s4 =	ssub.s32 $0x0, s20;
	[sflag:s22] =	ssyncset.done $0x0  }
0xa6: {  	[sflag:s22] =	ssyncadd.s32 s4;
	_ =	sdelay $0x1  }
0xa7: {  	s23 =	simm.s32 $0x1B8B  }
0xa8: {  	_ =	swait.ge [sflag:s23], $0x1  }
0xa9: {  	[sflag:s23] =	ssyncset.done $0x0  }
0xaa: {  	s25 =	simm.s32 $0x1B8E;
	s24 =	sld [smem:$0x3FFE];
	[sflag:s23] =	ssyncadd.s32 $0xFFFFFFFF  }
0xab: {  	s26 =	simm.s32 $execute0_lowered;
	[smem:$0x3FD2] =	sst s25  }
0xac: {  	s5 =	sshll.u32 s26, $0x1;
	_ =	strace $0x80000049;
	[dreg:$0x1] =	wrdreg $0xFFFFFFFF  }
0xad: {  	s28 =	simm.s32 $_size_execute0_lowered;
	s3 =	sadd.s32 s3, s5;
	[dreg:$0x0] =	wrdreg $0x0  }
0xae: {  	s5 =	sshll.u32 s28, $0x1;
	[dreg:$0x2] =	wrdreg s3  }
0xaf: {  	[dreg:$0x3] =	wrdreg s5  }
0xb0: {  	[dreg:$0x4] =	wrdreg $0xC0  }
0xb1: {  	_ =	task [dreg:s7], $0x5FFFF  }
0xb2: {  	[dreg:$0x1] =	wrdreg $0xFFFFFFFF  }
0xb3: {  	[dreg:$0x0] =	wrdreg $0x60  }
0xb4: {  	[dreg:$0x2] =	wrdreg s24  }
0xb5: {  	[dreg:$0x3] =	wrdreg s16  }
0xb6: {  	[dreg:$0x4] =	wrdreg $0x0  }
0xb7: {  	[dreg:$0x5] =	wrdreg $0x9  }
0xb8: {  	_ =	task.clear_ibuf [dreg:s7], $0x6FFFF;
	_ =	strace $0x90000049  }
0xb9: {  	s29 =	simm.s32 $0x9;
	_ =	strace $0x8000004B  }
0xba: {  	_ =	swait.ge [sflag:s29], $0x1  }
0xbb: {  	[sflag:s29] =	ssyncadd.s32 $0xFFFFFFFF  }
0xbc: {  	_ =	strace $0x9000004B  }
0xbd: {  	_ =	sfence  }
0xbe: {  	s30 =	sld [smem:$0x0];
	_ =	sdelay $0x2  }
0xbf: {  	s31 =	sshll.u32 s1, $0xD;
	s1 =	sshrl.u32 s1, $0x2  }
0xc0: {  	s3 =	sand.u32 $0x4000, s31;
	s1 =	sadd.s32 s1, s30  }
0xc1: {  	s0 =	sor.u32 s3, s0;
	s1 =	sshll.u32 s1, $0x11  }
0xc2: {  	s0 =	sor.u32 s1, s0  }
0xc3: {  	s0 =	sadd.s32 $0x8F2B, s0  }
0xc4: {  	[sflag:s0] =	ssyncadd.remote.s32 $0x1  }
0xc5: {  	_ =	sfence.sel $0xFFFF  }
0xc6: {  	[dreg:$0x0] =	wrdreg $0xFFFFFFFF;
	(pc) =	sbr.abs _section_cstart, $3  }
0xc7: {  	[dreg:$0x1] =	wrdreg $0xFFFFFFFF  }
0xc8: {  	_ =	task.clear_ibuf [dreg:s7], $0x2FFFF;
	_ =	strace $0x9FFFFFFF  }
0xc9: {  	(tm) =	ssettm $0x7FFFFFFF  }
tec
execute0_lowered:
.L_overlay_start_1:
0x0: {  	(tag) =	ssettag $0x1  }
0x1: {  	s0 =	rddreg [dreg:$0x0]  }
0x2: {  	s2 =	rddreg [dreg:$0x1]  }
0x3: {  	s1 =	rddreg [dreg:$0x2]  }
0x4: {  	s3 =	srdreg.scid;
	s15 =	stileid.u32  }
0x5: {  	s28 =	simm.s32 $0x13D80;
	s29 =	simm.s32 $0x2;
	s30 =	simm.s32 $0x14100  }
0x6: {  	s31 =	simm.s32 $0x4;
	s5 =	sand.u32 $0x1, s3;
	s7 =	smul.u32 $0x4E000, s15  }
0x7: {  	s3 =	simm.s32 $0x0;
	s4 =	sadd.s32 $0x3E00, s0;
	s8 =	smul.u32 $0x13800, s15  }
0x8: {  	s17 =	sadd.s32 $0x138000, s1;
	s21 =	smul.u32 $0x500, s15;
	p0 =	sne.s32 s15, $0xF  }
0x9: {  	s15 =	simm.s32 $0x13F80;
	s6 =	smul.u32 $0x5000, s5;
	[smem:$0x7FF] =	sst s3  }
0xa: {  	s10 =	ssub.s32 $0x2, s5;
	s5 =	smul.u32 $0x138800, s5;
	_ =	strace $0x8000004A  }
0xb: {  	s11 =	sshrl.u32 s10, $0x1;
	s7 =	sshrl.u32 s7, $0x2;
	s12 =	sadd.s32 $0x4000, s8  }
0xc: {  	s24 =	sadd.s32 $0x8000, s8;
	s13 =	sadd.s32 $0xC000, s8;
	s26 =	sadd.s32 $0x10000, s8  }
0xd: {  	[dreg:$0xb] =	wrdreg s17;
	s17 =	simm.s32 $0x14000;
	s9 =	sadd.s32 s6, s0  }
0xe: {  	s0 =	sadd.s32 $0xAA200, s0;
	s11 =	ssub.s32 s10, s11;
	s10 =	sadd.s32 s7, s1  }
0xf: {  	s23 =	sadd.s32 s12, s1;
	s14 =	sadd.s32 s24, s1;
	s25 =	sadd.s32 s13, s1  }
0x10: {  	s16 =	sadd.s32 s26, s1;
	s8 =	sadd.s32 s8, s5;
	s12 =	sadd.s32 s5, s12  }
0x11: {  	s7 =	sadd.s32 s5, s24;
	s19 =	sadd.s32 s5, s13;
	[dreg:$0x7] =	wrdreg s23  }
0x12: {  	s20 =	sadd.s32 s5, s26;
	s5 =	sshrl.u32 s5, $0x3;
	[dreg:$0x8] =	wrdreg s14  }
0x13: {  	s2 =	sadd.s32 s6, s2;
	s13 =	simm.s32 $0x13F00;
	[dreg:$0x9] =	wrdreg s25  }
0x14: {  	s6 =	simm.s32 $0x14400;
	[dreg:$0xa] =	wrdreg s16;
	s8 =	sshrl.u32 s8, $0x3  }
0x15: {  	s18 =	sshrl.u32 s12, $0x3;
	s7 =	sshrl.u32 s7, $0x3;
	s22 =	sshrl.u32 s20, $0x3  }
0x16: {  	s23 =	sadd.s32 s21, s9;
	s25 =	smax.u32 s11, $0x1;
	s26 =	sadd.s32 s21, s2  }
0x17: {  	s20 =	simm.s32 $0x13C80;
	s21 =	simm.s32 $0x14080;
	s2 =	simm.s32 $0x14180  }
0x18: {  	s11 =	simm.s32 $0x13E80;
	s12 =	simm.s32 $0x14200;
	s14 =	simm.s32 $0x14280  }
0x19: {  	s16 =	simm.s32 $0x14300;
	s9 =	simm.s32 $0x0;
	[dreg:$0x6] =	wrdreg s10  }
0x1a: {  	s8 =	sadd.s32 s0, s8;
	s7 =	sadd.s32 s0, s7;
	[dreg:$0x12] =	wrdreg s25  }
0x1b: {  	s24 =	sadd.s32 $0xA0200, s23;
	[dreg:$0x5] =	wrdreg s26;
	s23 =	simm.s32 $0x13D00  }
0x1c: {  	s25 =	simm.s32 $0x1;
	s26 =	simm.s32 $0x3;
	[dreg:$0xc] =	wrdreg s8  }
0x1d: {  	s8 =	sadd.s32 s0, s18;
	[dreg:$0xe] =	wrdreg s7;
	s7 =	sshrl.u32 s19, $0x3  }
0x1e: {  	[dreg:$0x4] =	wrdreg s24;
	s18 =	simm.s32 $0x14480;
	s19 =	simm.s32 $0x5  }
0x1f: {  	s24 =	simm.s32 $0x18480;
	[dreg:$0xd] =	wrdreg s8;
	s7 =	sadd.s32 s0, s7  }
0x20: {  	[dreg:$0xf] =	wrdreg s7;
	s7 =	sadd.s32 s0, s22;
	s0 =	sadd.s32 s0, s5  }
0x21: {  	s22 =	simm.s32 $0x80;
	[dreg:$0x10] =	wrdreg s7;
	s0 =	sadd.s32 $0x27000, s0  }
0x22: {  	v0 =	vimm.f32 $0.0e+00;
	s5 =	simm.s32 $0x14380;
	[dreg:$0x11] =	wrdreg s0;
	s0 =	simm.s32 $0x13E00  }
.LBB2_1:
0x23: {  	[dreg:$0x13] =	wrdreg s9;
	s8 =	simm.s32 $0x0;
	s9 =	simm.s32 $0x200  }
.LBB2_2:
0x24: {  	p1 =	sne.s32 s9, $0xFE00;
	[tilespmem:s8+$0x144F0] =	vst v0  }
0x25: {  	[tilespmem:s8+$0x14480] =	vst v0  }
0x26: {  	[tilespmem:s8+$0x14490] =	vst v0  }
.Ltmp0:
0x27: {  	[tilespmem:s8+$0x144A0] =	vst v0;
	(pc) =	sbr.rel @p1 .LBB2_2-.Ltmp0, $4  }
0x28: {  	[tilespmem:s8+$0x144B0] =	vst v0  }
0x29: {  	[tilespmem:s8+$0x144C0] =	vst v0  }
0x2a: {  	[tilespmem:s8+$0x144D0] =	vst v0  }
0x2b: {  	[tilespmem:s8+$0x144E0] =	vst v0;
	s8 =	sshra.s32 s9, $0x2;
	s9 =	sadd.s32 $0x200, s9  }
0x2c: {  	[tilespmem:s8+$0x144F0] =	vst v0  }
0x2d: {  	[tilespmem:s8+$0x14480] =	vst v0  }
0x2e: {  	[tilespmem:s8+$0x14490] =	vst v0  }
0x2f: {  	[tilespmem:s8+$0x144A0] =	vst v0  }
0x30: {  	[tilespmem:s8+$0x144B0] =	vst v0  }
0x31: {  	[tilespmem:s8+$0x144C0] =	vst v0  }
0x32: {  	[tilespmem:s8+$0x144D0] =	vst v0  }
0x33: {  	[tilespmem:s8+$0x144E0] =	vst v0  }
0x34: {  	[spmem:s10] =	stream.linear.scatter [tilespmem:s18], [sflag:$0x5], $0x4000, $0x38;
	[tilespmem:$0x1C480] =	vst v63  }
0x35: {  	_ =	swait.ge [sflag:s19], $0x4000  }
0x36: {  	[sflag:s19] =	ssyncset.done $0x0  }
0x37: {  	s7 =	rddreg [dreg:$0x7];
	[sflag:s19] =	ssyncadd.s32 $0xFFFFC000  }
0x38: {  	[spmem:s7] =	stream.linear.scatter [tilespmem:s18], [sflag:$0x5], $0x4000, $0x38;
	[tilespmem:$0x1C480] =	vst v63  }
0x39: {  	_ =	swait.ge [sflag:s19], $0x4000  }
0x3a: {  	[sflag:s19] =	ssyncset.done $0x0  }
0x3b: {  	s9 =	rddreg [dreg:$0x8];
	[sflag:s19] =	ssyncadd.s32 $0xFFFFC000  }
0x3c: {  	[spmem:s9] =	stream.linear.scatter [tilespmem:s18], [sflag:$0x5], $0x4000, $0x38;
	[tilespmem:$0x1C480] =	vst v63  }
0x3d: {  	_ =	swait.ge [sflag:s19], $0x4000  }
0x3e: {  	[sflag:s19] =	ssyncset.done $0x0  }
0x3f: {  	s10 =	rddreg [dreg:$0x9];
	[sflag:s19] =	ssyncadd.s32 $0xFFFFC000  }
0x40: {  	[spmem:s10] =	stream.linear.scatter [tilespmem:s18], [sflag:$0x5], $0x4000, $0x38;
	[tilespmem:$0x1C480] =	vst v63  }
0x41: {  	_ =	swait.ge [sflag:s19], $0x4000  }
0x42: {  	[sflag:s19] =	ssyncset.done $0x0  }
0x43: {  	s7 =	rddreg [dreg:$0xa];
	[sflag:s19] =	ssyncadd.s32 $0xFFFFC000  }
0x44: {  	[spmem:s7] =	stream.linear.scatter [tilespmem:s18], [sflag:$0x5], $0x3800, $0x38;
	[tilespmem:$0x1C480] =	vst v63  }
0x45: {  	_ =	swait.ge [sflag:s19], $0x3800  }
0x46: {  	[sflag:s19] =	ssyncset.done $0x0  }
0x47: {  	s8 =	simm.s32 @!p0 $0x14480;
	s9 =	rddreg [dreg:$0xb];
	[sflag:s19] =	ssyncadd.s32 $0xFFFFC800  }
0x48: {  	[spmem:s9] =	stream.linear.scatter @!p0 [tilespmem:s8], [sflag:$0x5], $0x800, $0x38;
	[tilespmem:$0x1C480] =	vst v63  }
0x49: {  	s8 =	simm.s32 @!p0 $0x5  }
0x4a: {  	_ =	swait.ge @!p0 [sflag:s8], $0x800  }
0x4b: {  	[sflag:s8] =	ssyncset.done @!p0 $0x0  }
0x4c: {  	[sflag:s8] =	ssyncadd.s32 @!p0 $0xFFFFF800  }
0x4d: {  	[bflag:$0x0] =	sbarrier.arrive $0xFFFF  }
0x4e: {  	s9 =	rddreg [dreg:$0x5]  }
0x4f: {  	s8 =	sadd.s32 $0x0, s9  }
0x50: {  	[tilespmem:s20], [sflag:$0x5] =	stream.linear.gather [hbm4b:s8+s3], $0x400, $0x38;
	[tilespmem:$0x1C480] =	vst v63  }
0x51: {  	_ =	swait.ge [sflag:s19], $0x400  }
0x52: {  	s10 =	rddreg [dreg:$0x4];
	[sflag:s19] =	ssyncset.done $0x0  }
0x53: {  	[sflag:s19] =	ssyncadd.s32 $0xFFFFFC00;
	s8 =	sadd.s32 $0x0, s10  }
0x54: {  	[tilespmem:s21], [sflag:$0x5] =	stream.linear.gather [hbm4b:s8+s3], $0x400, $0x38;
	[tilespmem:$0x1C480] =	vst v63  }
0x55: {  	_ =	swait.ge [sflag:s19], $0x400  }
0x56: {  	[sflag:s19] =	ssyncset.done $0x0  }
0x57: {  	[sflag:s19] =	ssyncadd.s32 $0xFFFFFC00  }
0x58: {  	[tilespmem:s18], [sflag:$0x1] =	stream.indirect.gather [hbm4b:s4+s22], $0x80, s20, s22, $0xb8;
	[tilespmem:$0x1C480] =	vst v63  }
0x59: {  	_ = 	snop  }
0x5a: {  	[tilespmem:s24], [sflag:$0x2] =	stream.indirect.gather [hbm4b:s4+s22], $0x80, s23, s22, $0xb8;
	[tilespmem:$0x1C480] =	vst v63  }
0x5b: {  	_ =	swait.ge [sflag:s25], $0x4000  }
0x5c: {  	[sflag:s25] =	ssyncset.done $0x0  }
0x5d: {  	[sflag:s25] =	ssyncadd.s32 $0xFFFFC000  }
0x5e: {  	[spmem:s1] =	stream.indirect.scatter.add.f32 [tilespmem:s18], [sflag:$0x3], $0x80, s21, s22, $0xb8;
	[tilespmem:$0x1C480] =	vst v63  }
0x5f: {  	_ =	swait.ge [sflag:s26], $0x4000  }
0x60: {  	[sflag:s26] =	ssyncset.done $0x0  }
0x61: {  	[sflag:s26] =	ssyncadd.s32 $0xFFFFC000  }
0x62: {  	[tilespmem:s18], [sflag:$0x1] =	stream.indirect.gather [hbm4b:s4+s22], $0x80, s28, s22, $0xb8;
	[tilespmem:$0x1C480] =	vst v63  }
0x63: {  	_ =	swait.ge [sflag:s29], $0x4000  }
0x64: {  	[sflag:s29] =	ssyncset.done $0x0  }
0x65: {  	[sflag:s29] =	ssyncadd.s32 $0xFFFFC000  }
0x66: {  	[spmem:s1] =	stream.indirect.scatter.add.f32 [tilespmem:s24], [sflag:$0x4], $0x80, s30, s22, $0xb8;
	[tilespmem:$0x1C480] =	vst v63  }
0x67: {  	_ =	swait.ge [sflag:s31], $0x4000  }
0x68: {  	[sflag:s31] =	ssyncset.done $0x0  }
0x69: {  	[sflag:s31] =	ssyncadd.s32 $0xFFFFC000  }
0x6a: {  	[tilespmem:s24], [sflag:$0x2] =	stream.indirect.gather [hbm4b:s4+s22], $0x80, s0, s22, $0xb8;
	[tilespmem:$0x1C480] =	vst v63  }
0x6b: {  	_ =	swait.ge [sflag:s25], $0x4000  }
0x6c: {  	[sflag:s25] =	ssyncset.done $0x0  }
0x6d: {  	[sflag:s25] =	ssyncadd.s32 $0xFFFFC000  }
0x6e: {  	[spmem:s1] =	stream.indirect.scatter.add.f32 [tilespmem:s18], [sflag:$0x3], $0x80, s2, s22, $0xb8;
	[tilespmem:$0x1C480] =	vst v63  }
0x6f: {  	_ =	swait.ge [sflag:s26], $0x4000  }
0x70: {  	[sflag:s26] =	ssyncset.done $0x0  }
0x71: {  	[sflag:s26] =	ssyncadd.s32 $0xFFFFC000  }
0x72: {  	[tilespmem:s18], [sflag:$0x1] =	stream.indirect.gather [hbm4b:s4+s22], $0x80, s11, s22, $0xb8;
	[tilespmem:$0x1C480] =	vst v63  }
0x73: {  	_ =	swait.ge [sflag:s29], $0x4000  }
0x74: {  	[sflag:s29] =	ssyncset.done $0x0  }
0x75: {  	[sflag:s29] =	ssyncadd.s32 $0xFFFFC000  }
0x76: {  	[spmem:s1] =	stream.indirect.scatter.add.f32 [tilespmem:s24], [sflag:$0x4], $0x80, s12, s22, $0xb8;
	[tilespmem:$0x1C480] =	vst v63  }
0x77: {  	_ =	swait.ge [sflag:s31], $0x4000  }
0x78: {  	[sflag:s31] =	ssyncset.done $0x0  }
0x79: {  	[sflag:s31] =	ssyncadd.s32 $0xFFFFC000  }
0x7a: {  	[tilespmem:s24], [sflag:$0x2] =	stream.indirect.gather [hbm4b:s4+s22], $0x80, s13, s22, $0xb8;
	[tilespmem:$0x1C480] =	vst v63  }
0x7b: {  	_ =	swait.ge [sflag:s25], $0x4000  }
0x7c: {  	[sflag:s25] =	ssyncset.done $0x0  }
0x7d: {  	[sflag:s25] =	ssyncadd.s32 $0xFFFFC000  }
0x7e: {  	[spmem:s1] =	stream.indirect.scatter.add.f32 [tilespmem:s18], [sflag:$0x3], $0x80, s14, s22, $0xb8;
	[tilespmem:$0x1C480] =	vst v63  }
0x7f: {  	_ =	swait.ge [sflag:s26], $0x4000  }
0x80: {  	[sflag:s26] =	ssyncset.done $0x0  }
0x81: {  	[sflag:s26] =	ssyncadd.s32 $0xFFFFC000  }
0x82: {  	[tilespmem:s18], [sflag:$0x1] =	stream.indirect.gather [hbm4b:s4+s22], $0x80, s15, s22, $0xb8;
	[tilespmem:$0x1C480] =	vst v63  }
0x83: {  	_ =	swait.ge [sflag:s29], $0x4000  }
0x84: {  	[sflag:s29] =	ssyncset.done $0x0  }
0x85: {  	[sflag:s29] =	ssyncadd.s32 $0xFFFFC000  }
0x86: {  	[spmem:s1] =	stream.indirect.scatter.add.f32 [tilespmem:s24], [sflag:$0x4], $0x80, s16, s22, $0xb8;
	[tilespmem:$0x1C480] =	vst v63  }
0x87: {  	_ =	swait.ge [sflag:s31], $0x4000  }
0x88: {  	[sflag:s31] =	ssyncset.done $0x0  }
0x89: {  	[sflag:s31] =	ssyncadd.s32 $0xFFFFC000  }
0x8a: {  	[tilespmem:s24], [sflag:$0x2] =	stream.indirect.gather [hbm4b:s4+s22], $0x80, s17, s22, $0xb8;
	[tilespmem:$0x1C480] =	vst v63  }
0x8b: {  	_ =	swait.ge [sflag:s25], $0x4000  }
0x8c: {  	[sflag:s25] =	ssyncset.done $0x0  }
0x8d: {  	[sflag:s25] =	ssyncadd.s32 $0xFFFFC000  }
0x8e: {  	[spmem:s1] =	stream.indirect.scatter.add.f32 [tilespmem:s18], [sflag:$0x3], $0x80, s5, s22, $0xb8;
	[tilespmem:$0x1C480] =	vst v63  }
0x8f: {  	_ =	swait.ge [sflag:s29], $0x4000  }
0x90: {  	[sflag:s29] =	ssyncset.done $0x0  }
0x91: {  	[sflag:s29] =	ssyncadd.s32 $0xFFFFC000  }
0x92: {  	[spmem:s1] =	stream.indirect.scatter.add.f32 [tilespmem:s24], [sflag:$0x4], $0x80, s6, s22, $0xb8;
	[tilespmem:$0x1C480] =	vst v63  }
0x93: {  	_ =	swait.ge [sflag:s26], $0x4000  }
0x94: {  	[sflag:s26] =	ssyncset.done $0x0  }
0x95: {  	[sflag:s26] =	ssyncadd.s32 $0xFFFFC000  }
0x96: {  	_ =	swait.ge [sflag:s31], $0x4000  }
0x97: {  	s8 =	simm.s32 $0x80;
	[sflag:s31] =	ssyncset.done $0x0  }
.LBB2_4:
0x98: {  	s9 =	rddreg [dreg:$0x5];
	s10 =	smov.u32 s8  }
0x99: {  	[sflag:s31] =	ssyncadd.s32 $0xFFFFC000;
	s9 =	sadd.s32 s10, s9  }
0x9a: {  	[tilespmem:s20], [sflag:$0x5] =	stream.linear.gather [hbm4b:s9+s3], $0x400, $0x38;
	[tilespmem:$0x1C480] =	vst v63  }
0x9b: {  	_ =	swait.ge [sflag:s19], $0x400  }
0x9c: {  	s7 =	rddreg [dreg:$0x4];
	[sflag:s19] =	ssyncset.done $0x0  }
0x9d: {  	[sflag:s19] =	ssyncadd.s32 $0xFFFFFC00;
	s9 =	sadd.s32 s10, s7  }
0x9e: {  	[tilespmem:s21], [sflag:$0x5] =	stream.linear.gather [hbm4b:s9+s3], $0x400, $0x38;
	[tilespmem:$0x1C480] =	vst v63  }
0x9f: {  	_ =	swait.ge [sflag:s19], $0x400  }
0xa0: {  	[sflag:s19] =	ssyncset.done $0x0  }
0xa1: {  	[sflag:s19] =	ssyncadd.s32 $0xFFFFFC00  }
0xa2: {  	[tilespmem:s18], [sflag:$0x1] =	stream.indirect.gather [hbm4b:s4+s22], $0x80, s20, s22, $0xb8;
	[tilespmem:$0x1C480] =	vst v63  }
0xa3: {  	_ = 	snop  }
0xa4: {  	[tilespmem:s24], [sflag:$0x2] =	stream.indirect.gather [hbm4b:s4+s22], $0x80, s23, s22, $0xb8;
	[tilespmem:$0x1C480] =	vst v63  }
0xa5: {  	_ =	swait.ge [sflag:s25], $0x4000  }
0xa6: {  	[sflag:s25] =	ssyncset.done $0x0  }
0xa7: {  	[sflag:s25] =	ssyncadd.s32 $0xFFFFC000  }
0xa8: {  	[spmem:s1] =	stream.indirect.scatter.add.f32 [tilespmem:s18], [sflag:$0x3], $0x80, s21, s22, $0xb8;
	[tilespmem:$0x1C480] =	vst v63  }
0xa9: {  	_ =	swait.ge [sflag:s26], $0x4000  }
0xaa: {  	[sflag:s26] =	ssyncset.done $0x0  }
0xab: {  	[sflag:s26] =	ssyncadd.s32 $0xFFFFC000  }
0xac: {  	[tilespmem:s18], [sflag:$0x1] =	stream.indirect.gather [hbm4b:s4+s22], $0x80, s28, s22, $0xb8;
	[tilespmem:$0x1C480] =	vst v63  }
0xad: {  	_ =	swait.ge [sflag:s29], $0x4000  }
0xae: {  	[sflag:s29] =	ssyncset.done $0x0  }
0xaf: {  	[sflag:s29] =	ssyncadd.s32 $0xFFFFC000  }
0xb0: {  	[spmem:s1] =	stream.indirect.scatter.add.f32 [tilespmem:s24], [sflag:$0x4], $0x80, s30, s22, $0xb8;
	[tilespmem:$0x1C480] =	vst v63  }
0xb1: {  	_ =	swait.ge [sflag:s31], $0x4000  }
0xb2: {  	[sflag:s31] =	ssyncset.done $0x0  }
0xb3: {  	[sflag:s31] =	ssyncadd.s32 $0xFFFFC000  }
0xb4: {  	[tilespmem:s24], [sflag:$0x2] =	stream.indirect.gather [hbm4b:s4+s22], $0x80, s0, s22, $0xb8;
	[tilespmem:$0x1C480] =	vst v63  }
0xb5: {  	_ =	swait.ge [sflag:s25], $0x4000  }
0xb6: {  	[sflag:s25] =	ssyncset.done $0x0  }
0xb7: {  	[sflag:s25] =	ssyncadd.s32 $0xFFFFC000  }
0xb8: {  	[spmem:s1] =	stream.indirect.scatter.add.f32 [tilespmem:s18], [sflag:$0x3], $0x80, s2, s22, $0xb8;
	[tilespmem:$0x1C480] =	vst v63  }
0xb9: {  	_ =	swait.ge [sflag:s26], $0x4000  }
0xba: {  	[sflag:s26] =	ssyncset.done $0x0  }
0xbb: {  	[sflag:s26] =	ssyncadd.s32 $0xFFFFC000  }
0xbc: {  	[tilespmem:s18], [sflag:$0x1] =	stream.indirect.gather [hbm4b:s4+s22], $0x80, s11, s22, $0xb8;
	[tilespmem:$0x1C480] =	vst v63  }
0xbd: {  	_ =	swait.ge [sflag:s29], $0x4000  }
0xbe: {  	[sflag:s29] =	ssyncset.done $0x0  }
0xbf: {  	[sflag:s29] =	ssyncadd.s32 $0xFFFFC000  }
0xc0: {  	[spmem:s1] =	stream.indirect.scatter.add.f32 [tilespmem:s24], [sflag:$0x4], $0x80, s12, s22, $0xb8;
	[tilespmem:$0x1C480] =	vst v63  }
0xc1: {  	_ =	swait.ge [sflag:s31], $0x4000  }
0xc2: {  	[sflag:s31] =	ssyncset.done $0x0  }
0xc3: {  	[sflag:s31] =	ssyncadd.s32 $0xFFFFC000  }
0xc4: {  	[tilespmem:s24], [sflag:$0x2] =	stream.indirect.gather [hbm4b:s4+s22], $0x80, s13, s22, $0xb8;
	[tilespmem:$0x1C480] =	vst v63  }
0xc5: {  	_ =	swait.ge [sflag:s25], $0x4000  }
0xc6: {  	[sflag:s25] =	ssyncset.done $0x0  }
0xc7: {  	[sflag:s25] =	ssyncadd.s32 $0xFFFFC000  }
0xc8: {  	[spmem:s1] =	stream.indirect.scatter.add.f32 [tilespmem:s18], [sflag:$0x3], $0x80, s14, s22, $0xb8;
	[tilespmem:$0x1C480] =	vst v63  }
0xc9: {  	_ =	swait.ge [sflag:s26], $0x4000  }
0xca: {  	[sflag:s26] =	ssyncset.done $0x0  }
0xcb: {  	[sflag:s26] =	ssyncadd.s32 $0xFFFFC000  }
0xcc: {  	[tilespmem:s18], [sflag:$0x1] =	stream.indirect.gather [hbm4b:s4+s22], $0x80, s15, s22, $0xb8;
	[tilespmem:$0x1C480] =	vst v63  }
0xcd: {  	_ =	swait.ge [sflag:s29], $0x4000  }
0xce: {  	[sflag:s29] =	ssyncset.done $0x0  }
0xcf: {  	[sflag:s29] =	ssyncadd.s32 $0xFFFFC000  }
0xd0: {  	[spmem:s1] =	stream.indirect.scatter.add.f32 [tilespmem:s24], [sflag:$0x4], $0x80, s16, s22, $0xb8;
	[tilespmem:$0x1C480] =	vst v63  }
0xd1: {  	_ =	swait.ge [sflag:s31], $0x4000  }
0xd2: {  	[sflag:s31] =	ssyncset.done $0x0  }
0xd3: {  	[sflag:s31] =	ssyncadd.s32 $0xFFFFC000  }
0xd4: {  	[tilespmem:s24], [sflag:$0x2] =	stream.indirect.gather [hbm4b:s4+s22], $0x80, s17, s22, $0xb8;
	[tilespmem:$0x1C480] =	vst v63  }
0xd5: {  	_ =	swait.ge [sflag:s25], $0x4000  }
0xd6: {  	[sflag:s25] =	ssyncset.done $0x0  }
0xd7: {  	[sflag:s25] =	ssyncadd.s32 $0xFFFFC000  }
0xd8: {  	[spmem:s1] =	stream.indirect.scatter.add.f32 [tilespmem:s18], [sflag:$0x3], $0x80, s5, s22, $0xb8;
	[tilespmem:$0x1C480] =	vst v63  }
0xd9: {  	_ =	swait.ge [sflag:s29], $0x4000  }
0xda: {  	[sflag:s29] =	ssyncset.done $0x0  }
0xdb: {  	p1 =	sne.s32 s8, $0x480;
	[sflag:s29] =	ssyncadd.s32 $0xFFFFC000  }
0xdc: {  	[spmem:s1] =	stream.indirect.scatter.add.f32 [tilespmem:s24], [sflag:$0x4], $0x80, s6, s22, $0xb8;
	[tilespmem:$0x1C480] =	vst v63  }
.Ltmp1:
0xdd: {  	_ =	swait.ge [sflag:s26], $0x4000;
	(pc) =	sbr.rel @p1 .LBB2_4-.Ltmp1, $4  }
0xde: {  	[sflag:s26] =	ssyncset.done $0x0  }
0xdf: {  	[sflag:s26] =	ssyncadd.s32 $0xFFFFC000  }
0xe0: {  	_ =	swait.ge [sflag:s31], $0x4000  }
0xe1: {  	s8 =	sadd.s32 $0x80, s8;
	[sflag:s31] =	ssyncset.done $0x0  }
0xe2: {  	[sflag:s31] =	ssyncadd.s32 $0xFFFFC000  }
0xe3: {  	s8 =	stileid.u32;
	[bflag:$0x0] =	sbarrier.arrive $0xFFFF  }
0xe4: {  	s8 =	sshll.u32 s8, $0x6;
	s10 =	rddreg [dreg:$0x6]  }
0xe5: {  	s8 =	sor.u32 $0x1C05, s8;
	s7 =	rddreg [dreg:$0xc];
	s9 =	sshrl.u32 s10, $0x3  }
0xe6: {  	[hbm:s7], [sflag:s8] =	dma.local [spmem:s9], $0x800  }
0xe7: {  	_ =	swait.ge [sflag:s19], $0x800  }
0xe8: {  	[sflag:s19] =	ssyncset.done $0x0;
	s7 =	rddreg [dreg:$0x7]  }
0xe9: {  	[sflag:s19] =	ssyncadd.s32 $0xFFFFF800;
	s9 =	sshrl.u32 s7, $0x3;
	s7 =	rddreg [dreg:$0xd]  }
0xea: {  	[hbm:s7], [sflag:s8] =	dma.local [spmem:s9], $0x800  }
0xeb: {  	_ =	swait.ge [sflag:s19], $0x800  }
0xec: {  	[sflag:s19] =	ssyncset.done $0x0;
	s7 =	rddreg [dreg:$0x8]  }
0xed: {  	[sflag:s19] =	ssyncadd.s32 $0xFFFFF800;
	s9 =	sshrl.u32 s7, $0x3;
	s7 =	rddreg [dreg:$0xe]  }
0xee: {  	[hbm:s7], [sflag:s8] =	dma.local [spmem:s9], $0x800  }
0xef: {  	_ =	swait.ge [sflag:s19], $0x800  }
0xf0: {  	[sflag:s19] =	ssyncset.done $0x0;
	s7 =	rddreg [dreg:$0x9]  }
0xf1: {  	[sflag:s19] =	ssyncadd.s32 $0xFFFFF800;
	s9 =	sshrl.u32 s7, $0x3;
	s7 =	rddreg [dreg:$0xf]  }
0xf2: {  	[hbm:s7], [sflag:s8] =	dma.local [spmem:s9], $0x800  }
0xf3: {  	_ =	swait.ge [sflag:s19], $0x800  }
0xf4: {  	[sflag:s19] =	ssyncset.done $0x0;
	s7 =	rddreg [dreg:$0xa]  }
0xf5: {  	[sflag:s19] =	ssyncadd.s32 $0xFFFFF800;
	s9 =	sshrl.u32 s7, $0x3;
	s7 =	rddreg [dreg:$0x10]  }
0xf6: {  	[hbm:s7], [sflag:s8] =	dma.local [spmem:s9], $0x700  }
0xf7: {  	_ =	swait.ge [sflag:s19], $0x700  }
0xf8: {  	[sflag:s19] =	ssyncset.done $0x0;
	s9 =	rddreg [dreg:$0xb]  }
0xf9: {  	s7 =	rddreg [dreg:$0x11];
	[sflag:s19] =	ssyncadd.s32 $0xFFFFF900;
	s9 =	sshrl.u32 @!p0 s9, $0x3  }
0xfa: {  	[hbm:s7], [sflag:s8] =	dma.local @!p0 [spmem:s9], $0x100  }
0xfb: {  	s8 =	simm.s32 @!p0 $0x5  }
0xfc: {  	_ =	swait.ge @!p0 [sflag:s8], $0x100  }
0xfd: {  	s7 =	rddreg [dreg:$0x13]  }
0xfe: {  	s9 =	sadd.s32 $0x1, s7;
	s7 =	rddreg [dreg:$0x12]  }
0xff: {  	p1 =	sne.s32 s9, s7  }
.Ltmp2:
0x100: {  	_ = 	snop;
	(pc) =	sbr.rel @p1 .LBB2_1-.Ltmp2, $3  }
0x101: {  	_ =	sdelay $0x1  }
0x102: {  	[sflag:s8] =	ssyncset.done @!p0 $0x0  }
0x103: {  	[sflag:s8] =	ssyncadd.s32 @!p0 $0xFFFFFF00  }
0x104: {  	_ =	sfence.sel $0x180000  }
0x105: {  	[bflag:$0x0] =	sbarrier.arrive $0xFFFF  }
0x106: {  	_ =	strace $0x9000004A  }
0x107: {  	s0 =	stileid.u32;
	[bflag:$0x2] =	sbarrier.arrive $0xFFFF  }
0x108: {  	p0 =	sne.s32 s0, $0x0;
	s0 =	rddreg [dreg:$0x3]  }
0x109: {  	s0 =	sadd.s32 @!p0 $0x100000, s0  }
0x10a: {  	[sflag:s0] =	ssyncadd.tile.s32 @!p0 $0x1;
	_ =	shalt  }
.Lfunc_end2:
_tile_overlayer_lowered:
.L_overlay_start_2:
0x10b: {  	(tag) =	ssettag $0x2  }
0x10c: {  	s0 =	rddreg [dreg:$0x0];
	s2 =	stileid.u32  }
0x10d: {  	s1 =	rddreg [dreg:$0x1];
	p0 =	sne.s32 s2, $0x0  }
0x10e: {  	s3 =	rddreg [dreg:$0x2];
	[bflag:$0x3] =	sbarrier.arrive $0xFFFF;
	s2 =	simm.s32 @!p0 $0x1C05  }
0x10f: {  	[timem:s3], [sflag:s2] =	dma.local @!p0 [hbm:s0], s1  }
0x110: {  	s0 =	simm.s32 @!p0 $0x5  }
0x111: {  	_ =	swait.ge @!p0 [sflag:s0], s1  }
0x112: {  	s1 =	ssub.s32 @!p0 $0x0, s1;
	[sflag:s0] =	ssyncset.done @!p0 $0x0  }
0x113: {  	[sflag:s0] =	ssyncadd.s32 @!p0 s1  }
0x114: {  	[bflag:$0x3] =	sbarrier.arrive $0xFFFF  }
0x115: {  	_ =	shalt  }

// kernel: kernel.7.cloned.1.call-start
scs
__scs_entry_jumppad:
0x0: {  	(pc) =	sbr.rel $0x88, $3  }
0x1: {  	(tag) =	ssettag $0x0;
	lr =	simm.s32 $0x1  }
0x2: {  	[smem:$0x3F86] =	sst lr;
	_ =	strace $0xD0000000  }
0x3: {  	_ = 	snop  }
0x4: {  	_ = 	snop  }
0x5: {  	_ = 	snop  }
0x6: {  	_ = 	snop  }
0x7: {  	_ = 	snop  }
__scs_overlays_trampoline_lowered:
0x8: {  	[smem:$0x3F95] =	sst s0  }
0x9: {  	[smem:$0x3F96] =	sst s1  }
0xa: {  	[smem:$0x3F97] =	sst s2  }
0xb: {  	[smem:$0x3F98] =	sst s3  }
0xc: {  	[smem:$0x3F99] =	sst s4  }
0xd: {  	[smem:$0x3F9A] =	sst s5  }
0xe: {  	[smem:$0x3F9B] =	sst s6  }
0xf: {  	[smem:$0x3F9C] =	sst s7  }
0x10: {  	[smem:$0x3F9D] =	sst s8  }
0x11: {  	[smem:$0x3F9E] =	sst s9;
	s0 =	simm.s32 @!p0 $0x0  }
0x12: {  	s1 =	sld [smem:$0x3F84];
	s0 =	simm.s32 @p0 $0x1  }
0x13: {  	[smem:$0x3F9F] =	sst s0;
	s0 =	simm.s32 @!p1 $0x0  }
0x14: {  	s2 =	sld [smem:$0x3F83];
	s0 =	simm.s32 @p1 $0x1  }
0x15: {  	[smem:$0x3FA0] =	sst s0;
	s0 =	simm.s32 @!p2 $0x0  }
0x16: {  	s3 =	sld [smem:$0x3FDB];
	s0 =	simm.s32 @p2 $0x1  }
0x17: {  	s4 =	simm.s32 $0x1BF5;
	[smem:$0x3FA2] =	sst s0  }
0x18: {  	s0 =	sld [smem:$0x3F85];
	_ =	swait.ge [sflag:s4], $0x0  }
0x19: {  	s7 =	sld [smem:$0x3F86]  }
0x1a: {  	s8 =	sadd.s32 $0xFFFFE003, lr  }
0x1b: {  	s9 =	sadd.s32 $0xFFFFFEF7, lr;
	s5 =	simm.s32 $0xFFFFFFFF;
	p2 =	slt.u32 s8, $0xFFFFF086  }
0x1c: {  	p1 =	slt.u32 s9, $0xF7A;
	s5 =	simm.s32 @!p2 $0x0  }
0x1d: {  	s5 =	simm.s32 @p1 $0x1;
	p0 =	seq.s32 s7, s2  }
0x1e: {  	s7 =	smul.u32 @!p0 $0xF7A, s2;
	p2 =	seq.s32 @!p0 s5, $0x0  }
0x1f: {  	s9 =	smul.u32 $0xF7A, s1;
	s8 =	simm.s32 @!p0 $0x1BF5;
	p2 =	por !p2, p0  }
0x20: {  	[sflag:s8] =	ssyncset.s32 @!p0 $0xFFFFF086;
	s6 =	sadd.s32 @!p0 s3, s7;
	s7 =	simm.s32 @!p0 $0x108  }
0x21: {  	s3 =	sadd.s32 s3, s9;
	s6 =	sadd.s32 @!p0 $0x88, s6;
	s7 =	simm.s32 @p2 $0x1082  }
0x22: {  	[simem:s7], [sflag:s8] =	dma.local @!p0 [hbm:s6], $0xF7A  }
0x23: {  	s9 =	sor.u32 $0xD0000000, s2;
	s6 =	simm.s32 $0x108;
	_ =	swait.ge @!p0 [sflag:s8], $0x0  }
0x24: {  	s3 =	sadd.s32 $0x88, s3;
	s6 =	simm.s32 @!p1 $0x1082;
	[sflag:s4] =	ssyncset.s32 $0xFFFFF086  }
0x25: {  	[simem:s6], [sflag:s4] =	dma.local [hbm:s3], $0xF7A  }
0x26: {  	[smem:$0x3F86] =	sst s1;
	(tag) =	ssettag s2;
	_ =	strace s9  }
0x27: {  	s1 =	sld [smem:$0x3F96]  }
0x28: {  	s2 =	sld [smem:$0x3F97]  }
0x29: {  	s4 =	sld [smem:$0x3F99]  }
0x2a: {  	p0 =	seq.s32 s5, $0x0;
	s5 =	sld [smem:$0x3F9A]  }
0x2b: {  	s6 =	sld [smem:$0x3F9B]  }
0x2c: {  	s7 =	sld [smem:$0x3F9C]  }
0x2d: {  	s3 =	simm.s32 $0x108;
	s8 =	sld [smem:$0x3F9D]  }
0x2e: {  	s3 =	simm.s32 @!p0 $0x1082;
	s9 =	sld [smem:$0x3F9E]  }
0x2f: {  	lr =	sadd.s32 s0, s3;
	s0 =	sld [smem:$0x3F95]  }
0x30: {  	s3 =	sld [smem:$0x3F98]  }
0x31: {  	[smem:$0x3FA1] =	sst s10  }
0x32: {  	s10 =	sld [smem:$0x3F9F];
	_ =	sdelay $0x3  }
0x33: {  	p0 =	seq.s32 s10, $0x1;
	s10 =	sld [smem:$0x3FA1];
	_ =	sdelay $0x3  }
0x34: {  	[smem:$0x3FA1] =	sst s10  }
0x35: {  	s10 =	sld [smem:$0x3FA0];
	_ =	sdelay $0x3  }
0x36: {  	p1 =	seq.s32 s10, $0x1;
	s10 =	sld [smem:$0x3FA1];
	_ =	sdelay $0x3  }
0x37: {  	[smem:$0x3FA1] =	sst s10  }
0x38: {  	s10 =	sld [smem:$0x3FA2]  }
0x39: {  	_ = 	snop;
	(pc) =	sbr.ind lr, $3  }
0x3a: {  	_ = 	snop  }
0x3b: {  	_ = 	snop  }
0x3c: {  	p2 =	seq.s32 s10, $0x1;
	s10 =	sld [smem:$0x3FA1]  }
0x3d: {  	_ =	shalt  }
0x3e: {  	_ =	shalt  }
0x3f: {  	_ =	shalt  }
0x40: {  	_ =	shalt  }
0x41: {  	_ =	shalt  }
0x42: {  	_ =	shalt  }
0x43: {  	_ =	shalt  }
0x44: {  	_ =	shalt  }
0x45: {  	_ =	shalt  }
0x46: {  	_ =	shalt  }
0x47: {  	_ =	shalt  }
0x48: {  	_ =	shalt  }
0x49: {  	_ =	shalt  }
0x4a: {  	_ =	shalt  }
0x4b: {  	_ =	shalt  }
0x4c: {  	_ =	shalt  }
0x4d: {  	_ =	shalt  }
0x4e: {  	_ =	shalt  }
0x4f: {  	_ =	shalt  }
0x50: {  	_ =	shalt  }
0x51: {  	_ =	shalt  }
0x52: {  	_ =	shalt  }
0x53: {  	_ =	shalt  }
0x54: {  	_ =	shalt  }
0x55: {  	_ =	shalt  }
0x56: {  	_ =	shalt  }
0x57: {  	_ =	shalt  }
0x58: {  	_ =	shalt  }
0x59: {  	_ =	shalt  }
0x5a: {  	_ =	shalt  }
0x5b: {  	_ =	shalt  }
0x5c: {  	_ =	shalt  }
0x5d: {  	_ =	shalt  }
0x5e: {  	_ =	shalt  }
0x5f: {  	_ =	shalt  }
0x60: {  	_ =	shalt  }
0x61: {  	_ =	shalt  }
0x62: {  	_ =	shalt  }
0x63: {  	_ =	shalt  }
0x64: {  	_ =	shalt  }
0x65: {  	_ =	shalt  }
0x66: {  	_ =	shalt  }
0x67: {  	_ =	shalt  }
0x68: {  	_ =	shalt  }
0x69: {  	_ =	shalt  }
0x6a: {  	_ =	shalt  }
0x6b: {  	_ =	shalt  }
0x6c: {  	_ =	shalt  }
0x6d: {  	_ =	shalt  }
0x6e: {  	_ =	shalt  }
0x6f: {  	_ =	shalt  }
0x70: {  	_ =	shalt  }
0x71: {  	_ =	shalt  }
0x72: {  	_ =	shalt  }
0x73: {  	_ =	shalt  }
0x74: {  	_ =	shalt  }
0x75: {  	_ =	shalt  }
0x76: {  	_ =	shalt  }
0x77: {  	_ =	shalt  }
0x78: {  	_ =	shalt  }
0x79: {  	_ =	shalt  }
0x7a: {  	_ =	shalt  }
0x7b: {  	_ =	shalt  }
0x7c: {  	_ =	shalt  }
0x7d: {  	_ =	shalt  }
0x7e: {  	_ =	shalt  }
0x7f: {  	_ =	shalt  }
0x80: {  	_ =	shalt  }
0x81: {  	_ =	shalt  }
0x82: {  	_ =	shalt  }
0x83: {  	_ =	shalt  }
0x84: {  	_ =	shalt  }
0x85: {  	_ =	shalt  }
0x86: {  	_ =	shalt  }
0x87: {  	_ =	shalt  }
.Lfunc_end0:
.L_simem_size_0:
called_computation_lowered:
.L_overlay_start_0:
0x88: {  	s2 =	sld [smem:$0x3FD9]  }
0x89: {  	s3 =	sld [smem:$0x3FFE];
	_ =	sdelay $0x1  }
0x8a: {  	s1 =	srdreg.scid  }
0x8b: {  	s0 =	sand.u32 $0x1, s1  }
0x8c: {  	s14 =	sshll.u32 s0, $0xA;
	s2 =	sadd.s32 s3, s2  }
0x8d: {  	s2 =	sadd.s32 s2, s14  }
0x8e: {  	[smem:$0x3FAD] =	sst s2  }
0x8f: {  	_ = 	snop  }
0x90: {  	s2 =	sld [smem:$0x3FD0];
	_ =	sdelay $0x2  }
0x91: {  	s15 =	simm.s32 $0xA;
	s4 =	simm.s32 $0x10  }
0x92: {  	[smem:s4], [sflag:s15] =	dma.local [hbm:s2], $0x1  }
0x93: {  	_ =	swait.eq [sflag:s15], $0x1  }
0x94: {  	[sflag:s15] =	ssyncset.done $0x0  }
0x95: {  	[sflag:s15] =	ssyncadd.s32 $0xFFFFFFFF  }
0x96: {  	s16 =	sld [smem:$0x12];
	(tm) =	ssettm $0x1  }
0x97: {  	s17 =	sld [smem:$0x3FFB];
	_ =	sdelay $0x3  }
0x98: {  	_ =	strace s17  }
0x99: {  	s3 =	sld [smem:$0x3FFC];
	_ =	sdelay $0x3  }
0x9a: {  	_ =	strace s3  }
0x9b: {  	s3 =	sld [smem:$0x3FFD];
	_ =	sdelay $0x3  }
0x9c: {  	_ =	strace s3  }
0x9d: {  	_ =	strace $0x8FFFFFFF  }
0x9e: {  	s18 =	sld [smem:$0x3FDB];
	_ =	sdelay $0x1  }
0x9f: {  	s19 =	simm.s32 $_scs_section_size  }
0xa0: {  	s5 =	simm.s32 $_size__tile_overlayer_lowered;
	s6 =	simm.s32 $_tile_overlayer_lowered  }
0xa1: {  	s22 =	simm.s32 $0x1BFF;
	s21 =	sshll.u32 s6, $0x1;
	s3 =	sadd.s32 s19, s18  }
0xa2: {  	s7 =	simm.s32 $0x0;
	s20 =	sshll.u32 s5, $0x1;
	s5 =	sadd.s32 s21, s3  }
0xa3: {  	[timem:s7], [sflag:s22] =	dma.local [hbm:s5], s20  }
0xa4: {  	_ =	swait.ge [sflag:s22], s20  }
0xa5: {  	s4 =	ssub.s32 $0x0, s20;
	[sflag:s22] =	ssyncset.done $0x0  }
0xa6: {  	[sflag:s22] =	ssyncadd.s32 s4;
	_ =	sdelay $0x1  }
0xa7: {  	s23 =	simm.s32 $0x1B8B  }
0xa8: {  	_ =	swait.ge [sflag:s23], $0x1  }
0xa9: {  	[sflag:s23] =	ssyncset.done $0x0  }
0xaa: {  	s25 =	simm.s32 $0x1B8E;
	s24 =	sld [smem:$0x3FFE];
	[sflag:s23] =	ssyncadd.s32 $0xFFFFFFFF  }
0xab: {  	s26 =	simm.s32 $execute0_lowered;
	[smem:$0x3FD2] =	sst s25  }
0xac: {  	s5 =	sshll.u32 s26, $0x1;
	_ =	strace $0x80000046;
	[dreg:$0x1] =	wrdreg $0xFFFFFFFF  }
0xad: {  	s28 =	simm.s32 $_size_execute0_lowered;
	s3 =	sadd.s32 s3, s5;
	[dreg:$0x0] =	wrdreg $0x0  }
0xae: {  	s5 =	sshll.u32 s28, $0x1;
	[dreg:$0x2] =	wrdreg s3  }
0xaf: {  	[dreg:$0x3] =	wrdreg s5  }
0xb0: {  	[dreg:$0x4] =	wrdreg $0xC0  }
0xb1: {  	_ =	task [dreg:s7], $0x5FFFF  }
0xb2: {  	[dreg:$0x1] =	wrdreg $0xFFFFFFFF  }
0xb3: {  	[dreg:$0x0] =	wrdreg $0x60  }
0xb4: {  	[dreg:$0x2] =	wrdreg s24  }
0xb5: {  	[dreg:$0x3] =	wrdreg s16  }
0xb6: {  	[dreg:$0x4] =	wrdreg $0x0  }
0xb7: {  	[dreg:$0x5] =	wrdreg $0x9  }
0xb8: {  	_ =	task.clear_ibuf [dreg:s7], $0x6FFFF;
	_ =	strace $0x90000046  }
0xb9: {  	s29 =	simm.s32 $0x9;
	_ =	strace $0x80000048  }
0xba: {  	_ =	swait.ge [sflag:s29], $0x1  }
0xbb: {  	[sflag:s29] =	ssyncadd.s32 $0xFFFFFFFF  }
0xbc: {  	_ =	strace $0x90000048  }
0xbd: {  	_ =	sfence  }
0xbe: {  	s30 =	sld [smem:$0x0];
	_ =	sdelay $0x2  }
0xbf: {  	s31 =	sshll.u32 s1, $0xD;
	s1 =	sshrl.u32 s1, $0x2  }
0xc0: {  	s3 =	sand.u32 $0x4000, s31;
	s1 =	sadd.s32 s1, s30  }
0xc1: {  	s0 =	sor.u32 s3, s0;
	s1 =	sshll.u32 s1, $0x11  }
0xc2: {  	s0 =	sor.u32 s1, s0  }
0xc3: {  	s0 =	sadd.s32 $0x8F2B, s0  }
0xc4: {  	[sflag:s0] =	ssyncadd.remote.s32 $0x1  }
0xc5: {  	_ =	sfence.sel $0xFFFF  }
0xc6: {  	[dreg:$0x0] =	wrdreg $0xFFFFFFFF;
	(pc) =	sbr.abs _section_cstart, $3  }
0xc7: {  	[dreg:$0x1] =	wrdreg $0xFFFFFFFF  }
0xc8: {  	_ =	task.clear_ibuf [dreg:s7], $0x2FFFF;
	_ =	strace $0x9FFFFFFF  }
0xc9: {  	(tm) =	ssettm $0x7FFFFFFF  }
tec
execute0_lowered:
.L_overlay_start_1:
0x0: {  	(tag) =	ssettag $0x1  }
0x1: {  	s0 =	rddreg [dreg:$0x0]  }
0x2: {  	s2 =	rddreg [dreg:$0x1]  }
0x3: {  	s1 =	rddreg [dreg:$0x2]  }
0x4: {  	s3 =	srdreg.scid;
	s15 =	stileid.u32  }
0x5: {  	s28 =	simm.s32 $0x13D80;
	s29 =	simm.s32 $0x2;
	s30 =	simm.s32 $0x14100  }
0x6: {  	s31 =	simm.s32 $0x4;
	s5 =	sand.u32 $0x1, s3;
	s7 =	smul.u32 $0x4E000, s15  }
0x7: {  	s3 =	simm.s32 $0x0;
	s4 =	sadd.s32 $0x3E00, s0;
	s8 =	smul.u32 $0x13800, s15  }
0x8: {  	s17 =	sadd.s32 $0x138000, s1;
	s21 =	smul.u32 $0x500, s15;
	p0 =	sne.s32 s15, $0xF  }
0x9: {  	s15 =	simm.s32 $0x13F80;
	s6 =	smul.u32 $0x5000, s5;
	[smem:$0x7FF] =	sst s3  }
0xa: {  	s10 =	ssub.s32 $0x2, s5;
	s5 =	smul.u32 $0x138800, s5;
	_ =	strace $0x80000047  }
0xb: {  	s11 =	sshrl.u32 s10, $0x1;
	s7 =	sshrl.u32 s7, $0x2;
	s12 =	sadd.s32 $0x4000, s8  }
0xc: {  	s24 =	sadd.s32 $0x8000, s8;
	s13 =	sadd.s32 $0xC000, s8;
	s26 =	sadd.s32 $0x10000, s8  }
0xd: {  	[dreg:$0xb] =	wrdreg s17;
	s17 =	simm.s32 $0x14000;
	s9 =	sadd.s32 s6, s0  }
0xe: {  	s0 =	sadd.s32 $0xAA200, s0;
	s11 =	ssub.s32 s10, s11;
	s10 =	sadd.s32 s7, s1  }
0xf: {  	s23 =	sadd.s32 s12, s1;
	s14 =	sadd.s32 s24, s1;
	s25 =	sadd.s32 s13, s1  }
0x10: {  	s16 =	sadd.s32 s26, s1;
	s8 =	sadd.s32 s8, s5;
	s12 =	sadd.s32 s5, s12  }
0x11: {  	s7 =	sadd.s32 s5, s24;
	s19 =	sadd.s32 s5, s13;
	[dreg:$0x7] =	wrdreg s23  }
0x12: {  	s20 =	sadd.s32 s5, s26;
	s5 =	sshrl.u32 s5, $0x3;
	[dreg:$0x8] =	wrdreg s14  }
0x13: {  	s2 =	sadd.s32 s6, s2;
	s13 =	simm.s32 $0x13F00;
	[dreg:$0x9] =	wrdreg s25  }
0x14: {  	s6 =	simm.s32 $0x14400;
	[dreg:$0xa] =	wrdreg s16;
	s8 =	sshrl.u32 s8, $0x3  }
0x15: {  	s18 =	sshrl.u32 s12, $0x3;
	s7 =	sshrl.u32 s7, $0x3;
	s22 =	sshrl.u32 s20, $0x3  }
0x16: {  	s23 =	sadd.s32 s21, s9;
	s25 =	smax.u32 s11, $0x1;
	s26 =	sadd.s32 s21, s2  }
0x17: {  	s20 =	simm.s32 $0x13C80;
	s21 =	simm.s32 $0x14080;
	s2 =	simm.s32 $0x14180  }
0x18: {  	s11 =	simm.s32 $0x13E80;
	s12 =	simm.s32 $0x14200;
	s14 =	simm.s32 $0x14280  }
0x19: {  	s16 =	simm.s32 $0x14300;
	s9 =	simm.s32 $0x0;
	[dreg:$0x6] =	wrdreg s10  }
0x1a: {  	s8 =	sadd.s32 s0, s8;
	s7 =	sadd.s32 s0, s7;
	[dreg:$0x12] =	wrdreg s25  }
0x1b: {  	s24 =	sadd.s32 $0xA0200, s23;
	[dreg:$0x5] =	wrdreg s26;
	s23 =	simm.s32 $0x13D00  }
0x1c: {  	s25 =	simm.s32 $0x1;
	s26 =	simm.s32 $0x3;
	[dreg:$0xc] =	wrdreg s8  }
0x1d: {  	s8 =	sadd.s32 s0, s18;
	[dreg:$0xe] =	wrdreg s7;
	s7 =	sshrl.u32 s19, $0x3  }
0x1e: {  	[dreg:$0x4] =	wrdreg s24;
	s18 =	simm.s32 $0x14480;
	s19 =	simm.s32 $0x5  }
0x1f: {  	s24 =	simm.s32 $0x18480;
	[dreg:$0xd] =	wrdreg s8;
	s7 =	sadd.s32 s0, s7  }
0x20: {  	[dreg:$0xf] =	wrdreg s7;
	s7 =	sadd.s32 s0, s22;
	s0 =	sadd.s32 s0, s5  }
0x21: {  	s22 =	simm.s32 $0x80;
	[dreg:$0x10] =	wrdreg s7;
	s0 =	sadd.s32 $0x27000, s0  }
0x22: {  	v0 =	vimm.f32 $0.0e+00;
	s5 =	simm.s32 $0x14380;
	[dreg:$0x11] =	wrdreg s0;
	s0 =	simm.s32 $0x13E00  }
.LBB2_1:
0x23: {  	[dreg:$0x13] =	wrdreg s9;
	s8 =	simm.s32 $0x0;
	s9 =	simm.s32 $0x200  }
.LBB2_2:
0x24: {  	p1 =	sne.s32 s9, $0xFE00;
	[tilespmem:s8+$0x144F0] =	vst v0  }
0x25: {  	[tilespmem:s8+$0x14480] =	vst v0  }
0x26: {  	[tilespmem:s8+$0x14490] =	vst v0  }
.Ltmp0:
0x27: {  	[tilespmem:s8+$0x144A0] =	vst v0;
	(pc) =	sbr.rel @p1 .LBB2_2-.Ltmp0, $4  }
0x28: {  	[tilespmem:s8+$0x144B0] =	vst v0  }
0x29: {  	[tilespmem:s8+$0x144C0] =	vst v0  }
0x2a: {  	[tilespmem:s8+$0x144D0] =	vst v0  }
0x2b: {  	[tilespmem:s8+$0x144E0] =	vst v0;
	s8 =	sshra.s32 s9, $0x2;
	s9 =	sadd.s32 $0x200, s9  }
0x2c: {  	[tilespmem:s8+$0x144F0] =	vst v0  }
0x2d: {  	[tilespmem:s8+$0x14480] =	vst v0  }
0x2e: {  	[tilespmem:s8+$0x14490] =	vst v0  }
0x2f: {  	[tilespmem:s8+$0x144A0] =	vst v0  }
0x30: {  	[tilespmem:s8+$0x144B0] =	vst v0  }
0x31: {  	[tilespmem:s8+$0x144C0] =	vst v0  }
0x32: {  	[tilespmem:s8+$0x144D0] =	vst v0  }
0x33: {  	[tilespmem:s8+$0x144E0] =	vst v0  }
0x34: {  	[spmem:s10] =	stream.linear.scatter [tilespmem:s18], [sflag:$0x5], $0x4000, $0x38;
	[tilespmem:$0x1C480] =	vst v63  }
0x35: {  	_ =	swait.ge [sflag:s19], $0x4000  }
0x36: {  	[sflag:s19] =	ssyncset.done $0x0  }
0x37: {  	s7 =	rddreg [dreg:$0x7];
	[sflag:s19] =	ssyncadd.s32 $0xFFFFC000  }
0x38: {  	[spmem:s7] =	stream.linear.scatter [tilespmem:s18], [sflag:$0x5], $0x4000, $0x38;
	[tilespmem:$0x1C480] =	vst v63  }
0x39: {  	_ =	swait.ge [sflag:s19], $0x4000  }
0x3a: {  	[sflag:s19] =	ssyncset.done $0x0  }
0x3b: {  	s9 =	rddreg [dreg:$0x8];
	[sflag:s19] =	ssyncadd.s32 $0xFFFFC000  }
0x3c: {  	[spmem:s9] =	stream.linear.scatter [tilespmem:s18], [sflag:$0x5], $0x4000, $0x38;
	[tilespmem:$0x1C480] =	vst v63  }
0x3d: {  	_ =	swait.ge [sflag:s19], $0x4000  }
0x3e: {  	[sflag:s19] =	ssyncset.done $0x0  }
0x3f: {  	s10 =	rddreg [dreg:$0x9];
	[sflag:s19] =	ssyncadd.s32 $0xFFFFC000  }
0x40: {  	[spmem:s10] =	stream.linear.scatter [tilespmem:s18], [sflag:$0x5], $0x4000, $0x38;
	[tilespmem:$0x1C480] =	vst v63  }
0x41: {  	_ =	swait.ge [sflag:s19], $0x4000  }
0x42: {  	[sflag:s19] =	ssyncset.done $0x0  }
0x43: {  	s7 =	rddreg [dreg:$0xa];
	[sflag:s19] =	ssyncadd.s32 $0xFFFFC000  }
0x44: {  	[spmem:s7] =	stream.linear.scatter [tilespmem:s18], [sflag:$0x5], $0x3800, $0x38;
	[tilespmem:$0x1C480] =	vst v63  }
0x45: {  	_ =	swait.ge [sflag:s19], $0x3800  }
0x46: {  	[sflag:s19] =	ssyncset.done $0x0  }
0x47: {  	s8 =	simm.s32 @!p0 $0x14480;
	s9 =	rddreg [dreg:$0xb];
	[sflag:s19] =	ssyncadd.s32 $0xFFFFC800  }
0x48: {  	[spmem:s9] =	stream.linear.scatter @!p0 [tilespmem:s8], [sflag:$0x5], $0x800, $0x38;
	[tilespmem:$0x1C480] =	vst v63  }
0x49: {  	s8 =	simm.s32 @!p0 $0x5  }
0x4a: {  	_ =	swait.ge @!p0 [sflag:s8], $0x800  }
0x4b: {  	[sflag:s8] =	ssyncset.done @!p0 $0x0  }
0x4c: {  	[sflag:s8] =	ssyncadd.s32 @!p0 $0xFFFFF800  }
0x4d: {  	[bflag:$0x0] =	sbarrier.arrive $0xFFFF  }
0x4e: {  	s9 =	rddreg [dreg:$0x5]  }
0x4f: {  	s8 =	sadd.s32 $0x0, s9  }
0x50: {  	[tilespmem:s20], [sflag:$0x5] =	stream.linear.gather [hbm4b:s8+s3], $0x400, $0x38;
	[tilespmem:$0x1C480] =	vst v63  }
0x51: {  	_ =	swait.ge [sflag:s19], $0x400  }
0x52: {  	s10 =	rddreg [dreg:$0x4];
	[sflag:s19] =	ssyncset.done $0x0  }
0x53: {  	[sflag:s19] =	ssyncadd.s32 $0xFFFFFC00;
	s8 =	sadd.s32 $0x0, s10  }
0x54: {  	[tilespmem:s21], [sflag:$0x5] =	stream.linear.gather [hbm4b:s8+s3], $0x400, $0x38;
	[tilespmem:$0x1C480] =	vst v63  }
0x55: {  	_ =	swait.ge [sflag:s19], $0x400  }
0x56: {  	[sflag:s19] =	ssyncset.done $0x0  }
0x57: {  	[sflag:s19] =	ssyncadd.s32 $0xFFFFFC00  }
0x58: {  	[tilespmem:s18], [sflag:$0x1] =	stream.indirect.gather [hbm4b:s4+s22], $0x80, s20, s22, $0xb8;
	[tilespmem:$0x1C480] =	vst v63  }
0x59: {  	_ = 	snop  }
0x5a: {  	[tilespmem:s24], [sflag:$0x2] =	stream.indirect.gather [hbm4b:s4+s22], $0x80, s23, s22, $0xb8;
	[tilespmem:$0x1C480] =	vst v63  }
0x5b: {  	_ =	swait.ge [sflag:s25], $0x4000  }
0x5c: {  	[sflag:s25] =	ssyncset.done $0x0  }
0x5d: {  	[sflag:s25] =	ssyncadd.s32 $0xFFFFC000  }
0x5e: {  	[spmem:s1] =	stream.indirect.scatter.add.f32 [tilespmem:s18], [sflag:$0x3], $0x80, s21, s22, $0xb8;
	[tilespmem:$0x1C480] =	vst v63  }
0x5f: {  	_ =	swait.ge [sflag:s26], $0x4000  }
0x60: {  	[sflag:s26] =	ssyncset.done $0x0  }
0x61: {  	[sflag:s26] =	ssyncadd.s32 $0xFFFFC000  }
0x62: {  	[tilespmem:s18], [sflag:$0x1] =	stream.indirect.gather [hbm4b:s4+s22], $0x80, s28, s22, $0xb8;
	[tilespmem:$0x1C480] =	vst v63  }
0x63: {  	_ =	swait.ge [sflag:s29], $0x4000  }
0x64: {  	[sflag:s29] =	ssyncset.done $0x0  }
0x65: {  	[sflag:s29] =	ssyncadd.s32 $0xFFFFC000  }
0x66: {  	[spmem:s1] =	stream.indirect.scatter.add.f32 [tilespmem:s24], [sflag:$0x4], $0x80, s30, s22, $0xb8;
	[tilespmem:$0x1C480] =	vst v63  }
0x67: {  	_ =	swait.ge [sflag:s31], $0x4000  }
0x68: {  	[sflag:s31] =	ssyncset.done $0x0  }
0x69: {  	[sflag:s31] =	ssyncadd.s32 $0xFFFFC000  }
0x6a: {  	[tilespmem:s24], [sflag:$0x2] =	stream.indirect.gather [hbm4b:s4+s22], $0x80, s0, s22, $0xb8;
	[tilespmem:$0x1C480] =	vst v63  }
0x6b: {  	_ =	swait.ge [sflag:s25], $0x4000  }
0x6c: {  	[sflag:s25] =	ssyncset.done $0x0  }
0x6d: {  	[sflag:s25] =	ssyncadd.s32 $0xFFFFC000  }
0x6e: {  	[spmem:s1] =	stream.indirect.scatter.add.f32 [tilespmem:s18], [sflag:$0x3], $0x80, s2, s22, $0xb8;
	[tilespmem:$0x1C480] =	vst v63  }
0x6f: {  	_ =	swait.ge [sflag:s26], $0x4000  }
0x70: {  	[sflag:s26] =	ssyncset.done $0x0  }
0x71: {  	[sflag:s26] =	ssyncadd.s32 $0xFFFFC000  }
0x72: {  	[tilespmem:s18], [sflag:$0x1] =	stream.indirect.gather [hbm4b:s4+s22], $0x80, s11, s22, $0xb8;
	[tilespmem:$0x1C480] =	vst v63  }
0x73: {  	_ =	swait.ge [sflag:s29], $0x4000  }
0x74: {  	[sflag:s29] =	ssyncset.done $0x0  }
0x75: {  	[sflag:s29] =	ssyncadd.s32 $0xFFFFC000  }
0x76: {  	[spmem:s1] =	stream.indirect.scatter.add.f32 [tilespmem:s24], [sflag:$0x4], $0x80, s12, s22, $0xb8;
	[tilespmem:$0x1C480] =	vst v63  }
0x77: {  	_ =	swait.ge [sflag:s31], $0x4000  }
0x78: {  	[sflag:s31] =	ssyncset.done $0x0  }
0x79: {  	[sflag:s31] =	ssyncadd.s32 $0xFFFFC000  }
0x7a: {  	[tilespmem:s24], [sflag:$0x2] =	stream.indirect.gather [hbm4b:s4+s22], $0x80, s13, s22, $0xb8;
	[tilespmem:$0x1C480] =	vst v63  }
0x7b: {  	_ =	swait.ge [sflag:s25], $0x4000  }
0x7c: {  	[sflag:s25] =	ssyncset.done $0x0  }
0x7d: {  	[sflag:s25] =	ssyncadd.s32 $0xFFFFC000  }
0x7e: {  	[spmem:s1] =	stream.indirect.scatter.add.f32 [tilespmem:s18], [sflag:$0x3], $0x80, s14, s22, $0xb8;
	[tilespmem:$0x1C480] =	vst v63  }
0x7f: {  	_ =	swait.ge [sflag:s26], $0x4000  }
0x80: {  	[sflag:s26] =	ssyncset.done $0x0  }
0x81: {  	[sflag:s26] =	ssyncadd.s32 $0xFFFFC000  }
0x82: {  	[tilespmem:s18], [sflag:$0x1] =	stream.indirect.gather [hbm4b:s4+s22], $0x80, s15, s22, $0xb8;
	[tilespmem:$0x1C480] =	vst v63  }
0x83: {  	_ =	swait.ge [sflag:s29], $0x4000  }
0x84: {  	[sflag:s29] =	ssyncset.done $0x0  }
0x85: {  	[sflag:s29] =	ssyncadd.s32 $0xFFFFC000  }
0x86: {  	[spmem:s1] =	stream.indirect.scatter.add.f32 [tilespmem:s24], [sflag:$0x4], $0x80, s16, s22, $0xb8;
	[tilespmem:$0x1C480] =	vst v63  }
0x87: {  	_ =	swait.ge [sflag:s31], $0x4000  }
0x88: {  	[sflag:s31] =	ssyncset.done $0x0  }
0x89: {  	[sflag:s31] =	ssyncadd.s32 $0xFFFFC000  }
0x8a: {  	[tilespmem:s24], [sflag:$0x2] =	stream.indirect.gather [hbm4b:s4+s22], $0x80, s17, s22, $0xb8;
	[tilespmem:$0x1C480] =	vst v63  }
0x8b: {  	_ =	swait.ge [sflag:s25], $0x4000  }
0x8c: {  	[sflag:s25] =	ssyncset.done $0x0  }
0x8d: {  	[sflag:s25] =	ssyncadd.s32 $0xFFFFC000  }
0x8e: {  	[spmem:s1] =	stream.indirect.scatter.add.f32 [tilespmem:s18], [sflag:$0x3], $0x80, s5, s22, $0xb8;
	[tilespmem:$0x1C480] =	vst v63  }
0x8f: {  	_ =	swait.ge [sflag:s29], $0x4000  }
0x90: {  	[sflag:s29] =	ssyncset.done $0x0  }
0x91: {  	[sflag:s29] =	ssyncadd.s32 $0xFFFFC000  }
0x92: {  	[spmem:s1] =	stream.indirect.scatter.add.f32 [tilespmem:s24], [sflag:$0x4], $0x80, s6, s22, $0xb8;
	[tilespmem:$0x1C480] =	vst v63  }
0x93: {  	_ =	swait.ge [sflag:s26], $0x4000  }
0x94: {  	[sflag:s26] =	ssyncset.done $0x0  }
0x95: {  	[sflag:s26] =	ssyncadd.s32 $0xFFFFC000  }
0x96: {  	_ =	swait.ge [sflag:s31], $0x4000  }
0x97: {  	s8 =	simm.s32 $0x80;
	[sflag:s31] =	ssyncset.done $0x0  }
.LBB2_4:
0x98: {  	s9 =	rddreg [dreg:$0x5];
	s10 =	smov.u32 s8  }
0x99: {  	[sflag:s31] =	ssyncadd.s32 $0xFFFFC000;
	s9 =	sadd.s32 s10, s9  }
0x9a: {  	[tilespmem:s20], [sflag:$0x5] =	stream.linear.gather [hbm4b:s9+s3], $0x400, $0x38;
	[tilespmem:$0x1C480] =	vst v63  }
0x9b: {  	_ =	swait.ge [sflag:s19], $0x400  }
0x9c: {  	s7 =	rddreg [dreg:$0x4];
	[sflag:s19] =	ssyncset.done $0x0  }
0x9d: {  	[sflag:s19] =	ssyncadd.s32 $0xFFFFFC00;
	s9 =	sadd.s32 s10, s7  }
0x9e: {  	[tilespmem:s21], [sflag:$0x5] =	stream.linear.gather [hbm4b:s9+s3], $0x400, $0x38;
	[tilespmem:$0x1C480] =	vst v63  }
0x9f: {  	_ =	swait.ge [sflag:s19], $0x400  }
0xa0: {  	[sflag:s19] =	ssyncset.done $0x0  }
0xa1: {  	[sflag:s19] =	ssyncadd.s32 $0xFFFFFC00  }
0xa2: {  	[tilespmem:s18], [sflag:$0x1] =	stream.indirect.gather [hbm4b:s4+s22], $0x80, s20, s22, $0xb8;
	[tilespmem:$0x1C480] =	vst v63  }
0xa3: {  	_ = 	snop  }
0xa4: {  	[tilespmem:s24], [sflag:$0x2] =	stream.indirect.gather [hbm4b:s4+s22], $0x80, s23, s22, $0xb8;
	[tilespmem:$0x1C480] =	vst v63  }
0xa5: {  	_ =	swait.ge [sflag:s25], $0x4000  }
0xa6: {  	[sflag:s25] =	ssyncset.done $0x0  }
0xa7: {  	[sflag:s25] =	ssyncadd.s32 $0xFFFFC000  }
0xa8: {  	[spmem:s1] =	stream.indirect.scatter.add.f32 [tilespmem:s18], [sflag:$0x3], $0x80, s21, s22, $0xb8;
	[tilespmem:$0x1C480] =	vst v63  }
0xa9: {  	_ =	swait.ge [sflag:s26], $0x4000  }
0xaa: {  	[sflag:s26] =	ssyncset.done $0x0  }
0xab: {  	[sflag:s26] =	ssyncadd.s32 $0xFFFFC000  }
0xac: {  	[tilespmem:s18], [sflag:$0x1] =	stream.indirect.gather [hbm4b:s4+s22], $0x80, s28, s22, $0xb8;
	[tilespmem:$0x1C480] =	vst v63  }
0xad: {  	_ =	swait.ge [sflag:s29], $0x4000  }
0xae: {  	[sflag:s29] =	ssyncset.done $0x0  }
0xaf: {  	[sflag:s29] =	ssyncadd.s32 $0xFFFFC000  }
0xb0: {  	[spmem:s1] =	stream.indirect.scatter.add.f32 [tilespmem:s24], [sflag:$0x4], $0x80, s30, s22, $0xb8;
	[tilespmem:$0x1C480] =	vst v63  }
0xb1: {  	_ =	swait.ge [sflag:s31], $0x4000  }
0xb2: {  	[sflag:s31] =	ssyncset.done $0x0  }
0xb3: {  	[sflag:s31] =	ssyncadd.s32 $0xFFFFC000  }
0xb4: {  	[tilespmem:s24], [sflag:$0x2] =	stream.indirect.gather [hbm4b:s4+s22], $0x80, s0, s22, $0xb8;
	[tilespmem:$0x1C480] =	vst v63  }
0xb5: {  	_ =	swait.ge [sflag:s25], $0x4000  }
0xb6: {  	[sflag:s25] =	ssyncset.done $0x0  }
0xb7: {  	[sflag:s25] =	ssyncadd.s32 $0xFFFFC000  }
0xb8: {  	[spmem:s1] =	stream.indirect.scatter.add.f32 [tilespmem:s18], [sflag:$0x3], $0x80, s2, s22, $0xb8;
	[tilespmem:$0x1C480] =	vst v63  }
0xb9: {  	_ =	swait.ge [sflag:s26], $0x4000  }
0xba: {  	[sflag:s26] =	ssyncset.done $0x0  }
0xbb: {  	[sflag:s26] =	ssyncadd.s32 $0xFFFFC000  }
0xbc: {  	[tilespmem:s18], [sflag:$0x1] =	stream.indirect.gather [hbm4b:s4+s22], $0x80, s11, s22, $0xb8;
	[tilespmem:$0x1C480] =	vst v63  }
0xbd: {  	_ =	swait.ge [sflag:s29], $0x4000  }
0xbe: {  	[sflag:s29] =	ssyncset.done $0x0  }
0xbf: {  	[sflag:s29] =	ssyncadd.s32 $0xFFFFC000  }
0xc0: {  	[spmem:s1] =	stream.indirect.scatter.add.f32 [tilespmem:s24], [sflag:$0x4], $0x80, s12, s22, $0xb8;
	[tilespmem:$0x1C480] =	vst v63  }
0xc1: {  	_ =	swait.ge [sflag:s31], $0x4000  }
0xc2: {  	[sflag:s31] =	ssyncset.done $0x0  }
0xc3: {  	[sflag:s31] =	ssyncadd.s32 $0xFFFFC000  }
0xc4: {  	[tilespmem:s24], [sflag:$0x2] =	stream.indirect.gather [hbm4b:s4+s22], $0x80, s13, s22, $0xb8;
	[tilespmem:$0x1C480] =	vst v63  }
0xc5: {  	_ =	swait.ge [sflag:s25], $0x4000  }
0xc6: {  	[sflag:s25] =	ssyncset.done $0x0  }
0xc7: {  	[sflag:s25] =	ssyncadd.s32 $0xFFFFC000  }
0xc8: {  	[spmem:s1] =	stream.indirect.scatter.add.f32 [tilespmem:s18], [sflag:$0x3], $0x80, s14, s22, $0xb8;
	[tilespmem:$0x1C480] =	vst v63  }
0xc9: {  	_ =	swait.ge [sflag:s26], $0x4000  }
0xca: {  	[sflag:s26] =	ssyncset.done $0x0  }
0xcb: {  	[sflag:s26] =	ssyncadd.s32 $0xFFFFC000  }
0xcc: {  	[tilespmem:s18], [sflag:$0x1] =	stream.indirect.gather [hbm4b:s4+s22], $0x80, s15, s22, $0xb8;
	[tilespmem:$0x1C480] =	vst v63  }
0xcd: {  	_ =	swait.ge [sflag:s29], $0x4000  }
0xce: {  	[sflag:s29] =	ssyncset.done $0x0  }
0xcf: {  	[sflag:s29] =	ssyncadd.s32 $0xFFFFC000  }
0xd0: {  	[spmem:s1] =	stream.indirect.scatter.add.f32 [tilespmem:s24], [sflag:$0x4], $0x80, s16, s22, $0xb8;
	[tilespmem:$0x1C480] =	vst v63  }
0xd1: {  	_ =	swait.ge [sflag:s31], $0x4000  }
0xd2: {  	[sflag:s31] =	ssyncset.done $0x0  }
0xd3: {  	[sflag:s31] =	ssyncadd.s32 $0xFFFFC000  }
0xd4: {  	[tilespmem:s24], [sflag:$0x2] =	stream.indirect.gather [hbm4b:s4+s22], $0x80, s17, s22, $0xb8;
	[tilespmem:$0x1C480] =	vst v63  }
0xd5: {  	_ =	swait.ge [sflag:s25], $0x4000  }
0xd6: {  	[sflag:s25] =	ssyncset.done $0x0  }
0xd7: {  	[sflag:s25] =	ssyncadd.s32 $0xFFFFC000  }
0xd8: {  	[spmem:s1] =	stream.indirect.scatter.add.f32 [tilespmem:s18], [sflag:$0x3], $0x80, s5, s22, $0xb8;
	[tilespmem:$0x1C480] =	vst v63  }
0xd9: {  	_ =	swait.ge [sflag:s29], $0x4000  }
0xda: {  	[sflag:s29] =	ssyncset.done $0x0  }
0xdb: {  	p1 =	sne.s32 s8, $0x480;
	[sflag:s29] =	ssyncadd.s32 $0xFFFFC000  }
0xdc: {  	[spmem:s1] =	stream.indirect.scatter.add.f32 [tilespmem:s24], [sflag:$0x4], $0x80, s6, s22, $0xb8;
	[tilespmem:$0x1C480] =	vst v63  }
.Ltmp1:
0xdd: {  	_ =	swait.ge [sflag:s26], $0x4000;
	(pc) =	sbr.rel @p1 .LBB2_4-.Ltmp1, $4  }
0xde: {  	[sflag:s26] =	ssyncset.done $0x0  }
0xdf: {  	[sflag:s26] =	ssyncadd.s32 $0xFFFFC000  }
0xe0: {  	_ =	swait.ge [sflag:s31], $0x4000  }
0xe1: {  	s8 =	sadd.s32 $0x80, s8;
	[sflag:s31] =	ssyncset.done $0x0  }
0xe2: {  	[sflag:s31] =	ssyncadd.s32 $0xFFFFC000  }
0xe3: {  	s8 =	stileid.u32;
	[bflag:$0x0] =	sbarrier.arrive $0xFFFF  }
0xe4: {  	s8 =	sshll.u32 s8, $0x6;
	s10 =	rddreg [dreg:$0x6]  }
0xe5: {  	s8 =	sor.u32 $0x1C05, s8;
	s7 =	rddreg [dreg:$0xc];
	s9 =	sshrl.u32 s10, $0x3  }
0xe6: {  	[hbm:s7], [sflag:s8] =	dma.local [spmem:s9], $0x800  }
0xe7: {  	_ =	swait.ge [sflag:s19], $0x800  }
0xe8: {  	[sflag:s19] =	ssyncset.done $0x0;
	s7 =	rddreg [dreg:$0x7]  }
0xe9: {  	[sflag:s19] =	ssyncadd.s32 $0xFFFFF800;
	s9 =	sshrl.u32 s7, $0x3;
	s7 =	rddreg [dreg:$0xd]  }
0xea: {  	[hbm:s7], [sflag:s8] =	dma.local [spmem:s9], $0x800  }
0xeb: {  	_ =	swait.ge [sflag:s19], $0x800  }
0xec: {  	[sflag:s19] =	ssyncset.done $0x0;
	s7 =	rddreg [dreg:$0x8]  }
0xed: {  	[sflag:s19] =	ssyncadd.s32 $0xFFFFF800;
	s9 =	sshrl.u32 s7, $0x3;
	s7 =	rddreg [dreg:$0xe]  }
0xee: {  	[hbm:s7], [sflag:s8] =	dma.local [spmem:s9], $0x800  }
0xef: {  	_ =	swait.ge [sflag:s19], $0x800  }
0xf0: {  	[sflag:s19] =	ssyncset.done $0x0;
	s7 =	rddreg [dreg:$0x9]  }
0xf1: {  	[sflag:s19] =	ssyncadd.s32 $0xFFFFF800;
	s9 =	sshrl.u32 s7, $0x3;
	s7 =	rddreg [dreg:$0xf]  }
0xf2: {  	[hbm:s7], [sflag:s8] =	dma.local [spmem:s9], $0x800  }
0xf3: {  	_ =	swait.ge [sflag:s19], $0x800  }
0xf4: {  	[sflag:s19] =	ssyncset.done $0x0;
	s7 =	rddreg [dreg:$0xa]  }
0xf5: {  	[sflag:s19] =	ssyncadd.s32 $0xFFFFF800;
	s9 =	sshrl.u32 s7, $0x3;
	s7 =	rddreg [dreg:$0x10]  }
0xf6: {  	[hbm:s7], [sflag:s8] =	dma.local [spmem:s9], $0x700  }
0xf7: {  	_ =	swait.ge [sflag:s19], $0x700  }
0xf8: {  	[sflag:s19] =	ssyncset.done $0x0;
	s9 =	rddreg [dreg:$0xb]  }
0xf9: {  	s7 =	rddreg [dreg:$0x11];
	[sflag:s19] =	ssyncadd.s32 $0xFFFFF900;
	s9 =	sshrl.u32 @!p0 s9, $0x3  }
0xfa: {  	[hbm:s7], [sflag:s8] =	dma.local @!p0 [spmem:s9], $0x100  }
0xfb: {  	s8 =	simm.s32 @!p0 $0x5  }
0xfc: {  	_ =	swait.ge @!p0 [sflag:s8], $0x100  }
0xfd: {  	s7 =	rddreg [dreg:$0x13]  }
0xfe: {  	s9 =	sadd.s32 $0x1, s7;
	s7 =	rddreg [dreg:$0x12]  }
0xff: {  	p1 =	sne.s32 s9, s7  }
.Ltmp2:
0x100: {  	_ = 	snop;
	(pc) =	sbr.rel @p1 .LBB2_1-.Ltmp2, $3  }
0x101: {  	_ =	sdelay $0x1  }
0x102: {  	[sflag:s8] =	ssyncset.done @!p0 $0x0  }
0x103: {  	[sflag:s8] =	ssyncadd.s32 @!p0 $0xFFFFFF00  }
0x104: {  	_ =	sfence.sel $0x180000  }
0x105: {  	[bflag:$0x0] =	sbarrier.arrive $0xFFFF  }
0x106: {  	_ =	strace $0x90000047  }
0x107: {  	s0 =	stileid.u32;
	[bflag:$0x2] =	sbarrier.arrive $0xFFFF  }
0x108: {  	p0 =	sne.s32 s0, $0x0;
	s0 =	rddreg [dreg:$0x3]  }
0x109: {  	s0 =	sadd.s32 @!p0 $0x100000, s0  }
0x10a: {  	[sflag:s0] =	ssyncadd.tile.s32 @!p0 $0x1;
	_ =	shalt  }
.Lfunc_end2:
_tile_overlayer_lowered:
.L_overlay_start_2:
0x10b: {  	(tag) =	ssettag $0x2  }
0x10c: {  	s0 =	rddreg [dreg:$0x0];
	s2 =	stileid.u32  }
0x10d: {  	s1 =	rddreg [dreg:$0x1];
	p0 =	sne.s32 s2, $0x0  }
0x10e: {  	s3 =	rddreg [dreg:$0x2];
	[bflag:$0x3] =	sbarrier.arrive $0xFFFF;
	s2 =	simm.s32 @!p0 $0x1C05  }
0x10f: {  	[timem:s3], [sflag:s2] =	dma.local @!p0 [hbm:s0], s1  }
0x110: {  	s0 =	simm.s32 @!p0 $0x5  }
0x111: {  	_ =	swait.ge @!p0 [sflag:s0], s1  }
0x112: {  	s1 =	ssub.s32 @!p0 $0x0, s1;
	[sflag:s0] =	ssyncset.done @!p0 $0x0  }
0x113: {  	[sflag:s0] =	ssyncadd.s32 @!p0 s1  }
0x114: {  	[bflag:$0x3] =	sbarrier.arrive $0xFFFF  }
0x115: {  	_ =	shalt  }

</sc_bundles>
